<compile_context>
chip_gen: v7x
topology: tpu7x:2x2x1
jax: 0.10.2.dev20260603
libtpu: 0.0.44.dev20260713+nightly
codegen_flags: <defaults>
</compile_context>

<pallas_src>
import functools

import jax
import jax.numpy as jnp
from jax import lax
from jax.experimental import pallas as pl
from jax.experimental.pallas import tpu as pltpu
from jax.experimental.pallas import tpu_sc as plsc

B = 16384
D = 128
N_GENRE = 18
DENSE_IN = 768

NC = 2
NS = 16
NW = NC * NS
BPW = B // NW
CHUNK = 128
NCHUNK = BPW // CHUNK

CB = 1024
NCK = B // CB
NBUF = 6


def _sc_gather(id_idx2d, id_table):
    mesh = plsc.VectorSubcoreMesh(
        core_axis_name="c", subcore_axis_name="s", num_cores=NC, num_subcores=NS
    )

    @functools.partial(
        pl.kernel,
        out_type=jax.ShapeDtypeStruct((B, 4 * D), jnp.float32),
        mesh=mesh,
        scratch_types=[
            pltpu.VMEM((NCHUNK, CHUNK), jnp.int32),
            pltpu.VMEM((NCHUNK, CHUNK, D), jnp.float32),
            pltpu.SemaphoreType.DMA,
            pltpu.SemaphoreType.DMA,
        ],
    )
    def body(id_hbm, idtab_hbm, out, idx_id, rows, gsem, wsem):
        wid = lax.axis_index("s") * NC + lax.axis_index("c")
        base = wid * BPW
        row_base = wid * NCHUNK

        pltpu.sync_copy(id_hbm.at[pl.ds(row_base, NCHUNK)], idx_id)

        def g_copy(j):
            return pltpu.make_async_copy(
                idtab_hbm.at[idx_id.at[j]], rows.at[j], gsem
            )

        def w_copy(j):
            return pltpu.make_async_copy(
                rows.at[j],
                out.at[pl.ds(base + j * CHUNK, CHUNK), pl.ds(0, D)], wsem,
            )

        for j in range(NCHUNK):
            g_copy(j).start()
        for j in range(NCHUNK):
            g_copy(j).wait()
            w_copy(j).start()
        for j in range(NCHUNK):
            w_copy(j).wait()

    return body(id_idx2d, id_table)


def _tc_body(alias_hbm, date_ref, g_ref, t_hbm, dtab_ref, gm_ref,
             w_ref, b_ref, out_hbm, tbuf, obuf, rsem, wsem):
    def t_read(c):
        s = c % NBUF
        return pltpu.make_async_copy(
            t_hbm.at[pl.ds(c * CB, CB)], tbuf.at[s], rsem.at[s]
        )

    def o_write(c):
        s = c % NBUF
        return pltpu.make_async_copy(
            obuf.at[s], out_hbm.at[pl.ds(c * CB, CB), pl.ds(D, 3 * D)],
            wsem.at[s],
        )

    for c in range(NBUF):
        t_read(c).start()

    lanes = lax.broadcasted_iota(jnp.int32, (CB, D), 1)
    for c in range(NCK):
        s = c % NBUF
        t_read(c).wait()
        if c >= NBUF:
            o_write(c - NBUF).wait()

        ob = obuf.at[s]
        date_blk = date_ref[pl.ds(c * CB, CB), :]
        one_hot = (date_blk == lanes).astype(jnp.float32)
        ob[:, 0:D] = jnp.dot(
            one_hot, dtab_ref[...], preferred_element_type=jnp.float32,
            precision=lax.Precision.HIGHEST,
        )
        g_blk = g_ref[pl.ds(c * CB, CB), :]
        ob[:, D:2 * D] = jnp.dot(
            g_blk, gm_ref[...], preferred_element_type=jnp.float32
        )
        ob[:, 2 * D:3 * D] = (
            jnp.dot(tbuf[s], w_ref[...], preferred_element_type=jnp.float32)
            + b_ref[...]
        )

        o_write(c).start()
        nxt = c + NBUF
        if nxt < NCK:
            t_read(nxt).start()

    for c in range(NCK - NBUF, NCK):
        o_write(c).wait()


def kernel(id, date, genres, title_embedding, id_table, date_table,
           genre_embedding_matrix, W_dense, b_dense):
    id2d = id.astype(jnp.int32).reshape(NW * NCHUNK, CHUNK)

    sc_out = _sc_gather(id2d, id_table)

    dtab_pad = jnp.zeros((D, D), jnp.float32).at[:100, :].set(date_table)

    out = pl.pallas_call(
        _tc_body,
        in_specs=[
            pl.BlockSpec(memory_space=pl.ANY),
            pl.BlockSpec(memory_space=pltpu.VMEM),
            pl.BlockSpec(memory_space=pltpu.VMEM),
            pl.BlockSpec(memory_space=pl.ANY),
            pl.BlockSpec(memory_space=pltpu.VMEM),
            pl.BlockSpec(memory_space=pltpu.VMEM),
            pl.BlockSpec(memory_space=pltpu.VMEM),
            pl.BlockSpec(memory_space=pltpu.VMEM),
        ],
        out_specs=pl.BlockSpec(memory_space=pl.ANY),
        out_shape=jax.ShapeDtypeStruct((B, 4 * D), jnp.float32),
        input_output_aliases={0: 0},
        scratch_shapes=[
            pltpu.VMEM((NBUF, CB, DENSE_IN), jnp.float32),
            pltpu.VMEM((NBUF, CB, 3 * D), jnp.float32),
            pltpu.SemaphoreType.DMA((NBUF,)),
            pltpu.SemaphoreType.DMA((NBUF,)),
        ],
    )(sc_out, date.astype(jnp.int32).reshape(B, 1), genres, title_embedding,
      dtab_pad, genre_embedding_matrix, W_dense, b_dense.reshape(1, D))
    return out

# --- scband reference (transcript-rebuilt; emitter-appended) ---
"""Pipeline reference for scband-ml1m-item-model-67654324847220 (READ-ONLY COPY).

The authoritative reference and input builder live on the scoring server;
editing this copy changes nothing except your own understanding.
"""

import jax, jax.numpy as jnp
import numpy as np

B = 16384
N_ID = 100000
N_DATE = 100
N_GENRE = 18
D = 128
DENSE_IN = 768


def setup_inputs(seed: int = 0) -> dict:
    key = jax.random.key(seed)
    ks = jax.random.split(key, 9)
    id_idx = jax.random.randint(ks[0], (B,), 0, N_ID)
    date_idx = jax.random.randint(ks[1], (B,), 0, N_DATE)
    genres = jax.random.uniform(ks[2], (B, N_GENRE), dtype=jnp.float32)
    title_embedding = jax.random.normal(ks[3], (B, DENSE_IN), dtype=jnp.float32)
    id_table = jax.random.normal(ks[4], (N_ID, D), dtype=jnp.float32)
    date_table = jax.random.normal(ks[5], (N_DATE, D), dtype=jnp.float32)
    # xavier_normal init for genre matrix
    std = float(np.sqrt(2.0 / (N_GENRE + D)))
    genre_embedding_matrix = jax.random.normal(ks[6], (N_GENRE, D), dtype=jnp.float32) * std
    bound = float(1.0 / np.sqrt(DENSE_IN))
    W_dense = jax.random.uniform(ks[7], (DENSE_IN, D), minval=-bound, maxval=bound, dtype=jnp.float32)
    b_dense = jax.random.uniform(ks[8], (D,), minval=-bound, maxval=bound, dtype=jnp.float32)
    return {
        'id': id_idx,
        'date': date_idx,
        'genres': genres,
        'title_embedding': title_embedding,
        'id_table': id_table,
        'date_table': date_table,
        'genre_embedding_matrix': genre_embedding_matrix,
        'W_dense': W_dense,
        'b_dense': b_dense,
    }


def reference(id, date, genres, title_embedding, id_table, date_table, genre_embedding_matrix, W_dense, b_dense):
    id_embeddings = jnp.take(id_table, id, axis=0)
    date_embeddings = jnp.take(date_table, date, axis=0)
    genre_embeddings = jnp.matmul(genres, genre_embedding_matrix)
    dense_embeddings = jnp.matmul(title_embedding, W_dense) + b_dense
    combined_rep = jnp.concatenate([id_embeddings, date_embeddings, genre_embeddings, dense_embeddings], axis=1)
    return combined_rep

if __name__ == "__main__":
    import jax
    _d = setup_inputs()
    print(jax.jit(kernel)(*tuple(_d.values())))

</pallas_src>

<mosaic_0001>
#map = affine_map<(d0, d1) -> (0, 0)>
module attributes {stable_mosaic.version = 14 : i64} {
  func.func @body(%arg0: i32, %arg1: i32, %arg2: memref<128x128xi32, #tpu.memory_space<hbm>>, %arg3: memref<100000x128xf32, #tpu.memory_space<hbm>>, %arg4: memref<16384x512xf32, #tpu.memory_space<hbm>>, %arg5: memref<4x128xi32, #tpu.memory_space<vmem>>, %arg6: memref<4x128x128xf32, #tpu.memory_space<vmem>>, %arg7: memref<!tpu.dma_semaphore, #tpu.memory_space<semaphore_mem>>, %arg8: memref<!tpu.dma_semaphore, #tpu.memory_space<semaphore_mem>>) attributes {dimension_semantics = [#tpu.dimension_semantics<core_parallel>, #tpu.dimension_semantics<subcore_parallel>], iteration_bounds = array<i64: 2, 16>, scalar_prefetch = 0 : i64, scratch_operands = 4 : i64, tpu.core_type = #tpu.core_type<sc_vector_subcore>, window_params = [{transform_indices = #map}, {transform_indices = #map}, {transform_indices = #map}]} {
    %mul3A = arith.constant 2 : i32
    %mul3A_0 = arith.muli %arg1, %mul3A : i32
    %add3A = arith.addi %mul3A_0, %arg0 : i32
    %mul3A_1 = arith.constant 512 : i32
    %mul3A_2 = arith.muli %add3A, %mul3A_1 : i32
    %mul3A_3 = arith.constant 4 : i32
    %mul3A_4 = arith.muli %add3A, %mul3A_3 : i32
    "tpu.region"() ({
      %run_scoped3A = tpu.sem_alloc : memref<!tpu.dma_semaphore, #tpu.memory_space<semaphore_mem>>
      %dma_start3A_219 = arith.constant 0 : i32
      %dma_start3A_220 = tpu.memref_slice %arg2[%mul3A_4, %dma_start3A_219] : memref<128x128xi32, #tpu.memory_space<hbm>> -> memref<4x128xi32, #tpu.memory_space<hbm>>
      %dma_start3A_221 = arith.constant 0 : i32
      %dma_start3A_222 = tpu.memref_slice %arg2[%mul3A_4, %dma_start3A_221] : memref<128x128xi32, #tpu.memory_space<hbm>> -> memref<4x128xi32, #tpu.memory_space<hbm>>
      tpu.enqueue_dma source(%dma_start3A_222 : memref<4x128xi32, #tpu.memory_space<hbm>>) target(%arg5 : memref<4x128xi32, #tpu.memory_space<vmem>>) target_semaphore(%run_scoped3A : memref<!tpu.dma_semaphore, #tpu.memory_space<semaphore_mem>>)
      %dma_wait3A_223 = arith.constant 0 : i32
      %dma_wait3A_224 = tpu.memref_slice %arg2[%mul3A_4, %dma_wait3A_223] : memref<128x128xi32, #tpu.memory_space<hbm>> -> memref<4x128xi32, #tpu.memory_space<hbm>>
      %dma_wait3A_225 = arith.constant 0 : i32
      %dma_wait3A_226 = tpu.memref_slice %arg2[%mul3A_4, %dma_wait3A_225] : memref<128x128xi32, #tpu.memory_space<hbm>> -> memref<4x128xi32, #tpu.memory_space<hbm>>
      tpu.wait_dma2 semaphore(%run_scoped3A : memref<!tpu.dma_semaphore, #tpu.memory_space<semaphore_mem>>) src(%dma_wait3A_226 : memref<4x128xi32, #tpu.memory_space<hbm>>) dst(%arg5 : memref<4x128xi32, #tpu.memory_space<vmem>>)
      tpu.yield
    }) : () -> ()
    %dma_start3A = arith.constant 0 : i32
    %dma_start3A_5 = arith.constant 0 : i32
    %dma_start3A_6 = arith.constant 0 : i32
    %dma_start3A_7 = arith.constant 0 : i32
    %dma_start3A_8 = tpu.memref_slice %arg6[%dma_start3A_5, %dma_start3A_6, %dma_start3A_7] : memref<4x128x128xf32, #tpu.memory_space<vmem>> -> memref<1x128x128xf32, #tpu.memory_space<vmem>>
    %dma_start3A_9 = tpu.memref_squeeze %dma_start3A_8 : memref<1x128x128xf32, #tpu.memory_space<vmem>> -> memref<128x128xf32, #tpu.memory_space<vmem>>
    %dma_start3A_10 = arith.constant 0 : i32
    %dma_start3A_11 = tpu.memref_slice %arg5[%dma_start3A, %dma_start3A_10] : memref<4x128xi32, #tpu.memory_space<vmem>> -> memref<1x128xi32, #tpu.memory_space<vmem>>
    %dma_start3A_12 = tpu.memref_squeeze %dma_start3A_11 : memref<1x128xi32, #tpu.memory_space<vmem>> -> memref<128xi32, #tpu.memory_space<vmem>>
    %dma_start3A_13 = arith.constant 0 : i32
    %dma_start3A_14 = arith.constant 0 : i32
    %dma_start3A_15 = tpu.memref_slice %arg3[%dma_start3A_13, %dma_start3A_14] : memref<100000x128xf32, #tpu.memory_space<hbm>> -> memref<100000x128xf32, #tpu.memory_space<hbm>>
    tpu.enqueue_indirect_dma source(%dma_start3A_15 : memref<100000x128xf32, #tpu.memory_space<hbm>>) target(%dma_start3A_9 : memref<128x128xf32, #tpu.memory_space<vmem>>) offsets(%dma_start3A_12 : memref<128xi32, #tpu.memory_space<vmem>>) semaphore(%arg7 : memref<!tpu.dma_semaphore, #tpu.memory_space<semaphore_mem>>)
    %dma_start3A_16 = arith.constant 1 : i32
    %dma_start3A_17 = arith.constant 1 : i32
    %dma_start3A_18 = arith.constant 0 : i32
    %dma_start3A_19 = arith.constant 0 : i32
    %dma_start3A_20 = tpu.memref_slice %arg6[%dma_start3A_17, %dma_start3A_18, %dma_start3A_19] : memref<4x128x128xf32, #tpu.memory_space<vmem>> -> memref<1x128x128xf32, #tpu.memory_space<vmem>>
    %dma_start3A_21 = tpu.memref_squeeze %dma_start3A_20 : memref<1x128x128xf32, #tpu.memory_space<vmem>> -> memref<128x128xf32, #tpu.memory_space<vmem>>
    %dma_start3A_22 = arith.constant 0 : i32
    %dma_start3A_23 = tpu.memref_slice %arg5[%dma_start3A_16, %dma_start3A_22] : memref<4x128xi32, #tpu.memory_space<vmem>> -> memref<1x128xi32, #tpu.memory_space<vmem>>
    %dma_start3A_24 = tpu.memref_squeeze %dma_start3A_23 : memref<1x128xi32, #tpu.memory_space<vmem>> -> memref<128xi32, #tpu.memory_space<vmem>>
    %dma_start3A_25 = arith.constant 0 : i32
    %dma_start3A_26 = arith.constant 0 : i32
    %dma_start3A_27 = tpu.memref_slice %arg3[%dma_start3A_25, %dma_start3A_26] : memref<100000x128xf32, #tpu.memory_space<hbm>> -> memref<100000x128xf32, #tpu.memory_space<hbm>>
    tpu.enqueue_indirect_dma source(%dma_start3A_27 : memref<100000x128xf32, #tpu.memory_space<hbm>>) target(%dma_start3A_21 : memref<128x128xf32, #tpu.memory_space<vmem>>) offsets(%dma_start3A_24 : memref<128xi32, #tpu.memory_space<vmem>>) semaphore(%arg7 : memref<!tpu.dma_semaphore, #tpu.memory_space<semaphore_mem>>)
    %dma_start3A_28 = arith.constant 2 : i32
    %dma_start3A_29 = arith.constant 2 : i32
    %dma_start3A_30 = arith.constant 0 : i32
    %dma_start3A_31 = arith.constant 0 : i32
    %dma_start3A_32 = tpu.memref_slice %arg6[%dma_start3A_29, %dma_start3A_30, %dma_start3A_31] : memref<4x128x128xf32, #tpu.memory_space<vmem>> -> memref<1x128x128xf32, #tpu.memory_space<vmem>>
    %dma_start3A_33 = tpu.memref_squeeze %dma_start3A_32 : memref<1x128x128xf32, #tpu.memory_space<vmem>> -> memref<128x128xf32, #tpu.memory_space<vmem>>
    %dma_start3A_34 = arith.constant 0 : i32
    %dma_start3A_35 = tpu.memref_slice %arg5[%dma_start3A_28, %dma_start3A_34] : memref<4x128xi32, #tpu.memory_space<vmem>> -> memref<1x128xi32, #tpu.memory_space<vmem>>
    %dma_start3A_36 = tpu.memref_squeeze %dma_start3A_35 : memref<1x128xi32, #tpu.memory_space<vmem>> -> memref<128xi32, #tpu.memory_space<vmem>>
    %dma_start3A_37 = arith.constant 0 : i32
    %dma_start3A_38 = arith.constant 0 : i32
    %dma_start3A_39 = tpu.memref_slice %arg3[%dma_start3A_37, %dma_start3A_38] : memref<100000x128xf32, #tpu.memory_space<hbm>> -> memref<100000x128xf32, #tpu.memory_space<hbm>>
    tpu.enqueue_indirect_dma source(%dma_start3A_39 : memref<100000x128xf32, #tpu.memory_space<hbm>>) target(%dma_start3A_33 : memref<128x128xf32, #tpu.memory_space<vmem>>) offsets(%dma_start3A_36 : memref<128xi32, #tpu.memory_space<vmem>>) semaphore(%arg7 : memref<!tpu.dma_semaphore, #tpu.memory_space<semaphore_mem>>)
    %dma_start3A_40 = arith.constant 3 : i32
    %dma_start3A_41 = arith.constant 3 : i32
    %dma_start3A_42 = arith.constant 0 : i32
    %dma_start3A_43 = arith.constant 0 : i32
    %dma_start3A_44 = tpu.memref_slice %arg6[%dma_start3A_41, %dma_start3A_42, %dma_start3A_43] : memref<4x128x128xf32, #tpu.memory_space<vmem>> -> memref<1x128x128xf32, #tpu.memory_space<vmem>>
    %dma_start3A_45 = tpu.memref_squeeze %dma_start3A_44 : memref<1x128x128xf32, #tpu.memory_space<vmem>> -> memref<128x128xf32, #tpu.memory_space<vmem>>
    %dma_start3A_46 = arith.constant 0 : i32
    %dma_start3A_47 = tpu.memref_slice %arg5[%dma_start3A_40, %dma_start3A_46] : memref<4x128xi32, #tpu.memory_space<vmem>> -> memref<1x128xi32, #tpu.memory_space<vmem>>
    %dma_start3A_48 = tpu.memref_squeeze %dma_start3A_47 : memref<1x128xi32, #tpu.memory_space<vmem>> -> memref<128xi32, #tpu.memory_space<vmem>>
    %dma_start3A_49 = arith.constant 0 : i32
    %dma_start3A_50 = arith.constant 0 : i32
    %dma_start3A_51 = tpu.memref_slice %arg3[%dma_start3A_49, %dma_start3A_50] : memref<100000x128xf32, #tpu.memory_space<hbm>> -> memref<100000x128xf32, #tpu.memory_space<hbm>>
    tpu.enqueue_indirect_dma source(%dma_start3A_51 : memref<100000x128xf32, #tpu.memory_space<hbm>>) target(%dma_start3A_45 : memref<128x128xf32, #tpu.memory_space<vmem>>) offsets(%dma_start3A_48 : memref<128xi32, #tpu.memory_space<vmem>>) semaphore(%arg7 : memref<!tpu.dma_semaphore, #tpu.memory_space<semaphore_mem>>)
    %dma_wait3A = arith.constant 0 : i32
    %dma_wait3A_52 = arith.constant 0 : i32
    %dma_wait3A_53 = arith.constant 0 : i32
    %dma_wait3A_54 = arith.constant 0 : i32
    %dma_wait3A_55 = tpu.memref_slice %arg6[%dma_wait3A_52, %dma_wait3A_53, %dma_wait3A_54] : memref<4x128x128xf32, #tpu.memory_space<vmem>> -> memref<1x128x128xf32, #tpu.memory_space<vmem>>
    %dma_wait3A_56 = tpu.memref_squeeze %dma_wait3A_55 : memref<1x128x128xf32, #tpu.memory_space<vmem>> -> memref<128x128xf32, #tpu.memory_space<vmem>>
    %dma_wait3A_57 = arith.constant 0 : i32
    %dma_wait3A_58 = tpu.memref_slice %arg5[%dma_wait3A, %dma_wait3A_57] : memref<4x128xi32, #tpu.memory_space<vmem>> -> memref<1x128xi32, #tpu.memory_space<vmem>>
    %dma_wait3A_59 = tpu.memref_squeeze %dma_wait3A_58 : memref<1x128xi32, #tpu.memory_space<vmem>> -> memref<128xi32, #tpu.memory_space<vmem>>
    %dma_wait3A_60 = arith.constant 0 : i32
    %dma_wait3A_61 = arith.constant 0 : i32
    %dma_wait3A_62 = tpu.memref_slice %arg3[%dma_wait3A_60, %dma_wait3A_61] : memref<100000x128xf32, #tpu.memory_space<hbm>> -> memref<100000x128xf32, #tpu.memory_space<hbm>>
    tpu.wait_indirect_dma semaphore(%arg7 : memref<!tpu.dma_semaphore, #tpu.memory_space<semaphore_mem>>) src(%dma_wait3A_62 : memref<100000x128xf32, #tpu.memory_space<hbm>>) dst(%dma_wait3A_56 : memref<128x128xf32, #tpu.memory_space<vmem>>)
    %add3A_63 = arith.constant 0 : i32
    %add3A_64 = arith.addi %mul3A_2, %add3A_63 : i32
    %dma_start3A_65 = arith.constant 0 : i32
    %dma_start3A_66 = arith.constant 0 : i32
    %dma_start3A_67 = arith.constant 0 : i32
    %dma_start3A_68 = tpu.memref_slice %arg6[%dma_start3A_65, %dma_start3A_66, %dma_start3A_67] : memref<4x128x128xf32, #tpu.memory_space<vmem>> -> memref<1x128x128xf32, #tpu.memory_space<vmem>>
    %dma_start3A_69 = tpu.memref_squeeze %dma_start3A_68 : memref<1x128x128xf32, #tpu.memory_space<vmem>> -> memref<128x128xf32, #tpu.memory_space<vmem>>
    %dma_start3A_70 = arith.constant 0 : i32
    %dma_start3A_71 = tpu.memref_slice %arg4[%add3A_64, %dma_start3A_70] : memref<16384x512xf32, #tpu.memory_space<hbm>> -> memref<128x128xf32, #tpu.memory_space<hbm>>
    %dma_start3A_72 = arith.constant 0 : i32
    %dma_start3A_73 = tpu.memref_slice %arg4[%add3A_64, %dma_start3A_72] : memref<16384x512xf32, #tpu.memory_space<hbm>> -> memref<128x128xf32, #tpu.memory_space<hbm>>
    %dma_start3A_74 = arith.constant 0 : i32
    %dma_start3A_75 = arith.constant 0 : i32
    %dma_start3A_76 = tpu.memref_slice %arg6[%dma_start3A_65, %dma_start3A_74, %dma_start3A_75] : memref<4x128x128xf32, #tpu.memory_space<vmem>> -> memref<1x128x128xf32, #tpu.memory_space<vmem>>
    %dma_start3A_77 = tpu.memref_squeeze %dma_start3A_76 : memref<1x128x128xf32, #tpu.memory_space<vmem>> -> memref<128x128xf32, #tpu.memory_space<vmem>>
    tpu.enqueue_dma source(%dma_start3A_77 : memref<128x128xf32, #tpu.memory_space<vmem>>) target(%dma_start3A_73 : memref<128x128xf32, #tpu.memory_space<hbm>>) target_semaphore(%arg8 : memref<!tpu.dma_semaphore, #tpu.memory_space<semaphore_mem>>)
    %dma_wait3A_78 = arith.constant 1 : i32
    %dma_wait3A_79 = arith.constant 1 : i32
    %dma_wait3A_80 = arith.constant 0 : i32
    %dma_wait3A_81 = arith.constant 0 : i32
    %dma_wait3A_82 = tpu.memref_slice %arg6[%dma_wait3A_79, %dma_wait3A_80, %dma_wait3A_81] : memref<4x128x128xf32, #tpu.memory_space<vmem>> -> memref<1x128x128xf32, #tpu.memory_space<vmem>>
    %dma_wait3A_83 = tpu.memref_squeeze %dma_wait3A_82 : memref<1x128x128xf32, #tpu.memory_space<vmem>> -> memref<128x128xf32, #tpu.memory_space<vmem>>
    %dma_wait3A_84 = arith.constant 0 : i32
    %dma_wait3A_85 = tpu.memref_slice %arg5[%dma_wait3A_78, %dma_wait3A_84] : memref<4x128xi32, #tpu.memory_space<vmem>> -> memref<1x128xi32, #tpu.memory_space<vmem>>
    %dma_wait3A_86 = tpu.memref_squeeze %dma_wait3A_85 : memref<1x128xi32, #tpu.memory_space<vmem>> -> memref<128xi32, #tpu.memory_space<vmem>>
    %dma_wait3A_87 = arith.constant 0 : i32
    %dma_wait3A_88 = arith.constant 0 : i32
    %dma_wait3A_89 = tpu.memref_slice %arg3[%dma_wait3A_87, %dma_wait3A_88] : memref<100000x128xf32, #tpu.memory_space<hbm>> -> memref<100000x128xf32, #tpu.memory_space<hbm>>
    tpu.wait_indirect_dma semaphore(%arg7 : memref<!tpu.dma_semaphore, #tpu.memory_space<semaphore_mem>>) src(%dma_wait3A_89 : memref<100000x128xf32, #tpu.memory_space<hbm>>) dst(%dma_wait3A_83 : memref<128x128xf32, #tpu.memory_space<vmem>>)
    %add3A_90 = arith.constant 128 : i32
    %add3A_91 = arith.addi %mul3A_2, %add3A_90 : i32
    %dma_start3A_92 = arith.constant 1 : i32
    %dma_start3A_93 = arith.constant 0 : i32
    %dma_start3A_94 = arith.constant 0 : i32
    %dma_start3A_95 = tpu.memref_slice %arg6[%dma_start3A_92, %dma_start3A_93, %dma_start3A_94] : memref<4x128x128xf32, #tpu.memory_space<vmem>> -> memref<1x128x128xf32, #tpu.memory_space<vmem>>
    %dma_start3A_96 = tpu.memref_squeeze %dma_start3A_95 : memref<1x128x128xf32, #tpu.memory_space<vmem>> -> memref<128x128xf32, #tpu.memory_space<vmem>>
    %dma_start3A_97 = arith.constant 0 : i32
    %dma_start3A_98 = tpu.memref_slice %arg4[%add3A_91, %dma_start3A_97] : memref<16384x512xf32, #tpu.memory_space<hbm>> -> memref<128x128xf32, #tpu.memory_space<hbm>>
    %dma_start3A_99 = arith.constant 0 : i32
    %dma_start3A_100 = tpu.memref_slice %arg4[%add3A_91, %dma_start3A_99] : memref<16384x512xf32, #tpu.memory_space<hbm>> -> memref<128x128xf32, #tpu.memory_space<hbm>>
    %dma_start3A_101 = arith.constant 0 : i32
    %dma_start3A_102 = arith.constant 0 : i32
    %dma_start3A_103 = tpu.memref_slice %arg6[%dma_start3A_92, %dma_start3A_101, %dma_start3A_102] : memref<4x128x128xf32, #tpu.memory_space<vmem>> -> memref<1x128x128xf32, #tpu.memory_space<vmem>>
    %dma_start3A_104 = tpu.memref_squeeze %dma_start3A_103 : memref<1x128x128xf32, #tpu.memory_space<vmem>> -> memref<128x128xf32, #tpu.memory_space<vmem>>
    tpu.enqueue_dma source(%dma_start3A_104 : memref<128x128xf32, #tpu.memory_space<vmem>>) target(%dma_start3A_100 : memref<128x128xf32, #tpu.memory_space<hbm>>) target_semaphore(%arg8 : memref<!tpu.dma_semaphore, #tpu.memory_space<semaphore_mem>>)
    %dma_wait3A_105 = arith.constant 2 : i32
    %dma_wait3A_106 = arith.constant 2 : i32
    %dma_wait3A_107 = arith.constant 0 : i32
    %dma_wait3A_108 = arith.constant 0 : i32
    %dma_wait3A_109 = tpu.memref_slice %arg6[%dma_wait3A_106, %dma_wait3A_107, %dma_wait3A_108] : memref<4x128x128xf32, #tpu.memory_space<vmem>> -> memref<1x128x128xf32, #tpu.memory_space<vmem>>
    %dma_wait3A_110 = tpu.memref_squeeze %dma_wait3A_109 : memref<1x128x128xf32, #tpu.memory_space<vmem>> -> memref<128x128xf32, #tpu.memory_space<vmem>>
    %dma_wait3A_111 = arith.constant 0 : i32
    %dma_wait3A_112 = tpu.memref_slice %arg5[%dma_wait3A_105, %dma_wait3A_111] : memref<4x128xi32, #tpu.memory_space<vmem>> -> memref<1x128xi32, #tpu.memory_space<vmem>>
    %dma_wait3A_113 = tpu.memref_squeeze %dma_wait3A_112 : memref<1x128xi32, #tpu.memory_space<vmem>> -> memref<128xi32, #tpu.memory_space<vmem>>
    %dma_wait3A_114 = arith.constant 0 : i32
    %dma_wait3A_115 = arith.constant 0 : i32
    %dma_wait3A_116 = tpu.memref_slice %arg3[%dma_wait3A_114, %dma_wait3A_115] : memref<100000x128xf32, #tpu.memory_space<hbm>> -> memref<100000x128xf32, #tpu.memory_space<hbm>>
    tpu.wait_indirect_dma semaphore(%arg7 : memref<!tpu.dma_semaphore, #tpu.memory_space<semaphore_mem>>) src(%dma_wait3A_116 : memref<100000x128xf32, #tpu.memory_space<hbm>>) dst(%dma_wait3A_110 : memref<128x128xf32, #tpu.memory_space<vmem>>)
    %add3A_117 = arith.constant 256 : i32
    %add3A_118 = arith.addi %mul3A_2, %add3A_117 : i32
    %dma_start3A_119 = arith.constant 2 : i32
    %dma_start3A_120 = arith.constant 0 : i32
    %dma_start3A_121 = arith.constant 0 : i32
    %dma_start3A_122 = tpu.memref_slice %arg6[%dma_start3A_119, %dma_start3A_120, %dma_start3A_121] : memref<4x128x128xf32, #tpu.memory_space<vmem>> -> memref<1x128x128xf32, #tpu.memory_space<vmem>>
    %dma_start3A_123 = tpu.memref_squeeze %dma_start3A_122 : memref<1x128x128xf32, #tpu.memory_space<vmem>> -> memref<128x128xf32, #tpu.memory_space<vmem>>
    %dma_start3A_124 = arith.constant 0 : i32
    %dma_start3A_125 = tpu.memref_slice %arg4[%add3A_118, %dma_start3A_124] : memref<16384x512xf32, #tpu.memory_space<hbm>> -> memref<128x128xf32, #tpu.memory_space<hbm>>
    %dma_start3A_126 = arith.constant 0 : i32
    %dma_start3A_127 = tpu.memref_slice %arg4[%add3A_118, %dma_start3A_126] : memref<16384x512xf32, #tpu.memory_space<hbm>> -> memref<128x128xf32, #tpu.memory_space<hbm>>
    %dma_start3A_128 = arith.constant 0 : i32
    %dma_start3A_129 = arith.constant 0 : i32
    %dma_start3A_130 = tpu.memref_slice %arg6[%dma_start3A_119, %dma_start3A_128, %dma_start3A_129] : memref<4x128x128xf32, #tpu.memory_space<vmem>> -> memref<1x128x128xf32, #tpu.memory_space<vmem>>
    %dma_start3A_131 = tpu.memref_squeeze %dma_start3A_130 : memref<1x128x128xf32, #tpu.memory_space<vmem>> -> memref<128x128xf32, #tpu.memory_space<vmem>>
    tpu.enqueue_dma source(%dma_start3A_131 : memref<128x128xf32, #tpu.memory_space<vmem>>) target(%dma_start3A_127 : memref<128x128xf32, #tpu.memory_space<hbm>>) target_semaphore(%arg8 : memref<!tpu.dma_semaphore, #tpu.memory_space<semaphore_mem>>)
    %dma_wait3A_132 = arith.constant 3 : i32
    %dma_wait3A_133 = arith.constant 3 : i32
    %dma_wait3A_134 = arith.constant 0 : i32
    %dma_wait3A_135 = arith.constant 0 : i32
    %dma_wait3A_136 = tpu.memref_slice %arg6[%dma_wait3A_133, %dma_wait3A_134, %dma_wait3A_135] : memref<4x128x128xf32, #tpu.memory_space<vmem>> -> memref<1x128x128xf32, #tpu.memory_space<vmem>>
    %dma_wait3A_137 = tpu.memref_squeeze %dma_wait3A_136 : memref<1x128x128xf32, #tpu.memory_space<vmem>> -> memref<128x128xf32, #tpu.memory_space<vmem>>
    %dma_wait3A_138 = arith.constant 0 : i32
    %dma_wait3A_139 = tpu.memref_slice %arg5[%dma_wait3A_132, %dma_wait3A_138] : memref<4x128xi32, #tpu.memory_space<vmem>> -> memref<1x128xi32, #tpu.memory_space<vmem>>
    %dma_wait3A_140 = tpu.memref_squeeze %dma_wait3A_139 : memref<1x128xi32, #tpu.memory_space<vmem>> -> memref<128xi32, #tpu.memory_space<vmem>>
    %dma_wait3A_141 = arith.constant 0 : i32
    %dma_wait3A_142 = arith.constant 0 : i32
    %dma_wait3A_143 = tpu.memref_slice %arg3[%dma_wait3A_141, %dma_wait3A_142] : memref<100000x128xf32, #tpu.memory_space<hbm>> -> memref<100000x128xf32, #tpu.memory_space<hbm>>
    tpu.wait_indirect_dma semaphore(%arg7 : memref<!tpu.dma_semaphore, #tpu.memory_space<semaphore_mem>>) src(%dma_wait3A_143 : memref<100000x128xf32, #tpu.memory_space<hbm>>) dst(%dma_wait3A_137 : memref<128x128xf32, #tpu.memory_space<vmem>>)
    %add3A_144 = arith.constant 384 : i32
    %add3A_145 = arith.addi %mul3A_2, %add3A_144 : i32
    %dma_start3A_146 = arith.constant 3 : i32
    %dma_start3A_147 = arith.constant 0 : i32
    %dma_start3A_148 = arith.constant 0 : i32
    %dma_start3A_149 = tpu.memref_slice %arg6[%dma_start3A_146, %dma_start3A_147, %dma_start3A_148] : memref<4x128x128xf32, #tpu.memory_space<vmem>> -> memref<1x128x128xf32, #tpu.memory_space<vmem>>
    %dma_start3A_150 = tpu.memref_squeeze %dma_start3A_149 : memref<1x128x128xf32, #tpu.memory_space<vmem>> -> memref<128x128xf32, #tpu.memory_space<vmem>>
    %dma_start3A_151 = arith.constant 0 : i32
    %dma_start3A_152 = tpu.memref_slice %arg4[%add3A_145, %dma_start3A_151] : memref<16384x512xf32, #tpu.memory_space<hbm>> -> memref<128x128xf32, #tpu.memory_space<hbm>>
    %dma_start3A_153 = arith.constant 0 : i32
    %dma_start3A_154 = tpu.memref_slice %arg4[%add3A_145, %dma_start3A_153] : memref<16384x512xf32, #tpu.memory_space<hbm>> -> memref<128x128xf32, #tpu.memory_space<hbm>>
    %dma_start3A_155 = arith.constant 0 : i32
    %dma_start3A_156 = arith.constant 0 : i32
    %dma_start3A_157 = tpu.memref_slice %arg6[%dma_start3A_146, %dma_start3A_155, %dma_start3A_156] : memref<4x128x128xf32, #tpu.memory_space<vmem>> -> memref<1x128x128xf32, #tpu.memory_space<vmem>>
    %dma_start3A_158 = tpu.memref_squeeze %dma_start3A_157 : memref<1x128x128xf32, #tpu.memory_space<vmem>> -> memref<128x128xf32, #tpu.memory_space<vmem>>
    tpu.enqueue_dma source(%dma_start3A_158 : memref<128x128xf32, #tpu.memory_space<vmem>>) target(%dma_start3A_154 : memref<128x128xf32, #tpu.memory_space<hbm>>) target_semaphore(%arg8 : memref<!tpu.dma_semaphore, #tpu.memory_space<semaphore_mem>>)
    %add3A_159 = arith.constant 0 : i32
    %add3A_160 = arith.addi %mul3A_2, %add3A_159 : i32
    %dma_wait3A_161 = arith.constant 0 : i32
    %dma_wait3A_162 = arith.constant 0 : i32
    %dma_wait3A_163 = arith.constant 0 : i32
    %dma_wait3A_164 = tpu.memref_slice %arg6[%dma_wait3A_161, %dma_wait3A_162, %dma_wait3A_163] : memref<4x128x128xf32, #tpu.memory_space<vmem>> -> memref<1x128x128xf32, #tpu.memory_space<vmem>>
    %dma_wait3A_165 = tpu.memref_squeeze %dma_wait3A_164 : memref<1x128x128xf32, #tpu.memory_space<vmem>> -> memref<128x128xf32, #tpu.memory_space<vmem>>
    %dma_wait3A_166 = arith.constant 0 : i32
    %dma_wait3A_167 = tpu.memref_slice %arg4[%add3A_160, %dma_wait3A_166] : memref<16384x512xf32, #tpu.memory_space<hbm>> -> memref<128x128xf32, #tpu.memory_space<hbm>>
    %dma_wait3A_168 = arith.constant 0 : i32
    %dma_wait3A_169 = tpu.memref_slice %arg4[%add3A_160, %dma_wait3A_168] : memref<16384x512xf32, #tpu.memory_space<hbm>> -> memref<128x128xf32, #tpu.memory_space<hbm>>
    %dma_wait3A_170 = arith.constant 0 : i32
    %dma_wait3A_171 = arith.constant 0 : i32
    %dma_wait3A_172 = tpu.memref_slice %arg6[%dma_wait3A_161, %dma_wait3A_170, %dma_wait3A_171] : memref<4x128x128xf32, #tpu.memory_space<vmem>> -> memref<1x128x128xf32, #tpu.memory_space<vmem>>
    %dma_wait3A_173 = tpu.memref_squeeze %dma_wait3A_172 : memref<1x128x128xf32, #tpu.memory_space<vmem>> -> memref<128x128xf32, #tpu.memory_space<vmem>>
    tpu.wait_dma2 semaphore(%arg8 : memref<!tpu.dma_semaphore, #tpu.memory_space<semaphore_mem>>) src(%dma_wait3A_173 : memref<128x128xf32, #tpu.memory_space<vmem>>) dst(%dma_wait3A_169 : memref<128x128xf32, #tpu.memory_space<hbm>>)
    %add3A_174 = arith.constant 128 : i32
    %add3A_175 = arith.addi %mul3A_2, %add3A_174 : i32
    %dma_wait3A_176 = arith.constant 1 : i32
    %dma_wait3A_177 = arith.constant 0 : i32
    %dma_wait3A_178 = arith.constant 0 : i32
    %dma_wait3A_179 = tpu.memref_slice %arg6[%dma_wait3A_176, %dma_wait3A_177, %dma_wait3A_178] : memref<4x128x128xf32, #tpu.memory_space<vmem>> -> memref<1x128x128xf32, #tpu.memory_space<vmem>>
    %dma_wait3A_180 = tpu.memref_squeeze %dma_wait3A_179 : memref<1x128x128xf32, #tpu.memory_space<vmem>> -> memref<128x128xf32, #tpu.memory_space<vmem>>
    %dma_wait3A_181 = arith.constant 0 : i32
    %dma_wait3A_182 = tpu.memref_slice %arg4[%add3A_175, %dma_wait3A_181] : memref<16384x512xf32, #tpu.memory_space<hbm>> -> memref<128x128xf32, #tpu.memory_space<hbm>>
    %dma_wait3A_183 = arith.constant 0 : i32
    %dma_wait3A_184 = tpu.memref_slice %arg4[%add3A_175, %dma_wait3A_183] : memref<16384x512xf32, #tpu.memory_space<hbm>> -> memref<128x128xf32, #tpu.memory_space<hbm>>
    %dma_wait3A_185 = arith.constant 0 : i32
    %dma_wait3A_186 = arith.constant 0 : i32
    %dma_wait3A_187 = tpu.memref_slice %arg6[%dma_wait3A_176, %dma_wait3A_185, %dma_wait3A_186] : memref<4x128x128xf32, #tpu.memory_space<vmem>> -> memref<1x128x128xf32, #tpu.memory_space<vmem>>
    %dma_wait3A_188 = tpu.memref_squeeze %dma_wait3A_187 : memref<1x128x128xf32, #tpu.memory_space<vmem>> -> memref<128x128xf32, #tpu.memory_space<vmem>>
    tpu.wait_dma2 semaphore(%arg8 : memref<!tpu.dma_semaphore, #tpu.memory_space<semaphore_mem>>) src(%dma_wait3A_188 : memref<128x128xf32, #tpu.memory_space<vmem>>) dst(%dma_wait3A_184 : memref<128x128xf32, #tpu.memory_space<hbm>>)
    %add3A_189 = arith.constant 256 : i32
    %add3A_190 = arith.addi %mul3A_2, %add3A_189 : i32
    %dma_wait3A_191 = arith.constant 2 : i32
    %dma_wait3A_192 = arith.constant 0 : i32
    %dma_wait3A_193 = arith.constant 0 : i32
    %dma_wait3A_194 = tpu.memref_slice %arg6[%dma_wait3A_191, %dma_wait3A_192, %dma_wait3A_193] : memref<4x128x128xf32, #tpu.memory_space<vmem>> -> memref<1x128x128xf32, #tpu.memory_space<vmem>>
    %dma_wait3A_195 = tpu.memref_squeeze %dma_wait3A_194 : memref<1x128x128xf32, #tpu.memory_space<vmem>> -> memref<128x128xf32, #tpu.memory_space<vmem>>
    %dma_wait3A_196 = arith.constant 0 : i32
    %dma_wait3A_197 = tpu.memref_slice %arg4[%add3A_190, %dma_wait3A_196] : memref<16384x512xf32, #tpu.memory_space<hbm>> -> memref<128x128xf32, #tpu.memory_space<hbm>>
    %dma_wait3A_198 = arith.constant 0 : i32
    %dma_wait3A_199 = tpu.memref_slice %arg4[%add3A_190, %dma_wait3A_198] : memref<16384x512xf32, #tpu.memory_space<hbm>> -> memref<128x128xf32, #tpu.memory_space<hbm>>
    %dma_wait3A_200 = arith.constant 0 : i32
    %dma_wait3A_201 = arith.constant 0 : i32
    %dma_wait3A_202 = tpu.memref_slice %arg6[%dma_wait3A_191, %dma_wait3A_200, %dma_wait3A_201] : memref<4x128x128xf32, #tpu.memory_space<vmem>> -> memref<1x128x128xf32, #tpu.memory_space<vmem>>
    %dma_wait3A_203 = tpu.memref_squeeze %dma_wait3A_202 : memref<1x128x128xf32, #tpu.memory_space<vmem>> -> memref<128x128xf32, #tpu.memory_space<vmem>>
    tpu.wait_dma2 semaphore(%arg8 : memref<!tpu.dma_semaphore, #tpu.memory_space<semaphore_mem>>) src(%dma_wait3A_203 : memref<128x128xf32, #tpu.memory_space<vmem>>) dst(%dma_wait3A_199 : memref<128x128xf32, #tpu.memory_space<hbm>>)
    %add3A_204 = arith.constant 384 : i32
    %add3A_205 = arith.addi %mul3A_2, %add3A_204 : i32
    %dma_wait3A_206 = arith.constant 3 : i32
    %dma_wait3A_207 = arith.constant 0 : i32
    %dma_wait3A_208 = arith.constant 0 : i32
    %dma_wait3A_209 = tpu.memref_slice %arg6[%dma_wait3A_206, %dma_wait3A_207, %dma_wait3A_208] : memref<4x128x128xf32, #tpu.memory_space<vmem>> -> memref<1x128x128xf32, #tpu.memory_space<vmem>>
    %dma_wait3A_210 = tpu.memref_squeeze %dma_wait3A_209 : memref<1x128x128xf32, #tpu.memory_space<vmem>> -> memref<128x128xf32, #tpu.memory_space<vmem>>
    %dma_wait3A_211 = arith.constant 0 : i32
    %dma_wait3A_212 = tpu.memref_slice %arg4[%add3A_205, %dma_wait3A_211] : memref<16384x512xf32, #tpu.memory_space<hbm>> -> memref<128x128xf32, #tpu.memory_space<hbm>>
    %dma_wait3A_213 = arith.constant 0 : i32
    %dma_wait3A_214 = tpu.memref_slice %arg4[%add3A_205, %dma_wait3A_213] : memref<16384x512xf32, #tpu.memory_space<hbm>> -> memref<128x128xf32, #tpu.memory_space<hbm>>
    %dma_wait3A_215 = arith.constant 0 : i32
    %dma_wait3A_216 = arith.constant 0 : i32
    %dma_wait3A_217 = tpu.memref_slice %arg6[%dma_wait3A_206, %dma_wait3A_215, %dma_wait3A_216] : memref<4x128x128xf32, #tpu.memory_space<vmem>> -> memref<1x128x128xf32, #tpu.memory_space<vmem>>
    %dma_wait3A_218 = tpu.memref_squeeze %dma_wait3A_217 : memref<1x128x128xf32, #tpu.memory_space<vmem>> -> memref<128x128xf32, #tpu.memory_space<vmem>>
    tpu.wait_dma2 semaphore(%arg8 : memref<!tpu.dma_semaphore, #tpu.memory_space<semaphore_mem>>) src(%dma_wait3A_218 : memref<128x128xf32, #tpu.memory_space<vmem>>) dst(%dma_wait3A_214 : memref<128x128xf32, #tpu.memory_space<hbm>>)
    return
  }
}

module attributes {stable_mosaic.version = 14 : i64} {
  func.func @_tc_body(%arg0: memref<16384x512xf32, #tpu.memory_space<any>>, %arg1: memref<16384x1xi32, #tpu.memory_space<vmem>>, %arg2: memref<16384x18xf32, #tpu.memory_space<vmem>>, %arg3: memref<16384x768xf32, #tpu.memory_space<any>>, %arg4: memref<128x128xf32, #tpu.memory_space<vmem>>, %arg5: memref<18x128xf32, #tpu.memory_space<vmem>>, %arg6: memref<768x128xf32, #tpu.memory_space<vmem>>, %arg7: memref<1x128xf32, #tpu.memory_space<vmem>>, %arg8: memref<16384x512xf32, #tpu.memory_space<any>>, %arg9: memref<6x1024x768xf32, #tpu.memory_space<vmem>>, %arg10: memref<6x1024x384xf32, #tpu.memory_space<vmem>>, %arg11: memref<6x!tpu.dma_semaphore, #tpu.memory_space<semaphore_mem>>, %arg12: memref<6x!tpu.dma_semaphore, #tpu.memory_space<semaphore_mem>>) attributes {dimension_semantics = [], scalar_prefetch = 0 : i64, scratch_operands = 4 : i64, tpu.core_type = #tpu.core_type<tc>} {
    %dma_start3A = arith.constant 0 : i32
    %dma_start3A_0 = arith.constant 0 : i32
    %dma_start3A_1 = tpu.memref_slice %arg11[%dma_start3A_0] : memref<6x!tpu.dma_semaphore, #tpu.memory_space<semaphore_mem>> -> memref<1x!tpu.dma_semaphore, #tpu.memory_space<semaphore_mem>>
    %dma_start3A_2 = tpu.memref_squeeze %dma_start3A_1 : memref<1x!tpu.dma_semaphore, #tpu.memory_space<semaphore_mem>> -> memref<!tpu.dma_semaphore, #tpu.memory_space<semaphore_mem>>
    %dma_start3A_3 = arith.constant 0 : i32
    %dma_start3A_4 = arith.constant 0 : i32
    %dma_start3A_5 = tpu.memref_slice %arg9[%dma_start3A, %dma_start3A_3, %dma_start3A_4] : memref<6x1024x768xf32, #tpu.memory_space<vmem>> -> memref<1x1024x768xf32, #tpu.memory_space<vmem>>
    %dma_start3A_6 = tpu.memref_squeeze %dma_start3A_5 : memref<1x1024x768xf32, #tpu.memory_space<vmem>> -> memref<1024x768xf32, #tpu.memory_space<vmem>>
    %dma_start3A_7 = arith.constant 0 : i32
    %dma_start3A_8 = arith.constant 0 : i32
    %dma_start3A_9 = tpu.memref_slice %arg3[%dma_start3A_7, %dma_start3A_8] : memref<16384x768xf32, #tpu.memory_space<any>> -> memref<1024x768xf32, #tpu.memory_space<any>>
    tpu.enqueue_dma source(%dma_start3A_9 : memref<1024x768xf32, #tpu.memory_space<any>>) target(%dma_start3A_6 : memref<1024x768xf32, #tpu.memory_space<vmem>>) target_semaphore(%dma_start3A_2 : memref<!tpu.dma_semaphore, #tpu.memory_space<semaphore_mem>>)
    %dma_start3A_10 = arith.constant 1 : i32
    %dma_start3A_11 = arith.constant 1 : i32
    %dma_start3A_12 = tpu.memref_slice %arg11[%dma_start3A_11] : memref<6x!tpu.dma_semaphore, #tpu.memory_space<semaphore_mem>> -> memref<1x!tpu.dma_semaphore, #tpu.memory_space<semaphore_mem>>
    %dma_start3A_13 = tpu.memref_squeeze %dma_start3A_12 : memref<1x!tpu.dma_semaphore, #tpu.memory_space<semaphore_mem>> -> memref<!tpu.dma_semaphore, #tpu.memory_space<semaphore_mem>>
    %dma_start3A_14 = arith.constant 0 : i32
    %dma_start3A_15 = arith.constant 0 : i32
    %dma_start3A_16 = tpu.memref_slice %arg9[%dma_start3A_10, %dma_start3A_14, %dma_start3A_15] : memref<6x1024x768xf32, #tpu.memory_space<vmem>> -> memref<1x1024x768xf32, #tpu.memory_space<vmem>>
    %dma_start3A_17 = tpu.memref_squeeze %dma_start3A_16 : memref<1x1024x768xf32, #tpu.memory_space<vmem>> -> memref<1024x768xf32, #tpu.memory_space<vmem>>
    %dma_start3A_18 = arith.constant 1024 : i32
    %dma_start3A_19 = arith.constant 0 : i32
    %dma_start3A_20 = tpu.memref_slice %arg3[%dma_start3A_18, %dma_start3A_19] : memref<16384x768xf32, #tpu.memory_space<any>> -> memref<1024x768xf32, #tpu.memory_space<any>>
    tpu.enqueue_dma source(%dma_start3A_20 : memref<1024x768xf32, #tpu.memory_space<any>>) target(%dma_start3A_17 : memref<1024x768xf32, #tpu.memory_space<vmem>>) target_semaphore(%dma_start3A_13 : memref<!tpu.dma_semaphore, #tpu.memory_space<semaphore_mem>>)
    %dma_start3A_21 = arith.constant 2 : i32
    %dma_start3A_22 = arith.constant 2 : i32
    %dma_start3A_23 = tpu.memref_slice %arg11[%dma_start3A_22] : memref<6x!tpu.dma_semaphore, #tpu.memory_space<semaphore_mem>> -> memref<1x!tpu.dma_semaphore, #tpu.memory_space<semaphore_mem>>
    %dma_start3A_24 = tpu.memref_squeeze %dma_start3A_23 : memref<1x!tpu.dma_semaphore, #tpu.memory_space<semaphore_mem>> -> memref<!tpu.dma_semaphore, #tpu.memory_space<semaphore_mem>>
    %dma_start3A_25 = arith.constant 0 : i32
    %dma_start3A_26 = arith.constant 0 : i32
    %dma_start3A_27 = tpu.memref_slice %arg9[%dma_start3A_21, %dma_start3A_25, %dma_start3A_26] : memref<6x1024x768xf32, #tpu.memory_space<vmem>> -> memref<1x1024x768xf32, #tpu.memory_space<vmem>>
    %dma_start3A_28 = tpu.memref_squeeze %dma_start3A_27 : memref<1x1024x768xf32, #tpu.memory_space<vmem>> -> memref<1024x768xf32, #tpu.memory_space<vmem>>
    %dma_start3A_29 = arith.constant 2048 : i32
    %dma_start3A_30 = arith.constant 0 : i32
    %dma_start3A_31 = tpu.memref_slice %arg3[%dma_start3A_29, %dma_start3A_30] : memref<16384x768xf32, #tpu.memory_space<any>> -> memref<1024x768xf32, #tpu.memory_space<any>>
    tpu.enqueue_dma source(%dma_start3A_31 : memref<1024x768xf32, #tpu.memory_space<any>>) target(%dma_start3A_28 : memref<1024x768xf32, #tpu.memory_space<vmem>>) target_semaphore(%dma_start3A_24 : memref<!tpu.dma_semaphore, #tpu.memory_space<semaphore_mem>>)
    %dma_start3A_32 = arith.constant 3 : i32
    %dma_start3A_33 = arith.constant 3 : i32
    %dma_start3A_34 = tpu.memref_slice %arg11[%dma_start3A_33] : memref<6x!tpu.dma_semaphore, #tpu.memory_space<semaphore_mem>> -> memref<1x!tpu.dma_semaphore, #tpu.memory_space<semaphore_mem>>
    %dma_start3A_35 = tpu.memref_squeeze %dma_start3A_34 : memref<1x!tpu.dma_semaphore, #tpu.memory_space<semaphore_mem>> -> memref<!tpu.dma_semaphore, #tpu.memory_space<semaphore_mem>>
    %dma_start3A_36 = arith.constant 0 : i32
    %dma_start3A_37 = arith.constant 0 : i32
    %dma_start3A_38 = tpu.memref_slice %arg9[%dma_start3A_32, %dma_start3A_36, %dma_start3A_37] : memref<6x1024x768xf32, #tpu.memory_space<vmem>> -> memref<1x1024x768xf32, #tpu.memory_space<vmem>>
    %dma_start3A_39 = tpu.memref_squeeze %dma_start3A_38 : memref<1x1024x768xf32, #tpu.memory_space<vmem>> -> memref<1024x768xf32, #tpu.memory_space<vmem>>
    %dma_start3A_40 = arith.constant 3072 : i32
    %dma_start3A_41 = arith.constant 0 : i32
    %dma_start3A_42 = tpu.memref_slice %arg3[%dma_start3A_40, %dma_start3A_41] : memref<16384x768xf32, #tpu.memory_space<any>> -> memref<1024x768xf32, #tpu.memory_space<any>>
    tpu.enqueue_dma source(%dma_start3A_42 : memref<1024x768xf32, #tpu.memory_space<any>>) target(%dma_start3A_39 : memref<1024x768xf32, #tpu.memory_space<vmem>>) target_semaphore(%dma_start3A_35 : memref<!tpu.dma_semaphore, #tpu.memory_space<semaphore_mem>>)
    %dma_start3A_43 = arith.constant 4 : i32
    %dma_start3A_44 = arith.constant 4 : i32
    %dma_start3A_45 = tpu.memref_slice %arg11[%dma_start3A_44] : memref<6x!tpu.dma_semaphore, #tpu.memory_space<semaphore_mem>> -> memref<1x!tpu.dma_semaphore, #tpu.memory_space<semaphore_mem>>
    %dma_start3A_46 = tpu.memref_squeeze %dma_start3A_45 : memref<1x!tpu.dma_semaphore, #tpu.memory_space<semaphore_mem>> -> memref<!tpu.dma_semaphore, #tpu.memory_space<semaphore_mem>>
    %dma_start3A_47 = arith.constant 0 : i32
    %dma_start3A_48 = arith.constant 0 : i32
    %dma_start3A_49 = tpu.memref_slice %arg9[%dma_start3A_43, %dma_start3A_47, %dma_start3A_48] : memref<6x1024x768xf32, #tpu.memory_space<vmem>> -> memref<1x1024x768xf32, #tpu.memory_space<vmem>>
    %dma_start3A_50 = tpu.memref_squeeze %dma_start3A_49 : memref<1x1024x768xf32, #tpu.memory_space<vmem>> -> memref<1024x768xf32, #tpu.memory_space<vmem>>
    %dma_start3A_51 = arith.constant 4096 : i32
    %dma_start3A_52 = arith.constant 0 : i32
    %dma_start3A_53 = tpu.memref_slice %arg3[%dma_start3A_51, %dma_start3A_52] : memref<16384x768xf32, #tpu.memory_space<any>> -> memref<1024x768xf32, #tpu.memory_space<any>>
    tpu.enqueue_dma source(%dma_start3A_53 : memref<1024x768xf32, #tpu.memory_space<any>>) target(%dma_start3A_50 : memref<1024x768xf32, #tpu.memory_space<vmem>>) target_semaphore(%dma_start3A_46 : memref<!tpu.dma_semaphore, #tpu.memory_space<semaphore_mem>>)
    %dma_start3A_54 = arith.constant 5 : i32
    %dma_start3A_55 = arith.constant 5 : i32
    %dma_start3A_56 = tpu.memref_slice %arg11[%dma_start3A_55] : memref<6x!tpu.dma_semaphore, #tpu.memory_space<semaphore_mem>> -> memref<1x!tpu.dma_semaphore, #tpu.memory_space<semaphore_mem>>
    %dma_start3A_57 = tpu.memref_squeeze %dma_start3A_56 : memref<1x!tpu.dma_semaphore, #tpu.memory_space<semaphore_mem>> -> memref<!tpu.dma_semaphore, #tpu.memory_space<semaphore_mem>>
    %dma_start3A_58 = arith.constant 0 : i32
    %dma_start3A_59 = arith.constant 0 : i32
    %dma_start3A_60 = tpu.memref_slice %arg9[%dma_start3A_54, %dma_start3A_58, %dma_start3A_59] : memref<6x1024x768xf32, #tpu.memory_space<vmem>> -> memref<1x1024x768xf32, #tpu.memory_space<vmem>>
    %dma_start3A_61 = tpu.memref_squeeze %dma_start3A_60 : memref<1x1024x768xf32, #tpu.memory_space<vmem>> -> memref<1024x768xf32, #tpu.memory_space<vmem>>
    %dma_start3A_62 = arith.constant 5120 : i32
    %dma_start3A_63 = arith.constant 0 : i32
    %dma_start3A_64 = tpu.memref_slice %arg3[%dma_start3A_62, %dma_start3A_63] : memref<16384x768xf32, #tpu.memory_space<any>> -> memref<1024x768xf32, #tpu.memory_space<any>>
    tpu.enqueue_dma source(%dma_start3A_64 : memref<1024x768xf32, #tpu.memory_space<any>>) target(%dma_start3A_61 : memref<1024x768xf32, #tpu.memory_space<vmem>>) target_semaphore(%dma_start3A_57 : memref<!tpu.dma_semaphore, #tpu.memory_space<semaphore_mem>>)
    %iota3A = tpu.iota {dimensions = array<i32: 1>} : vector<1024x128xi32>
    %dma_wait3A = arith.constant 0 : i32
    %dma_wait3A_65 = arith.constant 0 : i32
    %dma_wait3A_66 = tpu.memref_slice %arg11[%dma_wait3A_65] : memref<6x!tpu.dma_semaphore, #tpu.memory_space<semaphore_mem>> -> memref<1x!tpu.dma_semaphore, #tpu.memory_space<semaphore_mem>>
    %dma_wait3A_67 = tpu.memref_squeeze %dma_wait3A_66 : memref<1x!tpu.dma_semaphore, #tpu.memory_space<semaphore_mem>> -> memref<!tpu.dma_semaphore, #tpu.memory_space<semaphore_mem>>
    %dma_wait3A_68 = arith.constant 0 : i32
    %dma_wait3A_69 = arith.constant 0 : i32
    %dma_wait3A_70 = tpu.memref_slice %arg9[%dma_wait3A, %dma_wait3A_68, %dma_wait3A_69] : memref<6x1024x768xf32, #tpu.memory_space<vmem>> -> memref<1x1024x768xf32, #tpu.memory_space<vmem>>
    %dma_wait3A_71 = tpu.memref_squeeze %dma_wait3A_70 : memref<1x1024x768xf32, #tpu.memory_space<vmem>> -> memref<1024x768xf32, #tpu.memory_space<vmem>>
    %dma_wait3A_72 = arith.constant 0 : i32
    %dma_wait3A_73 = arith.constant 0 : i32
    %dma_wait3A_74 = tpu.memref_slice %arg3[%dma_wait3A_72, %dma_wait3A_73] : memref<16384x768xf32, #tpu.memory_space<any>> -> memref<1024x768xf32, #tpu.memory_space<any>>
    tpu.wait_dma2 semaphore(%dma_wait3A_67 : memref<!tpu.dma_semaphore, #tpu.memory_space<semaphore_mem>>) src(%dma_wait3A_74 : memref<1024x768xf32, #tpu.memory_space<any>>) dst(%dma_wait3A_71 : memref<1024x768xf32, #tpu.memory_space<vmem>>)
    %get3A = arith.constant 0 : index
    %get3A_75 = arith.constant 0 : index
    %get3A_76 = vector.load %arg1[%get3A, %get3A_75] : memref<16384x1xi32, #tpu.memory_space<vmem>>, vector<1024x1xi32>
    %eq3A = vector.broadcast %get3A_76 : vector<1024x1xi32> to vector<1024x128xi32>
    %eq3A_77 = arith.cmpi eq, %eq3A, %iota3A : vector<1024x128xi32>
    %convert_element_type3A = arith.extui %eq3A_77 : vector<1024x128xi1> to vector<1024x128xi32>
    %convert_element_type3A_78 = arith.sitofp %convert_element_type3A : vector<1024x128xi32> to vector<1024x128xf32>
    %get3A_79 = arith.constant 0 : index
    %get3A_80 = arith.constant 0 : index
    %get3A_81 = vector.load %arg4[%get3A_79, %get3A_80] : memref<128x128xf32, #tpu.memory_space<vmem>>, vector<128x128xf32>
    %dot_general3A = arith.constant dense<0.000000e+00> : vector<1024x128xf32>
    %dot_general3A_82 = tpu.matmul %convert_element_type3A_78, %get3A_81, %dot_general3A {dimension_numbers = #tpu.dot_dimension_numbers<[1], [0], [0], [1], [0, 0, 1, 1], [], []>, precision = #tpu.contract_precision<fp32>, transpose_lhs_hint = false} : vector<1024x128xf32>, vector<128x128xf32>, vector<1024x128xf32> -> vector<1024x128xf32>
    %swap3A = arith.constant 0 : i32
    %swap3A_83 = arith.constant 0 : i32
    %swap3A_84 = arith.constant 0 : i32
    %swap3A_85 = tpu.memref_slice %arg10[%swap3A, %swap3A_83, %swap3A_84] : memref<6x1024x384xf32, #tpu.memory_space<vmem>> -> memref<1x1024x384xf32, #tpu.memory_space<vmem>>
    %swap3A_86 = tpu.memref_squeeze %swap3A_85 : memref<1x1024x384xf32, #tpu.memory_space<vmem>> -> memref<1024x384xf32, #tpu.memory_space<vmem>>
    %swap3A_87 = arith.constant 0 : index
    %swap3A_88 = arith.constant 0 : index
    %swap3A_89 = vector.load %swap3A_86[%swap3A_87, %swap3A_88] : memref<1024x384xf32, #tpu.memory_space<vmem>>, vector<1024x128xf32>
    tpu.vector_store %swap3A_86[%swap3A_87, %swap3A_88], %dot_general3A_82 {strides = array<i32>} : memref<1024x384xf32, #tpu.memory_space<vmem>>, vector<1024x128xf32>,
    %get3A_90 = arith.constant 0 : index
    %get3A_91 = arith.constant 0 : index
    %get3A_92 = vector.load %arg2[%get3A_90, %get3A_91] : memref<16384x18xf32, #tpu.memory_space<vmem>>, vector<1024x18xf32>
    %get3A_93 = arith.constant 0 : index
    %get3A_94 = arith.constant 0 : index
    %get3A_95 = vector.load %arg5[%get3A_93, %get3A_94] : memref<18x128xf32, #tpu.memory_space<vmem>>, vector<18x128xf32>
    %dot_general3A_96 = arith.constant dense<0.000000e+00> : vector<1024x128xf32>
    %dot_general3A_97 = tpu.matmul %get3A_92, %get3A_95, %dot_general3A_96 {dimension_numbers = #tpu.dot_dimension_numbers<[1], [0], [0], [1], [0, 0, 1, 1], [], []>, transpose_lhs_hint = false} : vector<1024x18xf32>, vector<18x128xf32>, vector<1024x128xf32> -> vector<1024x128xf32>
    %swap3A_98 = arith.constant 0 : i32
    %swap3A_99 = arith.constant 0 : i32
    %swap3A_100 = arith.constant 0 : i32
    %swap3A_101 = tpu.memref_slice %arg10[%swap3A_98, %swap3A_99, %swap3A_100] : memref<6x1024x384xf32, #tpu.memory_space<vmem>> -> memref<1x1024x384xf32, #tpu.memory_space<vmem>>
    %swap3A_102 = tpu.memref_squeeze %swap3A_101 : memref<1x1024x384xf32, #tpu.memory_space<vmem>> -> memref<1024x384xf32, #tpu.memory_space<vmem>>
    %swap3A_103 = arith.constant 0 : index
    %swap3A_104 = arith.constant 128 : index
    %swap3A_105 = vector.load %swap3A_102[%swap3A_103, %swap3A_104] : memref<1024x384xf32, #tpu.memory_space<vmem>>, vector<1024x128xf32>
    tpu.vector_store %swap3A_102[%swap3A_103, %swap3A_104], %dot_general3A_97 {strides = array<i32>} : memref<1024x384xf32, #tpu.memory_space<vmem>>, vector<1024x128xf32>,
    %get3A_106 = arith.constant 0 : index
    %get3A_107 = arith.constant 0 : index
    %get3A_108 = arith.constant 0 : index
    %get3A_109 = vector.load %arg9[%get3A_106, %get3A_107, %get3A_108] : memref<6x1024x768xf32, #tpu.memory_space<vmem>>, vector<1x1024x768xf32>
    %get3A_110 = vector.shape_cast %get3A_109 : vector<1x1024x768xf32> to vector<1024x768xf32>
    %get3A_111 = arith.constant 0 : index
    %get3A_112 = arith.constant 0 : index
    %get3A_113 = vector.load %arg6[%get3A_111, %get3A_112] : memref<768x128xf32, #tpu.memory_space<vmem>>, vector<768x128xf32>
    %dot_general3A_114 = arith.constant dense<0.000000e+00> : vector<1024x128xf32>
    %dot_general3A_115 = tpu.matmul %get3A_110, %get3A_113, %dot_general3A_114 {dimension_numbers = #tpu.dot_dimension_numbers<[1], [0], [0], [1], [0, 0, 1, 1], [], []>, transpose_lhs_hint = false} : vector<1024x768xf32>, vector<768x128xf32>, vector<1024x128xf32> -> vector<1024x128xf32>
    %get3A_116 = arith.constant 0 : index
    %get3A_117 = arith.constant 0 : index
    %get3A_118 = vector.load %arg7[%get3A_116, %get3A_117] : memref<1x128xf32, #tpu.memory_space<vmem>>, vector<1x128xf32>
    %add3A = vector.broadcast %get3A_118 : vector<1x128xf32> to vector<1024x128xf32>
    %add3A_119 = arith.addf %dot_general3A_115, %add3A : vector<1024x128xf32>
    %swap3A_120 = arith.constant 0 : i32
    %swap3A_121 = arith.constant 0 : i32
    %swap3A_122 = arith.constant 0 : i32
    %swap3A_123 = tpu.memref_slice %arg10[%swap3A_120, %swap3A_121, %swap3A_122] : memref<6x1024x384xf32, #tpu.memory_space<vmem>> -> memref<1x1024x384xf32, #tpu.memory_space<vmem>>
    %swap3A_124 = tpu.memref_squeeze %swap3A_123 : memref<1x1024x384xf32, #tpu.memory_space<vmem>> -> memref<1024x384xf32, #tpu.memory_space<vmem>>
    %swap3A_125 = arith.constant 0 : index
    %swap3A_126 = arith.constant 256 : index
    %swap3A_127 = vector.load %swap3A_124[%swap3A_125, %swap3A_126] : memref<1024x384xf32, #tpu.memory_space<vmem>>, vector<1024x128xf32>
    tpu.vector_store %swap3A_124[%swap3A_125, %swap3A_126], %add3A_119 {strides = array<i32>} : memref<1024x384xf32, #tpu.memory_space<vmem>>, vector<1024x128xf32>,
    %dma_start3A_128 = arith.constant 0 : i32
    %dma_start3A_129 = arith.constant 0 : i32
    %dma_start3A_130 = tpu.memref_slice %arg12[%dma_start3A_129] : memref<6x!tpu.dma_semaphore, #tpu.memory_space<semaphore_mem>> -> memref<1x!tpu.dma_semaphore, #tpu.memory_space<semaphore_mem>>
    %dma_start3A_131 = tpu.memref_squeeze %dma_start3A_130 : memref<1x!tpu.dma_semaphore, #tpu.memory_space<semaphore_mem>> -> memref<!tpu.dma_semaphore, #tpu.memory_space<semaphore_mem>>
    %dma_start3A_132 = arith.constant 0 : i32
    %dma_start3A_133 = arith.constant 128 : i32
    %dma_start3A_134 = tpu.memref_slice %arg8[%dma_start3A_132, %dma_start3A_133] : memref<16384x512xf32, #tpu.memory_space<any>> -> memref<1024x384xf32, #tpu.memory_space<any>>
    %dma_start3A_135 = arith.constant 0 : i32
    %dma_start3A_136 = arith.constant 0 : i32
    %dma_start3A_137 = tpu.memref_slice %arg10[%dma_start3A_128, %dma_start3A_135, %dma_start3A_136] : memref<6x1024x384xf32, #tpu.memory_space<vmem>> -> memref<1x1024x384xf32, #tpu.memory_space<vmem>>
    %dma_start3A_138 = tpu.memref_squeeze %dma_start3A_137 : memref<1x1024x384xf32, #tpu.memory_space<vmem>> -> memref<1024x384xf32, #tpu.memory_space<vmem>>
    tpu.enqueue_dma source(%dma_start3A_138 : memref<1024x384xf32, #tpu.memory_space<vmem>>) target(%dma_start3A_134 : memref<1024x384xf32, #tpu.memory_space<any>>) target_semaphore(%dma_start3A_131 : memref<!tpu.dma_semaphore, #tpu.memory_space<semaphore_mem>>)
    %dma_start3A_139 = arith.constant 0 : i32
    %dma_start3A_140 = arith.constant 0 : i32
    %dma_start3A_141 = tpu.memref_slice %arg11[%dma_start3A_140] : memref<6x!tpu.dma_semaphore, #tpu.memory_space<semaphore_mem>> -> memref<1x!tpu.dma_semaphore, #tpu.memory_space<semaphore_mem>>
    %dma_start3A_142 = tpu.memref_squeeze %dma_start3A_141 : memref<1x!tpu.dma_semaphore, #tpu.memory_space<semaphore_mem>> -> memref<!tpu.dma_semaphore, #tpu.memory_space<semaphore_mem>>
    %dma_start3A_143 = arith.constant 0 : i32
    %dma_start3A_144 = arith.constant 0 : i32
    %dma_start3A_145 = tpu.memref_slice %arg9[%dma_start3A_139, %dma_start3A_143, %dma_start3A_144] : memref<6x1024x768xf32, #tpu.memory_space<vmem>> -> memref<1x1024x768xf32, #tpu.memory_space<vmem>>
    %dma_start3A_146 = tpu.memref_squeeze %dma_start3A_145 : memref<1x1024x768xf32, #tpu.memory_space<vmem>> -> memref<1024x768xf32, #tpu.memory_space<vmem>>
    %dma_start3A_147 = arith.constant 6144 : i32
    %dma_start3A_148 = arith.constant 0 : i32
    %dma_start3A_149 = tpu.memref_slice %arg3[%dma_start3A_147, %dma_start3A_148] : memref<16384x768xf32, #tpu.memory_space<any>> -> memref<1024x768xf32, #tpu.memory_space<any>>
    tpu.enqueue_dma source(%dma_start3A_149 : memref<1024x768xf32, #tpu.memory_space<any>>) target(%dma_start3A_146 : memref<1024x768xf32, #tpu.memory_space<vmem>>) target_semaphore(%dma_start3A_142 : memref<!tpu.dma_semaphore, #tpu.memory_space<semaphore_mem>>)
    %dma_wait3A_150 = arith.constant 1 : i32
    %dma_wait3A_151 = arith.constant 1 : i32
    %dma_wait3A_152 = tpu.memref_slice %arg11[%dma_wait3A_151] : memref<6x!tpu.dma_semaphore, #tpu.memory_space<semaphore_mem>> -> memref<1x!tpu.dma_semaphore, #tpu.memory_space<semaphore_mem>>
    %dma_wait3A_153 = tpu.memref_squeeze %dma_wait3A_152 : memref<1x!tpu.dma_semaphore, #tpu.memory_space<semaphore_mem>> -> memref<!tpu.dma_semaphore, #tpu.memory_space<semaphore_mem>>
    %dma_wait3A_154 = arith.constant 0 : i32
    %dma_wait3A_155 = arith.constant 0 : i32
    %dma_wait3A_156 = tpu.memref_slice %arg9[%dma_wait3A_150, %dma_wait3A_154, %dma_wait3A_155] : memref<6x1024x768xf32, #tpu.memory_space<vmem>> -> memref<1x1024x768xf32, #tpu.memory_space<vmem>>
    %dma_wait3A_157 = tpu.memref_squeeze %dma_wait3A_156 : memref<1x1024x768xf32, #tpu.memory_space<vmem>> -> memref<1024x768xf32, #tpu.memory_space<vmem>>
    %dma_wait3A_158 = arith.constant 1024 : i32
    %dma_wait3A_159 = arith.constant 0 : i32
    %dma_wait3A_160 = tpu.memref_slice %arg3[%dma_wait3A_158, %dma_wait3A_159] : memref<16384x768xf32, #tpu.memory_space<any>> -> memref<1024x768xf32, #tpu.memory_space<any>>
    tpu.wait_dma2 semaphore(%dma_wait3A_153 : memref<!tpu.dma_semaphore, #tpu.memory_space<semaphore_mem>>) src(%dma_wait3A_160 : memref<1024x768xf32, #tpu.memory_space<any>>) dst(%dma_wait3A_157 : memref<1024x768xf32, #tpu.memory_space<vmem>>)
    %get3A_161 = arith.constant 1024 : index
    %get3A_162 = arith.constant 0 : index
    %get3A_163 = vector.load %arg1[%get3A_161, %get3A_162] : memref<16384x1xi32, #tpu.memory_space<vmem>>, vector<1024x1xi32>
    %eq3A_164 = vector.broadcast %get3A_163 : vector<1024x1xi32> to vector<1024x128xi32>
    %eq3A_165 = arith.cmpi eq, %eq3A_164, %iota3A : vector<1024x128xi32>
    %convert_element_type3A_166 = arith.extui %eq3A_165 : vector<1024x128xi1> to vector<1024x128xi32>
    %convert_element_type3A_167 = arith.sitofp %convert_element_type3A_166 : vector<1024x128xi32> to vector<1024x128xf32>
    %get3A_168 = arith.constant 0 : index
    %get3A_169 = arith.constant 0 : index
    %get3A_170 = vector.load %arg4[%get3A_168, %get3A_169] : memref<128x128xf32, #tpu.memory_space<vmem>>, vector<128x128xf32>
    %dot_general3A_171 = arith.constant dense<0.000000e+00> : vector<1024x128xf32>
    %dot_general3A_172 = tpu.matmul %convert_element_type3A_167, %get3A_170, %dot_general3A_171 {dimension_numbers = #tpu.dot_dimension_numbers<[1], [0], [0], [1], [0, 0, 1, 1], [], []>, precision = #tpu.contract_precision<fp32>, transpose_lhs_hint = false} : vector<1024x128xf32>, vector<128x128xf32>, vector<1024x128xf32> -> vector<1024x128xf32>
    %swap3A_173 = arith.constant 1 : i32
    %swap3A_174 = arith.constant 0 : i32
    %swap3A_175 = arith.constant 0 : i32
    %swap3A_176 = tpu.memref_slice %arg10[%swap3A_173, %swap3A_174, %swap3A_175] : memref<6x1024x384xf32, #tpu.memory_space<vmem>> -> memref<1x1024x384xf32, #tpu.memory_space<vmem>>
    %swap3A_177 = tpu.memref_squeeze %swap3A_176 : memref<1x1024x384xf32, #tpu.memory_space<vmem>> -> memref<1024x384xf32, #tpu.memory_space<vmem>>
    %swap3A_178 = arith.constant 0 : index
    %swap3A_179 = arith.constant 0 : index
    %swap3A_180 = vector.load %swap3A_177[%swap3A_178, %swap3A_179] : memref<1024x384xf32, #tpu.memory_space<vmem>>, vector<1024x128xf32>
    tpu.vector_store %swap3A_177[%swap3A_178, %swap3A_179], %dot_general3A_172 {strides = array<i32>} : memref<1024x384xf32, #tpu.memory_space<vmem>>, vector<1024x128xf32>,
    %get3A_181 = arith.constant 1024 : index
    %get3A_182 = arith.constant 0 : index
    %get3A_183 = vector.load %arg2[%get3A_181, %get3A_182] : memref<16384x18xf32, #tpu.memory_space<vmem>>, vector<1024x18xf32>
    %get3A_184 = arith.constant 0 : index
    %get3A_185 = arith.constant 0 : index
    %get3A_186 = vector.load %arg5[%get3A_184, %get3A_185] : memref<18x128xf32, #tpu.memory_space<vmem>>, vector<18x128xf32>
    %dot_general3A_187 = arith.constant dense<0.000000e+00> : vector<1024x128xf32>
    %dot_general3A_188 = tpu.matmul %get3A_183, %get3A_186, %dot_general3A_187 {dimension_numbers = #tpu.dot_dimension_numbers<[1], [0], [0], [1], [0, 0, 1, 1], [], []>, transpose_lhs_hint = false} : vector<1024x18xf32>, vector<18x128xf32>, vector<1024x128xf32> -> vector<1024x128xf32>
    %swap3A_189 = arith.constant 1 : i32
    %swap3A_190 = arith.constant 0 : i32
    %swap3A_191 = arith.constant 0 : i32
    %swap3A_192 = tpu.memref_slice %arg10[%swap3A_189, %swap3A_190, %swap3A_191] : memref<6x1024x384xf32, #tpu.memory_space<vmem>> -> memref<1x1024x384xf32, #tpu.memory_space<vmem>>
    %swap3A_193 = tpu.memref_squeeze %swap3A_192 : memref<1x1024x384xf32, #tpu.memory_space<vmem>> -> memref<1024x384xf32, #tpu.memory_space<vmem>>
    %swap3A_194 = arith.constant 0 : index
    %swap3A_195 = arith.constant 128 : index
    %swap3A_196 = vector.load %swap3A_193[%swap3A_194, %swap3A_195] : memref<1024x384xf32, #tpu.memory_space<vmem>>, vector<1024x128xf32>
    tpu.vector_store %swap3A_193[%swap3A_194, %swap3A_195], %dot_general3A_188 {strides = array<i32>} : memref<1024x384xf32, #tpu.memory_space<vmem>>, vector<1024x128xf32>,
    %get3A_197 = arith.constant 1 : index
    %get3A_198 = arith.constant 0 : index
    %get3A_199 = arith.constant 0 : index
    %get3A_200 = vector.load %arg9[%get3A_197, %get3A_198, %get3A_199] : memref<6x1024x768xf32, #tpu.memory_space<vmem>>, vector<1x1024x768xf32>
    %get3A_201 = vector.shape_cast %get3A_200 : vector<1x1024x768xf32> to vector<1024x768xf32>
    %get3A_202 = arith.constant 0 : index
    %get3A_203 = arith.constant 0 : index
    %get3A_204 = vector.load %arg6[%get3A_202, %get3A_203] : memref<768x128xf32, #tpu.memory_space<vmem>>, vector<768x128xf32>
    %dot_general3A_205 = arith.constant dense<0.000000e+00> : vector<1024x128xf32>
    %dot_general3A_206 = tpu.matmul %get3A_201, %get3A_204, %dot_general3A_205 {dimension_numbers = #tpu.dot_dimension_numbers<[1], [0], [0], [1], [0, 0, 1, 1], [], []>, transpose_lhs_hint = false} : vector<1024x768xf32>, vector<768x128xf32>, vector<1024x128xf32> -> vector<1024x128xf32>
    %get3A_207 = arith.constant 0 : index
    %get3A_208 = arith.constant 0 : index
    %get3A_209 = vector.load %arg7[%get3A_207, %get3A_208] : memref<1x128xf32, #tpu.memory_space<vmem>>, vector<1x128xf32>
    %add3A_210 = vector.broadcast %get3A_209 : vector<1x128xf32> to vector<1024x128xf32>
    %add3A_211 = arith.addf %dot_general3A_206, %add3A_210 : vector<1024x128xf32>
    %swap3A_212 = arith.constant 1 : i32
    %swap3A_213 = arith.constant 0 : i32
    %swap3A_214 = arith.constant 0 : i32
    %swap3A_215 = tpu.memref_slice %arg10[%swap3A_212, %swap3A_213, %swap3A_214] : memref<6x1024x384xf32, #tpu.memory_space<vmem>> -> memref<1x1024x384xf32, #tpu.memory_space<vmem>>
    %swap3A_216 = tpu.memref_squeeze %swap3A_215 : memref<1x1024x384xf32, #tpu.memory_space<vmem>> -> memref<1024x384xf32, #tpu.memory_space<vmem>>
    %swap3A_217 = arith.constant 0 : index
    %swap3A_218 = arith.constant 256 : index
    %swap3A_219 = vector.load %swap3A_216[%swap3A_217, %swap3A_218] : memref<1024x384xf32, #tpu.memory_space<vmem>>, vector<1024x128xf32>
    tpu.vector_store %swap3A_216[%swap3A_217, %swap3A_218], %add3A_211 {strides = array<i32>} : memref<1024x384xf32, #tpu.memory_space<vmem>>, vector<1024x128xf32>,
    %dma_start3A_220 = arith.constant 1 : i32
    %dma_start3A_221 = arith.constant 1 : i32
    %dma_start3A_222 = tpu.memref_slice %arg12[%dma_start3A_221] : memref<6x!tpu.dma_semaphore, #tpu.memory_space<semaphore_mem>> -> memref<1x!tpu.dma_semaphore, #tpu.memory_space<semaphore_mem>>
    %dma_start3A_223 = tpu.memref_squeeze %dma_start3A_222 : memref<1x!tpu.dma_semaphore, #tpu.memory_space<semaphore_mem>> -> memref<!tpu.dma_semaphore, #tpu.memory_space<semaphore_mem>>
    %dma_start3A_224 = arith.constant 1024 : i32
    %dma_start3A_225 = arith.constant 128 : i32
    %dma_start3A_226 = tpu.memref_slice %arg8[%dma_start3A_224, %dma_start3A_225] : memref<16384x512xf32, #tpu.memory_space<any>> -> memref<1024x384xf32, #tpu.memory_space<any>>
    %dma_start3A_227 = arith.constant 0 : i32
    %dma_start3A_228 = arith.constant 0 : i32
    %dma_start3A_229 = tpu.memref_slice %arg10[%dma_start3A_220, %dma_start3A_227, %dma_start3A_228] : memref<6x1024x384xf32, #tpu.memory_space<vmem>> -> memref<1x1024x384xf32, #tpu.memory_space<vmem>>
    %dma_start3A_230 = tpu.memref_squeeze %dma_start3A_229 : memref<1x1024x384xf32, #tpu.memory_space<vmem>> -> memref<1024x384xf32, #tpu.memory_space<vmem>>
    tpu.enqueue_dma source(%dma_start3A_230 : memref<1024x384xf32, #tpu.memory_space<vmem>>) target(%dma_start3A_226 : memref<1024x384xf32, #tpu.memory_space<any>>) target_semaphore(%dma_start3A_223 : memref<!tpu.dma_semaphore, #tpu.memory_space<semaphore_mem>>)
    %dma_start3A_231 = arith.constant 1 : i32
    %dma_start3A_232 = arith.constant 1 : i32
    %dma_start3A_233 = tpu.memref_slice %arg11[%dma_start3A_232] : memref<6x!tpu.dma_semaphore, #tpu.memory_space<semaphore_mem>> -> memref<1x!tpu.dma_semaphore, #tpu.memory_space<semaphore_mem>>
    %dma_start3A_234 = tpu.memref_squeeze %dma_start3A_233 : memref<1x!tpu.dma_semaphore, #tpu.memory_space<semaphore_mem>> -> memref<!tpu.dma_semaphore, #tpu.memory_space<semaphore_mem>>
    %dma_start3A_235 = arith.constant 0 : i32
    %dma_start3A_236 = arith.constant 0 : i32
    %dma_start3A_237 = tpu.memref_slice %arg9[%dma_start3A_231, %dma_start3A_235, %dma_start3A_236] : memref<6x1024x768xf32, #tpu.memory_space<vmem>> -> memref<1x1024x768xf32, #tpu.memory_space<vmem>>
    %dma_start3A_238 = tpu.memref_squeeze %dma_start3A_237 : memref<1x1024x768xf32, #tpu.memory_space<vmem>> -> memref<1024x768xf32, #tpu.memory_space<vmem>>
    %dma_start3A_239 = arith.constant 7168 : i32
    %dma_start3A_240 = arith.constant 0 : i32
    %dma_start3A_241 = tpu.memref_slice %arg3[%dma_start3A_239, %dma_start3A_240] : memref<16384x768xf32, #tpu.memory_space<any>> -> memref<1024x768xf32, #tpu.memory_space<any>>
    tpu.enqueue_dma source(%dma_start3A_241 : memref<1024x768xf32, #tpu.memory_space<any>>) target(%dma_start3A_238 : memref<1024x768xf32, #tpu.memory_space<vmem>>) target_semaphore(%dma_start3A_234 : memref<!tpu.dma_semaphore, #tpu.memory_space<semaphore_mem>>)
    %dma_wait3A_242 = arith.constant 2 : i32
    %dma_wait3A_243 = arith.constant 2 : i32
    %dma_wait3A_244 = tpu.memref_slice %arg11[%dma_wait3A_243] : memref<6x!tpu.dma_semaphore, #tpu.memory_space<semaphore_mem>> -> memref<1x!tpu.dma_semaphore, #tpu.memory_space<semaphore_mem>>
    %dma_wait3A_245 = tpu.memref_squeeze %dma_wait3A_244 : memref<1x!tpu.dma_semaphore, #tpu.memory_space<semaphore_mem>> -> memref<!tpu.dma_semaphore, #tpu.memory_space<semaphore_mem>>
    %dma_wait3A_246 = arith.constant 0 : i32
    %dma_wait3A_247 = arith.constant 0 : i32
    %dma_wait3A_248 = tpu.memref_slice %arg9[%dma_wait3A_242, %dma_wait3A_246, %dma_wait3A_247] : memref<6x1024x768xf32, #tpu.memory_space<vmem>> -> memref<1x1024x768xf32, #tpu.memory_space<vmem>>
    %dma_wait3A_249 = tpu.memref_squeeze %dma_wait3A_248 : memref<1x1024x768xf32, #tpu.memory_space<vmem>> -> memref<1024x768xf32, #tpu.memory_space<vmem>>
    %dma_wait3A_250 = arith.constant 2048 : i32
    %dma_wait3A_251 = arith.constant 0 : i32
    %dma_wait3A_252 = tpu.memref_slice %arg3[%dma_wait3A_250, %dma_wait3A_251] : memref<16384x768xf32, #tpu.memory_space<any>> -> memref<1024x768xf32, #tpu.memory_space<any>>
    tpu.wait_dma2 semaphore(%dma_wait3A_245 : memref<!tpu.dma_semaphore, #tpu.memory_space<semaphore_mem>>) src(%dma_wait3A_252 : memref<1024x768xf32, #tpu.memory_space<any>>) dst(%dma_wait3A_249 : memref<1024x768xf32, #tpu.memory_space<vmem>>)
    %get3A_253 = arith.constant 2048 : index
    %get3A_254 = arith.constant 0 : index
    %get3A_255 = vector.load %arg1[%get3A_253, %get3A_254] : memref<16384x1xi32, #tpu.memory_space<vmem>>, vector<1024x1xi32>
    %eq3A_256 = vector.broadcast %get3A_255 : vector<1024x1xi32> to vector<1024x128xi32>
    %eq3A_257 = arith.cmpi eq, %eq3A_256, %iota3A : vector<1024x128xi32>
    %convert_element_type3A_258 = arith.extui %eq3A_257 : vector<1024x128xi1> to vector<1024x128xi32>
    %convert_element_type3A_259 = arith.sitofp %convert_element_type3A_258 : vector<1024x128xi32> to vector<1024x128xf32>
    %get3A_260 = arith.constant 0 : index
    %get3A_261 = arith.constant 0 : index
    %get3A_262 = vector.load %arg4[%get3A_260, %get3A_261] : memref<128x128xf32, #tpu.memory_space<vmem>>, vector<128x128xf32>
    %dot_general3A_263 = arith.constant dense<0.000000e+00> : vector<1024x128xf32>
    %dot_general3A_264 = tpu.matmul %convert_element_type3A_259, %get3A_262, %dot_general3A_263 {dimension_numbers = #tpu.dot_dimension_numbers<[1], [0], [0], [1], [0, 0, 1, 1], [], []>, precision = #tpu.contract_precision<fp32>, transpose_lhs_hint = false} : vector<1024x128xf32>, vector<128x128xf32>, vector<1024x128xf32> -> vector<1024x128xf32>
    %swap3A_265 = arith.constant 2 : i32
    %swap3A_266 = arith.constant 0 : i32
    %swap3A_267 = arith.constant 0 : i32
    %swap3A_268 = tpu.memref_slice %arg10[%swap3A_265, %swap3A_266, %swap3A_267] : memref<6x1024x384xf32, #tpu.memory_space<vmem>> -> memref<1x1024x384xf32, #tpu.memory_space<vmem>>
    %swap3A_269 = tpu.memref_squeeze %swap3A_268 : memref<1x1024x384xf32, #tpu.memory_space<vmem>> -> memref<1024x384xf32, #tpu.memory_space<vmem>>
    %swap3A_270 = arith.constant 0 : index
    %swap3A_271 = arith.constant 0 : index
    %swap3A_272 = vector.load %swap3A_269[%swap3A_270, %swap3A_271] : memref<1024x384xf32, #tpu.memory_space<vmem>>, vector<1024x128xf32>
    tpu.vector_store %swap3A_269[%swap3A_270, %swap3A_271], %dot_general3A_264 {strides = array<i32>} : memref<1024x384xf32, #tpu.memory_space<vmem>>, vector<1024x128xf32>,
    %get3A_273 = arith.constant 2048 : index
    %get3A_274 = arith.constant 0 : index
    %get3A_275 = vector.load %arg2[%get3A_273, %get3A_274] : memref<16384x18xf32, #tpu.memory_space<vmem>>, vector<1024x18xf32>
    %get3A_276 = arith.constant 0 : index
    %get3A_277 = arith.constant 0 : index
    %get3A_278 = vector.load %arg5[%get3A_276, %get3A_277] : memref<18x128xf32, #tpu.memory_space<vmem>>, vector<18x128xf32>
    %dot_general3A_279 = arith.constant dense<0.000000e+00> : vector<1024x128xf32>
    %dot_general3A_280 = tpu.matmul %get3A_275, %get3A_278, %dot_general3A_279 {dimension_numbers = #tpu.dot_dimension_numbers<[1], [0], [0], [1], [0, 0, 1, 1], [], []>, transpose_lhs_hint = false} : vector<1024x18xf32>, vector<18x128xf32>, vector<1024x128xf32> -> vector<1024x128xf32>
    %swap3A_281 = arith.constant 2 : i32
    %swap3A_282 = arith.constant 0 : i32
    %swap3A_283 = arith.constant 0 : i32
    %swap3A_284 = tpu.memref_slice %arg10[%swap3A_281, %swap3A_282, %swap3A_283] : memref<6x1024x384xf32, #tpu.memory_space<vmem>> -> memref<1x1024x384xf32, #tpu.memory_space<vmem>>
    %swap3A_285 = tpu.memref_squeeze %swap3A_284 : memref<1x1024x384xf32, #tpu.memory_space<vmem>> -> memref<1024x384xf32, #tpu.memory_space<vmem>>
    %swap3A_286 = arith.constant 0 : index
    %swap3A_287 = arith.constant 128 : index
    %swap3A_288 = vector.load %swap3A_285[%swap3A_286, %swap3A_287] : memref<1024x384xf32, #tpu.memory_space<vmem>>, vector<1024x128xf32>
    tpu.vector_store %swap3A_285[%swap3A_286, %swap3A_287], %dot_general3A_280 {strides = array<i32>} : memref<1024x384xf32, #tpu.memory_space<vmem>>, vector<1024x128xf32>,
    %get3A_289 = arith.constant 2 : index
    %get3A_290 = arith.constant 0 : index
    %get3A_291 = arith.constant 0 : index
    %get3A_292 = vector.load %arg9[%get3A_289, %get3A_290, %get3A_291] : memref<6x1024x768xf32, #tpu.memory_space<vmem>>, vector<1x1024x768xf32>
    %get3A_293 = vector.shape_cast %get3A_292 : vector<1x1024x768xf32> to vector<1024x768xf32>
    %get3A_294 = arith.constant 0 : index
    %get3A_295 = arith.constant 0 : index
    %get3A_296 = vector.load %arg6[%get3A_294, %get3A_295] : memref<768x128xf32, #tpu.memory_space<vmem>>, vector<768x128xf32>
    %dot_general3A_297 = arith.constant dense<0.000000e+00> : vector<1024x128xf32>
    %dot_general3A_298 = tpu.matmul %get3A_293, %get3A_296, %dot_general3A_297 {dimension_numbers = #tpu.dot_dimension_numbers<[1], [0], [0], [1], [0, 0, 1, 1], [], []>, transpose_lhs_hint = false} : vector<1024x768xf32>, vector<768x128xf32>, vector<1024x128xf32> -> vector<1024x128xf32>
    %get3A_299 = arith.constant 0 : index
    %get3A_300 = arith.constant 0 : index
    %get3A_301 = vector.load %arg7[%get3A_299, %get3A_300] : memref<1x128xf32, #tpu.memory_space<vmem>>, vector<1x128xf32>
    %add3A_302 = vector.broadcast %get3A_301 : vector<1x128xf32> to vector<1024x128xf32>
    %add3A_303 = arith.addf %dot_general3A_298, %add3A_302 : vector<1024x128xf32>
    %swap3A_304 = arith.constant 2 : i32
    %swap3A_305 = arith.constant 0 : i32
    %swap3A_306 = arith.constant 0 : i32
    %swap3A_307 = tpu.memref_slice %arg10[%swap3A_304, %swap3A_305, %swap3A_306] : memref<6x1024x384xf32, #tpu.memory_space<vmem>> -> memref<1x1024x384xf32, #tpu.memory_space<vmem>>
    %swap3A_308 = tpu.memref_squeeze %swap3A_307 : memref<1x1024x384xf32, #tpu.memory_space<vmem>> -> memref<1024x384xf32, #tpu.memory_space<vmem>>
    %swap3A_309 = arith.constant 0 : index
    %swap3A_310 = arith.constant 256 : index
    %swap3A_311 = vector.load %swap3A_308[%swap3A_309, %swap3A_310] : memref<1024x384xf32, #tpu.memory_space<vmem>>, vector<1024x128xf32>
    tpu.vector_store %swap3A_308[%swap3A_309, %swap3A_310], %add3A_303 {strides = array<i32>} : memref<1024x384xf32, #tpu.memory_space<vmem>>, vector<1024x128xf32>,
    %dma_start3A_312 = arith.constant 2 : i32
    %dma_start3A_313 = arith.constant 2 : i32
    %dma_start3A_314 = tpu.memref_slice %arg12[%dma_start3A_313] : memref<6x!tpu.dma_semaphore, #tpu.memory_space<semaphore_mem>> -> memref<1x!tpu.dma_semaphore, #tpu.memory_space<semaphore_mem>>
    %dma_start3A_315 = tpu.memref_squeeze %dma_start3A_314 : memref<1x!tpu.dma_semaphore, #tpu.memory_space<semaphore_mem>> -> memref<!tpu.dma_semaphore, #tpu.memory_space<semaphore_mem>>
    %dma_start3A_316 = arith.constant 2048 : i32
    %dma_start3A_317 = arith.constant 128 : i32
    %dma_start3A_318 = tpu.memref_slice %arg8[%dma_start3A_316, %dma_start3A_317] : memref<16384x512xf32, #tpu.memory_space<any>> -> memref<1024x384xf32, #tpu.memory_space<any>>
    %dma_start3A_319 = arith.constant 0 : i32
    %dma_start3A_320 = arith.constant 0 : i32
    %dma_start3A_321 = tpu.memref_slice %arg10[%dma_start3A_312, %dma_start3A_319, %dma_start3A_320] : memref<6x1024x384xf32, #tpu.memory_space<vmem>> -> memref<1x1024x384xf32, #tpu.memory_space<vmem>>
    %dma_start3A_322 = tpu.memref_squeeze %dma_start3A_321 : memref<1x1024x384xf32, #tpu.memory_space<vmem>> -> memref<1024x384xf32, #tpu.memory_space<vmem>>
    tpu.enqueue_dma source(%dma_start3A_322 : memref<1024x384xf32, #tpu.memory_space<vmem>>) target(%dma_start3A_318 : memref<1024x384xf32, #tpu.memory_space<any>>) target_semaphore(%dma_start3A_315 : memref<!tpu.dma_semaphore, #tpu.memory_space<semaphore_mem>>)
    %dma_start3A_323 = arith.constant 2 : i32
    %dma_start3A_324 = arith.constant 2 : i32
    %dma_start3A_325 = tpu.memref_slice %arg11[%dma_start3A_324] : memref<6x!tpu.dma_semaphore, #tpu.memory_space<semaphore_mem>> -> memref<1x!tpu.dma_semaphore, #tpu.memory_space<semaphore_mem>>
    %dma_start3A_326 = tpu.memref_squeeze %dma_start3A_325 : memref<1x!tpu.dma_semaphore, #tpu.memory_space<semaphore_mem>> -> memref<!tpu.dma_semaphore, #tpu.memory_space<semaphore_mem>>
    %dma_start3A_327 = arith.constant 0 : i32
    %dma_start3A_328 = arith.constant 0 : i32
    %dma_start3A_329 = tpu.memref_slice %arg9[%dma_start3A_323, %dma_start3A_327, %dma_start3A_328] : memref<6x1024x768xf32, #tpu.memory_space<vmem>> -> memref<1x1024x768xf32, #tpu.memory_space<vmem>>
    %dma_start3A_330 = tpu.memref_squeeze %dma_start3A_329 : memref<1x1024x768xf32, #tpu.memory_space<vmem>> -> memref<1024x768xf32, #tpu.memory_space<vmem>>
    %dma_start3A_331 = arith.constant 8192 : i32
    %dma_start3A_332 = arith.constant 0 : i32
    %dma_start3A_333 = tpu.memref_slice %arg3[%dma_start3A_331, %dma_start3A_332] : memref<16384x768xf32, #tpu.memory_space<any>> -> memref<1024x768xf32, #tpu.memory_space<any>>
    tpu.enqueue_dma source(%dma_start3A_333 : memref<1024x768xf32, #tpu.memory_space<any>>) target(%dma_start3A_330 : memref<1024x768xf32, #tpu.memory_space<vmem>>) target_semaphore(%dma_start3A_326 : memref<!tpu.dma_semaphore, #tpu.memory_space<semaphore_mem>>)
    %dma_wait3A_334 = arith.constant 3 : i32
    %dma_wait3A_335 = arith.constant 3 : i32
    %dma_wait3A_336 = tpu.memref_slice %arg11[%dma_wait3A_335] : memref<6x!tpu.dma_semaphore, #tpu.memory_space<semaphore_mem>> -> memref<1x!tpu.dma_semaphore, #tpu.memory_space<semaphore_mem>>
    %dma_wait3A_337 = tpu.memref_squeeze %dma_wait3A_336 : memref<1x!tpu.dma_semaphore, #tpu.memory_space<semaphore_mem>> -> memref<!tpu.dma_semaphore, #tpu.memory_space<semaphore_mem>>
    %dma_wait3A_338 = arith.constant 0 : i32
    %dma_wait3A_339 = arith.constant 0 : i32
    %dma_wait3A_340 = tpu.memref_slice %arg9[%dma_wait3A_334, %dma_wait3A_338, %dma_wait3A_339] : memref<6x1024x768xf32, #tpu.memory_space<vmem>> -> memref<1x1024x768xf32, #tpu.memory_space<vmem>>
    %dma_wait3A_341 = tpu.memref_squeeze %dma_wait3A_340 : memref<1x1024x768xf32, #tpu.memory_space<vmem>> -> memref<1024x768xf32, #tpu.memory_space<vmem>>
    %dma_wait3A_342 = arith.constant 3072 : i32
    %dma_wait3A_343 = arith.constant 0 : i32
    %dma_wait3A_344 = tpu.memref_slice %arg3[%dma_wait3A_342, %dma_wait3A_343] : memref<16384x768xf32, #tpu.memory_space<any>> -> memref<1024x768xf32, #tpu.memory_space<any>>
    tpu.wait_dma2 semaphore(%dma_wait3A_337 : memref<!tpu.dma_semaphore, #tpu.memory_space<semaphore_mem>>) src(%dma_wait3A_344 : memref<1024x768xf32, #tpu.memory_space<any>>) dst(%dma_wait3A_341 : memref<1024x768xf32, #tpu.memory_space<vmem>>)
    %get3A_345 = arith.constant 3072 : index
    %get3A_346 = arith.constant 0 : index
    %get3A_347 = vector.load %arg1[%get3A_345, %get3A_346] : memref<16384x1xi32, #tpu.memory_space<vmem>>, vector<1024x1xi32>
    %eq3A_348 = vector.broadcast %get3A_347 : vector<1024x1xi32> to vector<1024x128xi32>
    %eq3A_349 = arith.cmpi eq, %eq3A_348, %iota3A : vector<1024x128xi32>
    %convert_element_type3A_350 = arith.extui %eq3A_349 : vector<1024x128xi1> to vector<1024x128xi32>
    %convert_element_type3A_351 = arith.sitofp %convert_element_type3A_350 : vector<1024x128xi32> to vector<1024x128xf32>
    %get3A_352 = arith.constant 0 : index
    %get3A_353 = arith.constant 0 : index
    %get3A_354 = vector.load %arg4[%get3A_352, %get3A_353] : memref<128x128xf32, #tpu.memory_space<vmem>>, vector<128x128xf32>
    %dot_general3A_355 = arith.constant dense<0.000000e+00> : vector<1024x128xf32>
    %dot_general3A_356 = tpu.matmul %convert_element_type3A_351, %get3A_354, %dot_general3A_355 {dimension_numbers = #tpu.dot_dimension_numbers<[1], [0], [0], [1], [0, 0, 1, 1], [], []>, precision = #tpu.contract_precision<fp32>, transpose_lhs_hint = false} : vector<1024x128xf32>, vector<128x128xf32>, vector<1024x128xf32> -> vector<1024x128xf32>
    %swap3A_357 = arith.constant 3 : i32
    %swap3A_358 = arith.constant 0 : i32
    %swap3A_359 = arith.constant 0 : i32
    %swap3A_360 = tpu.memref_slice %arg10[%swap3A_357, %swap3A_358, %swap3A_359] : memref<6x1024x384xf32, #tpu.memory_space<vmem>> -> memref<1x1024x384xf32, #tpu.memory_space<vmem>>
    %swap3A_361 = tpu.memref_squeeze %swap3A_360 : memref<1x1024x384xf32, #tpu.memory_space<vmem>> -> memref<1024x384xf32, #tpu.memory_space<vmem>>
    %swap3A_362 = arith.constant 0 : index
    %swap3A_363 = arith.constant 0 : index
    %swap3A_364 = vector.load %swap3A_361[%swap3A_362, %swap3A_363] : memref<1024x384xf32, #tpu.memory_space<vmem>>, vector<1024x128xf32>
    tpu.vector_store %swap3A_361[%swap3A_362, %swap3A_363], %dot_general3A_356 {strides = array<i32>} : memref<1024x384xf32, #tpu.memory_space<vmem>>, vector<1024x128xf32>,
    %get3A_365 = arith.constant 3072 : index
    %get3A_366 = arith.constant 0 : index
    %get3A_367 = vector.load %arg2[%get3A_365, %get3A_366] : memref<16384x18xf32, #tpu.memory_space<vmem>>, vector<1024x18xf32>
    %get3A_368 = arith.constant 0 : index
    %get3A_369 = arith.constant 0 : index
    %get3A_370 = vector.load %arg5[%get3A_368, %get3A_369] : memref<18x128xf32, #tpu.memory_space<vmem>>, vector<18x128xf32>
    %dot_general3A_371 = arith.constant dense<0.000000e+00> : vector<1024x128xf32>
    %dot_general3A_372 = tpu.matmul %get3A_367, %get3A_370, %dot_general3A_371 {dimension_numbers = #tpu.dot_dimension_numbers<[1], [0], [0], [1], [0, 0, 1, 1], [], []>, transpose_lhs_hint = false} : vector<1024x18xf32>, vector<18x128xf32>, vector<1024x128xf32> -> vector<1024x128xf32>
    %swap3A_373 = arith.constant 3 : i32
    %swap3A_374 = arith.constant 0 : i32
    %swap3A_375 = arith.constant 0 : i32
    %swap3A_376 = tpu.memref_slice %arg10[%swap3A_373, %swap3A_374, %swap3A_375] : memref<6x1024x384xf32, #tpu.memory_space<vmem>> -> memref<1x1024x384xf32, #tpu.memory_space<vmem>>
    %swap3A_377 = tpu.memref_squeeze %swap3A_376 : memref<1x1024x384xf32, #tpu.memory_space<vmem>> -> memref<1024x384xf32, #tpu.memory_space<vmem>>
    %swap3A_378 = arith.constant 0 : index
    %swap3A_379 = arith.constant 128 : index
    %swap3A_380 = vector.load %swap3A_377[%swap3A_378, %swap3A_379] : memref<1024x384xf32, #tpu.memory_space<vmem>>, vector<1024x128xf32>
    tpu.vector_store %swap3A_377[%swap3A_378, %swap3A_379], %dot_general3A_372 {strides = array<i32>} : memref<1024x384xf32, #tpu.memory_space<vmem>>, vector<1024x128xf32>,
    %get3A_381 = arith.constant 3 : index
    %get3A_382 = arith.constant 0 : index
    %get3A_383 = arith.constant 0 : index
    %get3A_384 = vector.load %arg9[%get3A_381, %get3A_382, %get3A_383] : memref<6x1024x768xf32, #tpu.memory_space<vmem>>, vector<1x1024x768xf32>
    %get3A_385 = vector.shape_cast %get3A_384 : vector<1x1024x768xf32> to vector<1024x768xf32>
    %get3A_386 = arith.constant 0 : index
    %get3A_387 = arith.constant 0 : index
    %get3A_388 = vector.load %arg6[%get3A_386, %get3A_387] : memref<768x128xf32, #tpu.memory_space<vmem>>, vector<768x128xf32>
    %dot_general3A_389 = arith.constant dense<0.000000e+00> : vector<1024x128xf32>
    %dot_general3A_390 = tpu.matmul %get3A_385, %get3A_388, %dot_general3A_389 {dimension_numbers = #tpu.dot_dimension_numbers<[1], [0], [0], [1], [0, 0, 1, 1], [], []>, transpose_lhs_hint = false} : vector<1024x768xf32>, vector<768x128xf32>, vector<1024x128xf32> -> vector<1024x128xf32>
    %get3A_391 = arith.constant 0 : index
    %get3A_392 = arith.constant 0 : index
    %get3A_393 = vector.load %arg7[%get3A_391, %get3A_392] : memref<1x128xf32, #tpu.memory_space<vmem>>, vector<1x128xf32>
    %add3A_394 = vector.broadcast %get3A_393 : vector<1x128xf32> to vector<1024x128xf32>
    %add3A_395 = arith.addf %dot_general3A_390, %add3A_394 : vector<1024x128xf32>
    %swap3A_396 = arith.constant 3 : i32
    %swap3A_397 = arith.constant 0 : i32
    %swap3A_398 = arith.constant 0 : i32
    %swap3A_399 = tpu.memref_slice %arg10[%swap3A_396, %swap3A_397, %swap3A_398] : memref<6x1024x384xf32, #tpu.memory_space<vmem>> -> memref<1x1024x384xf32, #tpu.memory_space<vmem>>
    %swap3A_400 = tpu.memref_squeeze %swap3A_399 : memref<1x1024x384xf32, #tpu.memory_space<vmem>> -> memref<1024x384xf32, #tpu.memory_space<vmem>>
    %swap3A_401 = arith.constant 0 : index
    %swap3A_402 = arith.constant 256 : index
    %swap3A_403 = vector.load %swap3A_400[%swap3A_401, %swap3A_402] : memref<1024x384xf32, #tpu.memory_space<vmem>>, vector<1024x128xf32>
    tpu.vector_store %swap3A_400[%swap3A_401, %swap3A_402], %add3A_395 {strides = array<i32>} : memref<1024x384xf32, #tpu.memory_space<vmem>>, vector<1024x128xf32>,
    %dma_start3A_404 = arith.constant 3 : i32
    %dma_start3A_405 = arith.constant 3 : i32
    %dma_start3A_406 = tpu.memref_slice %arg12[%dma_start3A_405] : memref<6x!tpu.dma_semaphore, #tpu.memory_space<semaphore_mem>> -> memref<1x!tpu.dma_semaphore, #tpu.memory_space<semaphore_mem>>
    %dma_start3A_407 = tpu.memref_squeeze %dma_start3A_406 : memref<1x!tpu.dma_semaphore, #tpu.memory_space<semaphore_mem>> -> memref<!tpu.dma_semaphore, #tpu.memory_space<semaphore_mem>>
    %dma_start3A_408 = arith.constant 3072 : i32
    %dma_start3A_409 = arith.constant 128 : i32
    %dma_start3A_410 = tpu.memref_slice %arg8[%dma_start3A_408, %dma_start3A_409] : memref<16384x512xf32, #tpu.memory_space<any>> -> memref<1024x384xf32, #tpu.memory_space<any>>
    %dma_start3A_411 = arith.constant 0 : i32
    %dma_start3A_412 = arith.constant 0 : i32
    %dma_start3A_413 = tpu.memref_slice %arg10[%dma_start3A_404, %dma_start3A_411, %dma_start3A_412] : memref<6x1024x384xf32, #tpu.memory_space<vmem>> -> memref<1x1024x384xf32, #tpu.memory_space<vmem>>
    %dma_start3A_414 = tpu.memref_squeeze %dma_start3A_413 : memref<1x1024x384xf32, #tpu.memory_space<vmem>> -> memref<1024x384xf32, #tpu.memory_space<vmem>>
    tpu.enqueue_dma source(%dma_start3A_414 : memref<1024x384xf32, #tpu.memory_space<vmem>>) target(%dma_start3A_410 : memref<1024x384xf32, #tpu.memory_space<any>>) target_semaphore(%dma_start3A_407 : memref<!tpu.dma_semaphore, #tpu.memory_space<semaphore_mem>>)
    %dma_start3A_415 = arith.constant 3 : i32
    %dma_start3A_416 = arith.constant 3 : i32
    %dma_start3A_417 = tpu.memref_slice %arg11[%dma_start3A_416] : memref<6x!tpu.dma_semaphore, #tpu.memory_space<semaphore_mem>> -> memref<1x!tpu.dma_semaphore, #tpu.memory_space<semaphore_mem>>
    %dma_start3A_418 = tpu.memref_squeeze %dma_start3A_417 : memref<1x!tpu.dma_semaphore, #tpu.memory_space<semaphore_mem>> -> memref<!tpu.dma_semaphore, #tpu.memory_space<semaphore_mem>>
    %dma_start3A_419 = arith.constant 0 : i32
    %dma_start3A_420 = arith.constant 0 : i32
    %dma_start3A_421 = tpu.memref_slice %arg9[%dma_start3A_415, %dma_start3A_419, %dma_start3A_420] : memref<6x1024x768xf32, #tpu.memory_space<vmem>> -> memref<1x1024x768xf32, #tpu.memory_space<vmem>>
    %dma_start3A_422 = tpu.memref_squeeze %dma_start3A_421 : memref<1x1024x768xf32, #tpu.memory_space<vmem>> -> memref<1024x768xf32, #tpu.memory_space<vmem>>
    %dma_start3A_423 = arith.constant 9216 : i32
    %dma_start3A_424 = arith.constant 0 : i32
    %dma_start3A_425 = tpu.memref_slice %arg3[%dma_start3A_423, %dma_start3A_424] : memref<16384x768xf32, #tpu.memory_space<any>> -> memref<1024x768xf32, #tpu.memory_space<any>>
    tpu.enqueue_dma source(%dma_start3A_425 : memref<1024x768xf32, #tpu.memory_space<any>>) target(%dma_start3A_422 : memref<1024x768xf32, #tpu.memory_space<vmem>>) target_semaphore(%dma_start3A_418 : memref<!tpu.dma_semaphore, #tpu.memory_space<semaphore_mem>>)
    %dma_wait3A_426 = arith.constant 4 : i32
    %dma_wait3A_427 = arith.constant 4 : i32
    %dma_wait3A_428 = tpu.memref_slice %arg11[%dma_wait3A_427] : memref<6x!tpu.dma_semaphore, #tpu.memory_space<semaphore_mem>> -> memref<1x!tpu.dma_semaphore, #tpu.memory_space<semaphore_mem>>
    %dma_wait3A_429 = tpu.memref_squeeze %dma_wait3A_428 : memref<1x!tpu.dma_semaphore, #tpu.memory_space<semaphore_mem>> -> memref<!tpu.dma_semaphore, #tpu.memory_space<semaphore_mem>>
    %dma_wait3A_430 = arith.constant 0 : i32
    %dma_wait3A_431 = arith.constant 0 : i32
    %dma_wait3A_432 = tpu.memref_slice %arg9[%dma_wait3A_426, %dma_wait3A_430, %dma_wait3A_431] : memref<6x1024x768xf32, #tpu.memory_space<vmem>> -> memref<1x1024x768xf32, #tpu.memory_space<vmem>>
    %dma_wait3A_433 = tpu.memref_squeeze %dma_wait3A_432 : memref<1x1024x768xf32, #tpu.memory_space<vmem>> -> memref<1024x768xf32, #tpu.memory_space<vmem>>
    %dma_wait3A_434 = arith.constant 4096 : i32
    %dma_wait3A_435 = arith.constant 0 : i32
    %dma_wait3A_436 = tpu.memref_slice %arg3[%dma_wait3A_434, %dma_wait3A_435] : memref<16384x768xf32, #tpu.memory_space<any>> -> memref<1024x768xf32, #tpu.memory_space<any>>
    tpu.wait_dma2 semaphore(%dma_wait3A_429 : memref<!tpu.dma_semaphore, #tpu.memory_space<semaphore_mem>>) src(%dma_wait3A_436 : memref<1024x768xf32, #tpu.memory_space<any>>) dst(%dma_wait3A_433 : memref<1024x768xf32, #tpu.memory_space<vmem>>)
    %get3A_437 = arith.constant 4096 : index
    %get3A_438 = arith.constant 0 : index
    %get3A_439 = vector.load %arg1[%get3A_437, %get3A_438] : memref<16384x1xi32, #tpu.memory_space<vmem>>, vector<1024x1xi32>
    %eq3A_440 = vector.broadcast %get3A_439 : vector<1024x1xi32> to vector<1024x128xi32>
    %eq3A_441 = arith.cmpi eq, %eq3A_440, %iota3A : vector<1024x128xi32>
    %convert_element_type3A_442 = arith.extui %eq3A_441 : vector<1024x128xi1> to vector<1024x128xi32>
    %convert_element_type3A_443 = arith.sitofp %convert_element_type3A_442 : vector<1024x128xi32> to vector<1024x128xf32>
    %get3A_444 = arith.constant 0 : index
    %get3A_445 = arith.constant 0 : index
    %get3A_446 = vector.load %arg4[%get3A_444, %get3A_445] : memref<128x128xf32, #tpu.memory_space<vmem>>, vector<128x128xf32>
    %dot_general3A_447 = arith.constant dense<0.000000e+00> : vector<1024x128xf32>
    %dot_general3A_448 = tpu.matmul %convert_element_type3A_443, %get3A_446, %dot_general3A_447 {dimension_numbers = #tpu.dot_dimension_numbers<[1], [0], [0], [1], [0, 0, 1, 1], [], []>, precision = #tpu.contract_precision<fp32>, transpose_lhs_hint = false} : vector<1024x128xf32>, vector<128x128xf32>, vector<1024x128xf32> -> vector<1024x128xf32>
    %swap3A_449 = arith.constant 4 : i32
    %swap3A_450 = arith.constant 0 : i32
    %swap3A_451 = arith.constant 0 : i32
    %swap3A_452 = tpu.memref_slice %arg10[%swap3A_449, %swap3A_450, %swap3A_451] : memref<6x1024x384xf32, #tpu.memory_space<vmem>> -> memref<1x1024x384xf32, #tpu.memory_space<vmem>>
    %swap3A_453 = tpu.memref_squeeze %swap3A_452 : memref<1x1024x384xf32, #tpu.memory_space<vmem>> -> memref<1024x384xf32, #tpu.memory_space<vmem>>
    %swap3A_454 = arith.constant 0 : index
    %swap3A_455 = arith.constant 0 : index
    %swap3A_456 = vector.load %swap3A_453[%swap3A_454, %swap3A_455] : memref<1024x384xf32, #tpu.memory_space<vmem>>, vector<1024x128xf32>
    tpu.vector_store %swap3A_453[%swap3A_454, %swap3A_455], %dot_general3A_448 {strides = array<i32>} : memref<1024x384xf32, #tpu.memory_space<vmem>>, vector<1024x128xf32>,
    %get3A_457 = arith.constant 4096 : index
    %get3A_458 = arith.constant 0 : index
    %get3A_459 = vector.load %arg2[%get3A_457, %get3A_458] : memref<16384x18xf32, #tpu.memory_space<vmem>>, vector<1024x18xf32>
    %get3A_460 = arith.constant 0 : index
    %get3A_461 = arith.constant 0 : index
    %get3A_462 = vector.load %arg5[%get3A_460, %get3A_461] : memref<18x128xf32, #tpu.memory_space<vmem>>, vector<18x128xf32>
    %dot_general3A_463 = arith.constant dense<0.000000e+00> : vector<1024x128xf32>
    %dot_general3A_464 = tpu.matmul %get3A_459, %get3A_462, %dot_general3A_463 {dimension_numbers = #tpu.dot_dimension_numbers<[1], [0], [0], [1], [0, 0, 1, 1], [], []>, transpose_lhs_hint = false} : vector<1024x18xf32>, vector<18x128xf32>, vector<1024x128xf32> -> vector<1024x128xf32>
    %swap3A_465 = arith.constant 4 : i32
    %swap3A_466 = arith.constant 0 : i32
    %swap3A_467 = arith.constant 0 : i32
    %swap3A_468 = tpu.memref_slice %arg10[%swap3A_465, %swap3A_466, %swap3A_467] : memref<6x1024x384xf32, #tpu.memory_space<vmem>> -> memref<1x1024x384xf32, #tpu.memory_space<vmem>>
    %swap3A_469 = tpu.memref_squeeze %swap3A_468 : memref<1x1024x384xf32, #tpu.memory_space<vmem>> -> memref<1024x384xf32, #tpu.memory_space<vmem>>
    %swap3A_470 = arith.constant 0 : index
    %swap3A_471 = arith.constant 128 : index
    %swap3A_472 = vector.load %swap3A_469[%swap3A_470, %swap3A_471] : memref<1024x384xf32, #tpu.memory_space<vmem>>, vector<1024x128xf32>
    tpu.vector_store %swap3A_469[%swap3A_470, %swap3A_471], %dot_general3A_464 {strides = array<i32>} : memref<1024x384xf32, #tpu.memory_space<vmem>>, vector<1024x128xf32>,
    %get3A_473 = arith.constant 4 : index
    %get3A_474 = arith.constant 0 : index
    %get3A_475 = arith.constant 0 : index
    %get3A_476 = vector.load %arg9[%get3A_473, %get3A_474, %get3A_475] : memref<6x1024x768xf32, #tpu.memory_space<vmem>>, vector<1x1024x768xf32>
    %get3A_477 = vector.shape_cast %get3A_476 : vector<1x1024x768xf32> to vector<1024x768xf32>
    %get3A_478 = arith.constant 0 : index
    %get3A_479 = arith.constant 0 : index
    %get3A_480 = vector.load %arg6[%get3A_478, %get3A_479] : memref<768x128xf32, #tpu.memory_space<vmem>>, vector<768x128xf32>
    %dot_general3A_481 = arith.constant dense<0.000000e+00> : vector<1024x128xf32>
    %dot_general3A_482 = tpu.matmul %get3A_477, %get3A_480, %dot_general3A_481 {dimension_numbers = #tpu.dot_dimension_numbers<[1], [0], [0], [1], [0, 0, 1, 1], [], []>, transpose_lhs_hint = false} : vector<1024x768xf32>, vector<768x128xf32>, vector<1024x128xf32> -> vector<1024x128xf32>
    %get3A_483 = arith.constant 0 : index
    %get3A_484 = arith.constant 0 : index
    %get3A_485 = vector.load %arg7[%get3A_483, %get3A_484] : memref<1x128xf32, #tpu.memory_space<vmem>>, vector<1x128xf32>
    %add3A_486 = vector.broadcast %get3A_485 : vector<1x128xf32> to vector<1024x128xf32>
    %add3A_487 = arith.addf %dot_general3A_482, %add3A_486 : vector<1024x128xf32>
    %swap3A_488 = arith.constant 4 : i32
    %swap3A_489 = arith.constant 0 : i32
    %swap3A_490 = arith.constant 0 : i32
    %swap3A_491 = tpu.memref_slice %arg10[%swap3A_488, %swap3A_489, %swap3A_490] : memref<6x1024x384xf32, #tpu.memory_space<vmem>> -> memref<1x1024x384xf32, #tpu.memory_space<vmem>>
    %swap3A_492 = tpu.memref_squeeze %swap3A_491 : memref<1x1024x384xf32, #tpu.memory_space<vmem>> -> memref<1024x384xf32, #tpu.memory_space<vmem>>
    %swap3A_493 = arith.constant 0 : index
    %swap3A_494 = arith.constant 256 : index
    %swap3A_495 = vector.load %swap3A_492[%swap3A_493, %swap3A_494] : memref<1024x384xf32, #tpu.memory_space<vmem>>, vector<1024x128xf32>
    tpu.vector_store %swap3A_492[%swap3A_493, %swap3A_494], %add3A_487 {strides = array<i32>} : memref<1024x384xf32, #tpu.memory_space<vmem>>, vector<1024x128xf32>,
    %dma_start3A_496 = arith.constant 4 : i32
    %dma_start3A_497 = arith.constant 4 : i32
    %dma_start3A_498 = tpu.memref_slice %arg12[%dma_start3A_497] : memref<6x!tpu.dma_semaphore, #tpu.memory_space<semaphore_mem>> -> memref<1x!tpu.dma_semaphore, #tpu.memory_space<semaphore_mem>>
    %dma_start3A_499 = tpu.memref_squeeze %dma_start3A_498 : memref<1x!tpu.dma_semaphore, #tpu.memory_space<semaphore_mem>> -> memref<!tpu.dma_semaphore, #tpu.memory_space<semaphore_mem>>
    %dma_start3A_500 = arith.constant 4096 : i32
    %dma_start3A_501 = arith.constant 128 : i32
    %dma_start3A_502 = tpu.memref_slice %arg8[%dma_start3A_500, %dma_start3A_501] : memref<16384x512xf32, #tpu.memory_space<any>> -> memref<1024x384xf32, #tpu.memory_space<any>>
    %dma_start3A_503 = arith.constant 0 : i32
    %dma_start3A_504 = arith.constant 0 : i32
    %dma_start3A_505 = tpu.memref_slice %arg10[%dma_start3A_496, %dma_start3A_503, %dma_start3A_504] : memref<6x1024x384xf32, #tpu.memory_space<vmem>> -> memref<1x1024x384xf32, #tpu.memory_space<vmem>>
    %dma_start3A_506 = tpu.memref_squeeze %dma_start3A_505 : memref<1x1024x384xf32, #tpu.memory_space<vmem>> -> memref<1024x384xf32, #tpu.memory_space<vmem>>
    tpu.enqueue_dma source(%dma_start3A_506 : memref<1024x384xf32, #tpu.memory_space<vmem>>) target(%dma_start3A_502 : memref<1024x384xf32, #tpu.memory_space<any>>) target_semaphore(%dma_start3A_499 : memref<!tpu.dma_semaphore, #tpu.memory_space<semaphore_mem>>)
    %dma_start3A_507 = arith.constant 4 : i32
    %dma_start3A_508 = arith.constant 4 : i32
    %dma_start3A_509 = tpu.memref_slice %arg11[%dma_start3A_508] : memref<6x!tpu.dma_semaphore, #tpu.memory_space<semaphore_mem>> -> memref<1x!tpu.dma_semaphore, #tpu.memory_space<semaphore_mem>>
    %dma_start3A_510 = tpu.memref_squeeze %dma_start3A_509 : memref<1x!tpu.dma_semaphore, #tpu.memory_space<semaphore_mem>> -> memref<!tpu.dma_semaphore, #tpu.memory_space<semaphore_mem>>
    %dma_start3A_511 = arith.constant 0 : i32
    %dma_start3A_512 = arith.constant 0 : i32
    %dma_start3A_513 = tpu.memref_slice %arg9[%dma_start3A_507, %dma_start3A_511, %dma_start3A_512] : memref<6x1024x768xf32, #tpu.memory_space<vmem>> -> memref<1x1024x768xf32, #tpu.memory_space<vmem>>
    %dma_start3A_514 = tpu.memref_squeeze %dma_start3A_513 : memref<1x1024x768xf32, #tpu.memory_space<vmem>> -> memref<1024x768xf32, #tpu.memory_space<vmem>>
    %dma_start3A_515 = arith.constant 10240 : i32
    %dma_start3A_516 = arith.constant 0 : i32
    %dma_start3A_517 = tpu.memref_slice %arg3[%dma_start3A_515, %dma_start3A_516] : memref<16384x768xf32, #tpu.memory_space<any>> -> memref<1024x768xf32, #tpu.memory_space<any>>
    tpu.enqueue_dma source(%dma_start3A_517 : memref<1024x768xf32, #tpu.memory_space<any>>) target(%dma_start3A_514 : memref<1024x768xf32, #tpu.memory_space<vmem>>) target_semaphore(%dma_start3A_510 : memref<!tpu.dma_semaphore, #tpu.memory_space<semaphore_mem>>)
    %dma_wait3A_518 = arith.constant 5 : i32
    %dma_wait3A_519 = arith.constant 5 : i32
    %dma_wait3A_520 = tpu.memref_slice %arg11[%dma_wait3A_519] : memref<6x!tpu.dma_semaphore, #tpu.memory_space<semaphore_mem>> -> memref<1x!tpu.dma_semaphore, #tpu.memory_space<semaphore_mem>>
    %dma_wait3A_521 = tpu.memref_squeeze %dma_wait3A_520 : memref<1x!tpu.dma_semaphore, #tpu.memory_space<semaphore_mem>> -> memref<!tpu.dma_semaphore, #tpu.memory_space<semaphore_mem>>
    %dma_wait3A_522 = arith.constant 0 : i32
    %dma_wait3A_523 = arith.constant 0 : i32
    %dma_wait3A_524 = tpu.memref_slice %arg9[%dma_wait3A_518, %dma_wait3A_522, %dma_wait3A_523] : memref<6x1024x768xf32, #tpu.memory_space<vmem>> -> memref<1x1024x768xf32, #tpu.memory_space<vmem>>
    %dma_wait3A_525 = tpu.memref_squeeze %dma_wait3A_524 : memref<1x1024x768xf32, #tpu.memory_space<vmem>> -> memref<1024x768xf32, #tpu.memory_space<vmem>>
    %dma_wait3A_526 = arith.constant 5120 : i32
    %dma_wait3A_527 = arith.constant 0 : i32
    %dma_wait3A_528 = tpu.memref_slice %arg3[%dma_wait3A_526, %dma_wait3A_527] : memref<16384x768xf32, #tpu.memory_space<any>> -> memref<1024x768xf32, #tpu.memory_space<any>>
    tpu.wait_dma2 semaphore(%dma_wait3A_521 : memref<!tpu.dma_semaphore, #tpu.memory_space<semaphore_mem>>) src(%dma_wait3A_528 : memref<1024x768xf32, #tpu.memory_space<any>>) dst(%dma_wait3A_525 : memref<1024x768xf32, #tpu.memory_space<vmem>>)
    %get3A_529 = arith.constant 5120 : index
    %get3A_530 = arith.constant 0 : index
    %get3A_531 = vector.load %arg1[%get3A_529, %get3A_530] : memref<16384x1xi32, #tpu.memory_space<vmem>>, vector<1024x1xi32>
    %eq3A_532 = vector.broadcast %get3A_531 : vector<1024x1xi32> to vector<1024x128xi32>
    %eq3A_533 = arith.cmpi eq, %eq3A_532, %iota3A : vector<1024x128xi32>
    %convert_element_type3A_534 = arith.extui %eq3A_533 : vector<1024x128xi1> to vector<1024x128xi32>
    %convert_element_type3A_535 = arith.sitofp %convert_element_type3A_534 : vector<1024x128xi32> to vector<1024x128xf32>
    %get3A_536 = arith.constant 0 : index
    %get3A_537 = arith.constant 0 : index
    %get3A_538 = vector.load %arg4[%get3A_536, %get3A_537] : memref<128x128xf32, #tpu.memory_space<vmem>>, vector<128x128xf32>
    %dot_general3A_539 = arith.constant dense<0.000000e+00> : vector<1024x128xf32>
    %dot_general3A_540 = tpu.matmul %convert_element_type3A_535, %get3A_538, %dot_general3A_539 {dimension_numbers = #tpu.dot_dimension_numbers<[1], [0], [0], [1], [0, 0, 1, 1], [], []>, precision = #tpu.contract_precision<fp32>, transpose_lhs_hint = false} : vector<1024x128xf32>, vector<128x128xf32>, vector<1024x128xf32> -> vector<1024x128xf32>
    %swap3A_541 = arith.constant 5 : i32
    %swap3A_542 = arith.constant 0 : i32
    %swap3A_543 = arith.constant 0 : i32
    %swap3A_544 = tpu.memref_slice %arg10[%swap3A_541, %swap3A_542, %swap3A_543] : memref<6x1024x384xf32, #tpu.memory_space<vmem>> -> memref<1x1024x384xf32, #tpu.memory_space<vmem>>
    %swap3A_545 = tpu.memref_squeeze %swap3A_544 : memref<1x1024x384xf32, #tpu.memory_space<vmem>> -> memref<1024x384xf32, #tpu.memory_space<vmem>>
    %swap3A_546 = arith.constant 0 : index
    %swap3A_547 = arith.constant 0 : index
    %swap3A_548 = vector.load %swap3A_545[%swap3A_546, %swap3A_547] : memref<1024x384xf32, #tpu.memory_space<vmem>>, vector<1024x128xf32>
    tpu.vector_store %swap3A_545[%swap3A_546, %swap3A_547], %dot_general3A_540 {strides = array<i32>} : memref<1024x384xf32, #tpu.memory_space<vmem>>, vector<1024x128xf32>,
    %get3A_549 = arith.constant 5120 : index
    %get3A_550 = arith.constant 0 : index
    %get3A_551 = vector.load %arg2[%get3A_549, %get3A_550] : memref<16384x18xf32, #tpu.memory_space<vmem>>, vector<1024x18xf32>
    %get3A_552 = arith.constant 0 : index
    %get3A_553 = arith.constant 0 : index
    %get3A_554 = vector.load %arg5[%get3A_552, %get3A_553] : memref<18x128xf32, #tpu.memory_space<vmem>>, vector<18x128xf32>
    %dot_general3A_555 = arith.constant dense<0.000000e+00> : vector<1024x128xf32>
    %dot_general3A_556 = tpu.matmul %get3A_551, %get3A_554, %dot_general3A_555 {dimension_numbers = #tpu.dot_dimension_numbers<[1], [0], [0], [1], [0, 0, 1, 1], [], []>, transpose_lhs_hint = false} : vector<1024x18xf32>, vector<18x128xf32>, vector<1024x128xf32> -> vector<1024x128xf32>
    %swap3A_557 = arith.constant 5 : i32
    %swap3A_558 = arith.constant 0 : i32
    %swap3A_559 = arith.constant 0 : i32
    %swap3A_560 = tpu.memref_slice %arg10[%swap3A_557, %swap3A_558, %swap3A_559] : memref<6x1024x384xf32, #tpu.memory_space<vmem>> -> memref<1x1024x384xf32, #tpu.memory_space<vmem>>
    %swap3A_561 = tpu.memref_squeeze %swap3A_560 : memref<1x1024x384xf32, #tpu.memory_space<vmem>> -> memref<1024x384xf32, #tpu.memory_space<vmem>>
    %swap3A_562 = arith.constant 0 : index
    %swap3A_563 = arith.constant 128 : index
    %swap3A_564 = vector.load %swap3A_561[%swap3A_562, %swap3A_563] : memref<1024x384xf32, #tpu.memory_space<vmem>>, vector<1024x128xf32>
    tpu.vector_store %swap3A_561[%swap3A_562, %swap3A_563], %dot_general3A_556 {strides = array<i32>} : memref<1024x384xf32, #tpu.memory_space<vmem>>, vector<1024x128xf32>,
    %get3A_565 = arith.constant 5 : index
    %get3A_566 = arith.constant 0 : index
    %get3A_567 = arith.constant 0 : index
    %get3A_568 = vector.load %arg9[%get3A_565, %get3A_566, %get3A_567] : memref<6x1024x768xf32, #tpu.memory_space<vmem>>, vector<1x1024x768xf32>
    %get3A_569 = vector.shape_cast %get3A_568 : vector<1x1024x768xf32> to vector<1024x768xf32>
    %get3A_570 = arith.constant 0 : index
    %get3A_571 = arith.constant 0 : index
    %get3A_572 = vector.load %arg6[%get3A_570, %get3A_571] : memref<768x128xf32, #tpu.memory_space<vmem>>, vector<768x128xf32>
    %dot_general3A_573 = arith.constant dense<0.000000e+00> : vector<1024x128xf32>
    %dot_general3A_574 = tpu.matmul %get3A_569, %get3A_572, %dot_general3A_573 {dimension_numbers = #tpu.dot_dimension_numbers<[1], [0], [0], [1], [0, 0, 1, 1], [], []>, transpose_lhs_hint = false} : vector<1024x768xf32>, vector<768x128xf32>, vector<1024x128xf32> -> vector<1024x128xf32>
    %get3A_575 = arith.constant 0 : index
    %get3A_576 = arith.constant 0 : index
    %get3A_577 = vector.load %arg7[%get3A_575, %get3A_576] : memref<1x128xf32, #tpu.memory_space<vmem>>, vector<1x128xf32>
    %add3A_578 = vector.broadcast %get3A_577 : vector<1x128xf32> to vector<1024x128xf32>
    %add3A_579 = arith.addf %dot_general3A_574, %add3A_578 : vector<1024x128xf32>
    %swap3A_580 = arith.constant 5 : i32
    %swap3A_581 = arith.constant 0 : i32
    %swap3A_582 = arith.constant 0 : i32
    %swap3A_583 = tpu.memref_slice %arg10[%swap3A_580, %swap3A_581, %swap3A_582] : memref<6x1024x384xf32, #tpu.memory_space<vmem>> -> memref<1x1024x384xf32, #tpu.memory_space<vmem>>
    %swap3A_584 = tpu.memref_squeeze %swap3A_583 : memref<1x1024x384xf32, #tpu.memory_space<vmem>> -> memref<1024x384xf32, #tpu.memory_space<vmem>>
    %swap3A_585 = arith.constant 0 : index
    %swap3A_586 = arith.constant 256 : index
    %swap3A_587 = vector.load %swap3A_584[%swap3A_585, %swap3A_586] : memref<1024x384xf32, #tpu.memory_space<vmem>>, vector<1024x128xf32>
    tpu.vector_store %swap3A_584[%swap3A_585, %swap3A_586], %add3A_579 {strides = array<i32>} : memref<1024x384xf32, #tpu.memory_space<vmem>>, vector<1024x128xf32>,
    %dma_start3A_588 = arith.constant 5 : i32
    %dma_start3A_589 = arith.constant 5 : i32
    %dma_start3A_590 = tpu.memref_slice %arg12[%dma_start3A_589] : memref<6x!tpu.dma_semaphore, #tpu.memory_space<semaphore_mem>> -> memref<1x!tpu.dma_semaphore, #tpu.memory_space<semaphore_mem>>
    %dma_start3A_591 = tpu.memref_squeeze %dma_start3A_590 : memref<1x!tpu.dma_semaphore, #tpu.memory_space<semaphore_mem>> -> memref<!tpu.dma_semaphore, #tpu.memory_space<semaphore_mem>>
    %dma_start3A_592 = arith.constant 5120 : i32
    %dma_start3A_593 = arith.constant 128 : i32
    %dma_start3A_594 = tpu.memref_slice %arg8[%dma_start3A_592, %dma_start3A_593] : memref<16384x512xf32, #tpu.memory_space<any>> -> memref<1024x384xf32, #tpu.memory_space<any>>
    %dma_start3A_595 = arith.constant 0 : i32
    %dma_start3A_596 = arith.constant 0 : i32
    %dma_start3A_597 = tpu.memref_slice %arg10[%dma_start3A_588, %dma_start3A_595, %dma_start3A_596] : memref<6x1024x384xf32, #tpu.memory_space<vmem>> -> memref<1x1024x384xf32, #tpu.memory_space<vmem>>
    %dma_start3A_598 = tpu.memref_squeeze %dma_start3A_597 : memref<1x1024x384xf32, #tpu.memory_space<vmem>> -> memref<1024x384xf32, #tpu.memory_space<vmem>>
    tpu.enqueue_dma source(%dma_start3A_598 : memref<1024x384xf32, #tpu.memory_space<vmem>>) target(%dma_start3A_594 : memref<1024x384xf32, #tpu.memory_space<any>>) target_semaphore(%dma_start3A_591 : memref<!tpu.dma_semaphore, #tpu.memory_space<semaphore_mem>>)
    %dma_start3A_599 = arith.constant 5 : i32
    %dma_start3A_600 = arith.constant 5 : i32
    %dma_start3A_601 = tpu.memref_slice %arg11[%dma_start3A_600] : memref<6x!tpu.dma_semaphore, #tpu.memory_space<semaphore_mem>> -> memref<1x!tpu.dma_semaphore, #tpu.memory_space<semaphore_mem>>
    %dma_start3A_602 = tpu.memref_squeeze %dma_start3A_601 : memref<1x!tpu.dma_semaphore, #tpu.memory_space<semaphore_mem>> -> memref<!tpu.dma_semaphore, #tpu.memory_space<semaphore_mem>>
    %dma_start3A_603 = arith.constant 0 : i32
    %dma_start3A_604 = arith.constant 0 : i32
    %dma_start3A_605 = tpu.memref_slice %arg9[%dma_start3A_599, %dma_start3A_603, %dma_start3A_604] : memref<6x1024x768xf32, #tpu.memory_space<vmem>> -> memref<1x1024x768xf32, #tpu.memory_space<vmem>>
    %dma_start3A_606 = tpu.memref_squeeze %dma_start3A_605 : memref<1x1024x768xf32, #tpu.memory_space<vmem>> -> memref<1024x768xf32, #tpu.memory_space<vmem>>
    %dma_start3A_607 = arith.constant 11264 : i32
    %dma_start3A_608 = arith.constant 0 : i32
    %dma_start3A_609 = tpu.memref_slice %arg3[%dma_start3A_607, %dma_start3A_608] : memref<16384x768xf32, #tpu.memory_space<any>> -> memref<1024x768xf32, #tpu.memory_space<any>>
    tpu.enqueue_dma source(%dma_start3A_609 : memref<1024x768xf32, #tpu.memory_space<any>>) target(%dma_start3A_606 : memref<1024x768xf32, #tpu.memory_space<vmem>>) target_semaphore(%dma_start3A_602 : memref<!tpu.dma_semaphore, #tpu.memory_space<semaphore_mem>>)
    %dma_wait3A_610 = arith.constant 0 : i32
    %dma_wait3A_611 = arith.constant 0 : i32
    %dma_wait3A_612 = tpu.memref_slice %arg11[%dma_wait3A_611] : memref<6x!tpu.dma_semaphore, #tpu.memory_space<semaphore_mem>> -> memref<1x!tpu.dma_semaphore, #tpu.memory_space<semaphore_mem>>
    %dma_wait3A_613 = tpu.memref_squeeze %dma_wait3A_612 : memref<1x!tpu.dma_semaphore, #tpu.memory_space<semaphore_mem>> -> memref<!tpu.dma_semaphore, #tpu.memory_space<semaphore_mem>>
    %dma_wait3A_614 = arith.constant 0 : i32
    %dma_wait3A_615 = arith.constant 0 : i32
    %dma_wait3A_616 = tpu.memref_slice %arg9[%dma_wait3A_610, %dma_wait3A_614, %dma_wait3A_615] : memref<6x1024x768xf32, #tpu.memory_space<vmem>> -> memref<1x1024x768xf32, #tpu.memory_space<vmem>>
    %dma_wait3A_617 = tpu.memref_squeeze %dma_wait3A_616 : memref<1x1024x768xf32, #tpu.memory_space<vmem>> -> memref<1024x768xf32, #tpu.memory_space<vmem>>
    %dma_wait3A_618 = arith.constant 6144 : i32
    %dma_wait3A_619 = arith.constant 0 : i32
    %dma_wait3A_620 = tpu.memref_slice %arg3[%dma_wait3A_618, %dma_wait3A_619] : memref<16384x768xf32, #tpu.memory_space<any>> -> memref<1024x768xf32, #tpu.memory_space<any>>
    tpu.wait_dma2 semaphore(%dma_wait3A_613 : memref<!tpu.dma_semaphore, #tpu.memory_space<semaphore_mem>>) src(%dma_wait3A_620 : memref<1024x768xf32, #tpu.memory_space<any>>) dst(%dma_wait3A_617 : memref<1024x768xf32, #tpu.memory_space<vmem>>)
    %dma_wait3A_621 = arith.constant 0 : i32
    %dma_wait3A_622 = arith.constant 0 : i32
    %dma_wait3A_623 = tpu.memref_slice %arg12[%dma_wait3A_622] : memref<6x!tpu.dma_semaphore, #tpu.memory_space<semaphore_mem>> -> memref<1x!tpu.dma_semaphore, #tpu.memory_space<semaphore_mem>>
    %dma_wait3A_624 = tpu.memref_squeeze %dma_wait3A_623 : memref<1x!tpu.dma_semaphore, #tpu.memory_space<semaphore_mem>> -> memref<!tpu.dma_semaphore, #tpu.memory_space<semaphore_mem>>
    %dma_wait3A_625 = arith.constant 0 : i32
    %dma_wait3A_626 = arith.constant 128 : i32
    %dma_wait3A_627 = tpu.memref_slice %arg8[%dma_wait3A_625, %dma_wait3A_626] : memref<16384x512xf32, #tpu.memory_space<any>> -> memref<1024x384xf32, #tpu.memory_space<any>>
    %dma_wait3A_628 = arith.constant 0 : i32
    %dma_wait3A_629 = arith.constant 0 : i32
    %dma_wait3A_630 = tpu.memref_slice %arg10[%dma_wait3A_621, %dma_wait3A_628, %dma_wait3A_629] : memref<6x1024x384xf32, #tpu.memory_space<vmem>> -> memref<1x1024x384xf32, #tpu.memory_space<vmem>>
    %dma_wait3A_631 = tpu.memref_squeeze %dma_wait3A_630 : memref<1x1024x384xf32, #tpu.memory_space<vmem>> -> memref<1024x384xf32, #tpu.memory_space<vmem>>
    tpu.wait_dma2 semaphore(%dma_wait3A_624 : memref<!tpu.dma_semaphore, #tpu.memory_space<semaphore_mem>>) src(%dma_wait3A_631 : memref<1024x384xf32, #tpu.memory_space<vmem>>) dst(%dma_wait3A_627 : memref<1024x384xf32, #tpu.memory_space<any>>)
    %get3A_632 = arith.constant 6144 : index
    %get3A_633 = arith.constant 0 : index
    %get3A_634 = vector.load %arg1[%get3A_632, %get3A_633] : memref<16384x1xi32, #tpu.memory_space<vmem>>, vector<1024x1xi32>
    %eq3A_635 = vector.broadcast %get3A_634 : vector<1024x1xi32> to vector<1024x128xi32>
    %eq3A_636 = arith.cmpi eq, %eq3A_635, %iota3A : vector<1024x128xi32>
    %convert_element_type3A_637 = arith.extui %eq3A_636 : vector<1024x128xi1> to vector<1024x128xi32>
    %convert_element_type3A_638 = arith.sitofp %convert_element_type3A_637 : vector<1024x128xi32> to vector<1024x128xf32>
    %get3A_639 = arith.constant 0 : index
    %get3A_640 = arith.constant 0 : index
    %get3A_641 = vector.load %arg4[%get3A_639, %get3A_640] : memref<128x128xf32, #tpu.memory_space<vmem>>, vector<128x128xf32>
    %dot_general3A_642 = arith.constant dense<0.000000e+00> : vector<1024x128xf32>
    %dot_general3A_643 = tpu.matmul %convert_element_type3A_638, %get3A_641, %dot_general3A_642 {dimension_numbers = #tpu.dot_dimension_numbers<[1], [0], [0], [1], [0, 0, 1, 1], [], []>, precision = #tpu.contract_precision<fp32>, transpose_lhs_hint = false} : vector<1024x128xf32>, vector<128x128xf32>, vector<1024x128xf32> -> vector<1024x128xf32>
    %swap3A_644 = arith.constant 0 : i32
    %swap3A_645 = arith.constant 0 : i32
    %swap3A_646 = arith.constant 0 : i32
    %swap3A_647 = tpu.memref_slice %arg10[%swap3A_644, %swap3A_645, %swap3A_646] : memref<6x1024x384xf32, #tpu.memory_space<vmem>> -> memref<1x1024x384xf32, #tpu.memory_space<vmem>>
    %swap3A_648 = tpu.memref_squeeze %swap3A_647 : memref<1x1024x384xf32, #tpu.memory_space<vmem>> -> memref<1024x384xf32, #tpu.memory_space<vmem>>
    %swap3A_649 = arith.constant 0 : index
    %swap3A_650 = arith.constant 0 : index
    %swap3A_651 = vector.load %swap3A_648[%swap3A_649, %swap3A_650] : memref<1024x384xf32, #tpu.memory_space<vmem>>, vector<1024x128xf32>
    tpu.vector_store %swap3A_648[%swap3A_649, %swap3A_650], %dot_general3A_643 {strides = array<i32>} : memref<1024x384xf32, #tpu.memory_space<vmem>>, vector<1024x128xf32>,
    %get3A_652 = arith.constant 6144 : index
    %get3A_653 = arith.constant 0 : index
    %get3A_654 = vector.load %arg2[%get3A_652, %get3A_653] : memref<16384x18xf32, #tpu.memory_space<vmem>>, vector<1024x18xf32>
    %get3A_655 = arith.constant 0 : index
    %get3A_656 = arith.constant 0 : index
    %get3A_657 = vector.load %arg5[%get3A_655, %get3A_656] : memref<18x128xf32, #tpu.memory_space<vmem>>, vector<18x128xf32>
    %dot_general3A_658 = arith.constant dense<0.000000e+00> : vector<1024x128xf32>
    %dot_general3A_659 = tpu.matmul %get3A_654, %get3A_657, %dot_general3A_658 {dimension_numbers = #tpu.dot_dimension_numbers<[1], [0], [0], [1], [0, 0, 1, 1], [], []>, transpose_lhs_hint = false} : vector<1024x18xf32>, vector<18x128xf32>, vector<1024x128xf32> -> vector<1024x128xf32>
    %swap3A_660 = arith.constant 0 : i32
    %swap3A_661 = arith.constant 0 : i32
    %swap3A_662 = arith.constant 0 : i32
    %swap3A_663 = tpu.memref_slice %arg10[%swap3A_660, %swap3A_661, %swap3A_662] : memref<6x1024x384xf32, #tpu.memory_space<vmem>> -> memref<1x1024x384xf32, #tpu.memory_space<vmem>>
    %swap3A_664 = tpu.memref_squeeze %swap3A_663 : memref<1x1024x384xf32, #tpu.memory_space<vmem>> -> memref<1024x384xf32, #tpu.memory_space<vmem>>
    %swap3A_665 = arith.constant 0 : index
    %swap3A_666 = arith.constant 128 : index
    %swap3A_667 = vector.load %swap3A_664[%swap3A_665, %swap3A_666] : memref<1024x384xf32, #tpu.memory_space<vmem>>, vector<1024x128xf32>
    tpu.vector_store %swap3A_664[%swap3A_665, %swap3A_666], %dot_general3A_659 {strides = array<i32>} : memref<1024x384xf32, #tpu.memory_space<vmem>>, vector<1024x128xf32>,
    %get3A_668 = arith.constant 0 : index
    %get3A_669 = arith.constant 0 : index
    %get3A_670 = arith.constant 0 : index
    %get3A_671 = vector.load %arg9[%get3A_668, %get3A_669, %get3A_670] : memref<6x1024x768xf32, #tpu.memory_space<vmem>>, vector<1x1024x768xf32>
    %get3A_672 = vector.shape_cast %get3A_671 : vector<1x1024x768xf32> to vector<1024x768xf32>
    %get3A_673 = arith.constant 0 : index
    %get3A_674 = arith.constant 0 : index
    %get3A_675 = vector.load %arg6[%get3A_673, %get3A_674] : memref<768x128xf32, #tpu.memory_space<vmem>>, vector<768x128xf32>
    %dot_general3A_676 = arith.constant dense<0.000000e+00> : vector<1024x128xf32>
    %dot_general3A_677 = tpu.matmul %get3A_672, %get3A_675, %dot_general3A_676 {dimension_numbers = #tpu.dot_dimension_numbers<[1], [0], [0], [1], [0, 0, 1, 1], [], []>, transpose_lhs_hint = false} : vector<1024x768xf32>, vector<768x128xf32>, vector<1024x128xf32> -> vector<1024x128xf32>
    %get3A_678 = arith.constant 0 : index
    %get3A_679 = arith.constant 0 : index
    %get3A_680 = vector.load %arg7[%get3A_678, %get3A_679] : memref<1x128xf32, #tpu.memory_space<vmem>>, vector<1x128xf32>
    %add3A_681 = vector.broadcast %get3A_680 : vector<1x128xf32> to vector<1024x128xf32>
    %add3A_682 = arith.addf %dot_general3A_677, %add3A_681 : vector<1024x128xf32>
    %swap3A_683 = arith.constant 0 : i32
    %swap3A_684 = arith.constant 0 : i32
    %swap3A_685 = arith.constant 0 : i32
    %swap3A_686 = tpu.memref_slice %arg10[%swap3A_683, %swap3A_684, %swap3A_685] : memref<6x1024x384xf32, #tpu.memory_space<vmem>> -> memref<1x1024x384xf32, #tpu.memory_space<vmem>>
    %swap3A_687 = tpu.memref_squeeze %swap3A_686 : memref<1x1024x384xf32, #tpu.memory_space<vmem>> -> memref<1024x384xf32, #tpu.memory_space<vmem>>
    %swap3A_688 = arith.constant 0 : index
    %swap3A_689 = arith.constant 256 : index
    %swap3A_690 = vector.load %swap3A_687[%swap3A_688, %swap3A_689] : memref<1024x384xf32, #tpu.memory_space<vmem>>, vector<1024x128xf32>
    tpu.vector_store %swap3A_687[%swap3A_688, %swap3A_689], %add3A_682 {strides = array<i32>} : memref<1024x384xf32, #tpu.memory_space<vmem>>, vector<1024x128xf32>,
    %dma_start3A_691 = arith.constant 0 : i32
    %dma_start3A_692 = arith.constant 0 : i32
    %dma_start3A_693 = tpu.memref_slice %arg12[%dma_start3A_692] : memref<6x!tpu.dma_semaphore, #tpu.memory_space<semaphore_mem>> -> memref<1x!tpu.dma_semaphore, #tpu.memory_space<semaphore_mem>>
    %dma_start3A_694 = tpu.memref_squeeze %dma_start3A_693 : memref<1x!tpu.dma_semaphore, #tpu.memory_space<semaphore_mem>> -> memref<!tpu.dma_semaphore, #tpu.memory_space<semaphore_mem>>
    %dma_start3A_695 = arith.constant 6144 : i32
    %dma_start3A_696 = arith.constant 128 : i32
    %dma_start3A_697 = tpu.memref_slice %arg8[%dma_start3A_695, %dma_start3A_696] : memref<16384x512xf32, #tpu.memory_space<any>> -> memref<1024x384xf32, #tpu.memory_space<any>>
    %dma_start3A_698 = arith.constant 0 : i32
    %dma_start3A_699 = arith.constant 0 : i32
    %dma_start3A_700 = tpu.memref_slice %arg10[%dma_start3A_691, %dma_start3A_698, %dma_start3A_699] : memref<6x1024x384xf32, #tpu.memory_space<vmem>> -> memref<1x1024x384xf32, #tpu.memory_space<vmem>>
    %dma_start3A_701 = tpu.memref_squeeze %dma_start3A_700 : memref<1x1024x384xf32, #tpu.memory_space<vmem>> -> memref<1024x384xf32, #tpu.memory_space<vmem>>
    tpu.enqueue_dma source(%dma_start3A_701 : memref<1024x384xf32, #tpu.memory_space<vmem>>) target(%dma_start3A_697 : memref<1024x384xf32, #tpu.memory_space<any>>) target_semaphore(%dma_start3A_694 : memref<!tpu.dma_semaphore, #tpu.memory_space<semaphore_mem>>)
    %dma_start3A_702 = arith.constant 0 : i32
    %dma_start3A_703 = arith.constant 0 : i32
    %dma_start3A_704 = tpu.memref_slice %arg11[%dma_start3A_703] : memref<6x!tpu.dma_semaphore, #tpu.memory_space<semaphore_mem>> -> memref<1x!tpu.dma_semaphore, #tpu.memory_space<semaphore_mem>>
    %dma_start3A_705 = tpu.memref_squeeze %dma_start3A_704 : memref<1x!tpu.dma_semaphore, #tpu.memory_space<semaphore_mem>> -> memref<!tpu.dma_semaphore, #tpu.memory_space<semaphore_mem>>
    %dma_start3A_706 = arith.constant 0 : i32
    %dma_start3A_707 = arith.constant 0 : i32
    %dma_start3A_708 = tpu.memref_slice %arg9[%dma_start3A_702, %dma_start3A_706, %dma_start3A_707] : memref<6x1024x768xf32, #tpu.memory_space<vmem>> -> memref<1x1024x768xf32, #tpu.memory_space<vmem>>
    %dma_start3A_709 = tpu.memref_squeeze %dma_start3A_708 : memref<1x1024x768xf32, #tpu.memory_space<vmem>> -> memref<1024x768xf32, #tpu.memory_space<vmem>>
    %dma_start3A_710 = arith.constant 12288 : i32
    %dma_start3A_711 = arith.constant 0 : i32
    %dma_start3A_712 = tpu.memref_slice %arg3[%dma_start3A_710, %dma_start3A_711] : memref<16384x768xf32, #tpu.memory_space<any>> -> memref<1024x768xf32, #tpu.memory_space<any>>
    tpu.enqueue_dma source(%dma_start3A_712 : memref<1024x768xf32, #tpu.memory_space<any>>) target(%dma_start3A_709 : memref<1024x768xf32, #tpu.memory_space<vmem>>) target_semaphore(%dma_start3A_705 : memref<!tpu.dma_semaphore, #tpu.memory_space<semaphore_mem>>)
    %dma_wait3A_713 = arith.constant 1 : i32
    %dma_wait3A_714 = arith.constant 1 : i32
    %dma_wait3A_715 = tpu.memref_slice %arg11[%dma_wait3A_714] : memref<6x!tpu.dma_semaphore, #tpu.memory_space<semaphore_mem>> -> memref<1x!tpu.dma_semaphore, #tpu.memory_space<semaphore_mem>>
    %dma_wait3A_716 = tpu.memref_squeeze %dma_wait3A_715 : memref<1x!tpu.dma_semaphore, #tpu.memory_space<semaphore_mem>> -> memref<!tpu.dma_semaphore, #tpu.memory_space<semaphore_mem>>
    %dma_wait3A_717 = arith.constant 0 : i32
    %dma_wait3A_718 = arith.constant 0 : i32
    %dma_wait3A_719 = tpu.memref_slice %arg9[%dma_wait3A_713, %dma_wait3A_717, %dma_wait3A_718] : memref<6x1024x768xf32, #tpu.memory_space<vmem>> -> memref<1x1024x768xf32, #tpu.memory_space<vmem>>
    %dma_wait3A_720 = tpu.memref_squeeze %dma_wait3A_719 : memref<1x1024x768xf32, #tpu.memory_space<vmem>> -> memref<1024x768xf32, #tpu.memory_space<vmem>>
    %dma_wait3A_721 = arith.constant 7168 : i32
    %dma_wait3A_722 = arith.constant 0 : i32
    %dma_wait3A_723 = tpu.memref_slice %arg3[%dma_wait3A_721, %dma_wait3A_722] : memref<16384x768xf32, #tpu.memory_space<any>> -> memref<1024x768xf32, #tpu.memory_space<any>>
    tpu.wait_dma2 semaphore(%dma_wait3A_716 : memref<!tpu.dma_semaphore, #tpu.memory_space<semaphore_mem>>) src(%dma_wait3A_723 : memref<1024x768xf32, #tpu.memory_space<any>>) dst(%dma_wait3A_720 : memref<1024x768xf32, #tpu.memory_space<vmem>>)
    %dma_wait3A_724 = arith.constant 1 : i32
    %dma_wait3A_725 = arith.constant 1 : i32
    %dma_wait3A_726 = tpu.memref_slice %arg12[%dma_wait3A_725] : memref<6x!tpu.dma_semaphore, #tpu.memory_space<semaphore_mem>> -> memref<1x!tpu.dma_semaphore, #tpu.memory_space<semaphore_mem>>
    %dma_wait3A_727 = tpu.memref_squeeze %dma_wait3A_726 : memref<1x!tpu.dma_semaphore, #tpu.memory_space<semaphore_mem>> -> memref<!tpu.dma_semaphore, #tpu.memory_space<semaphore_mem>>
    %dma_wait3A_728 = arith.constant 1024 : i32
    %dma_wait3A_729 = arith.constant 128 : i32
    %dma_wait3A_730 = tpu.memref_slice %arg8[%dma_wait3A_728, %dma_wait3A_729] : memref<16384x512xf32, #tpu.memory_space<any>> -> memref<1024x384xf32, #tpu.memory_space<any>>
    %dma_wait3A_731 = arith.constant 0 : i32
    %dma_wait3A_732 = arith.constant 0 : i32
    %dma_wait3A_733 = tpu.memref_slice %arg10[%dma_wait3A_724, %dma_wait3A_731, %dma_wait3A_732] : memref<6x1024x384xf32, #tpu.memory_space<vmem>> -> memref<1x1024x384xf32, #tpu.memory_space<vmem>>
    %dma_wait3A_734 = tpu.memref_squeeze %dma_wait3A_733 : memref<1x1024x384xf32, #tpu.memory_space<vmem>> -> memref<1024x384xf32, #tpu.memory_space<vmem>>
    tpu.wait_dma2 semaphore(%dma_wait3A_727 : memref<!tpu.dma_semaphore, #tpu.memory_space<semaphore_mem>>) src(%dma_wait3A_734 : memref<1024x384xf32, #tpu.memory_space<vmem>>) dst(%dma_wait3A_730 : memref<1024x384xf32, #tpu.memory_space<any>>)
    %get3A_735 = arith.constant 7168 : index
    %get3A_736 = arith.constant 0 : index
    %get3A_737 = vector.load %arg1[%get3A_735, %get3A_736] : memref<16384x1xi32, #tpu.memory_space<vmem>>, vector<1024x1xi32>
    %eq3A_738 = vector.broadcast %get3A_737 : vector<1024x1xi32> to vector<1024x128xi32>
    %eq3A_739 = arith.cmpi eq, %eq3A_738, %iota3A : vector<1024x128xi32>
    %convert_element_type3A_740 = arith.extui %eq3A_739 : vector<1024x128xi1> to vector<1024x128xi32>
    %convert_element_type3A_741 = arith.sitofp %convert_element_type3A_740 : vector<1024x128xi32> to vector<1024x128xf32>
    %get3A_742 = arith.constant 0 : index
    %get3A_743 = arith.constant 0 : index
    %get3A_744 = vector.load %arg4[%get3A_742, %get3A_743] : memref<128x128xf32, #tpu.memory_space<vmem>>, vector<128x128xf32>
    %dot_general3A_745 = arith.constant dense<0.000000e+00> : vector<1024x128xf32>
    %dot_general3A_746 = tpu.matmul %convert_element_type3A_741, %get3A_744, %dot_general3A_745 {dimension_numbers = #tpu.dot_dimension_numbers<[1], [0], [0], [1], [0, 0, 1, 1], [], []>, precision = #tpu.contract_precision<fp32>, transpose_lhs_hint = false} : vector<1024x128xf32>, vector<128x128xf32>, vector<1024x128xf32> -> vector<1024x128xf32>
    %swap3A_747 = arith.constant 1 : i32
    %swap3A_748 = arith.constant 0 : i32
    %swap3A_749 = arith.constant 0 : i32
    %swap3A_750 = tpu.memref_slice %arg10[%swap3A_747, %swap3A_748, %swap3A_749] : memref<6x1024x384xf32, #tpu.memory_space<vmem>> -> memref<1x1024x384xf32, #tpu.memory_space<vmem>>
    %swap3A_751 = tpu.memref_squeeze %swap3A_750 : memref<1x1024x384xf32, #tpu.memory_space<vmem>> -> memref<1024x384xf32, #tpu.memory_space<vmem>>
    %swap3A_752 = arith.constant 0 : index
    %swap3A_753 = arith.constant 0 : index
    %swap3A_754 = vector.load %swap3A_751[%swap3A_752, %swap3A_753] : memref<1024x384xf32, #tpu.memory_space<vmem>>, vector<1024x128xf32>
    tpu.vector_store %swap3A_751[%swap3A_752, %swap3A_753], %dot_general3A_746 {strides = array<i32>} : memref<1024x384xf32, #tpu.memory_space<vmem>>, vector<1024x128xf32>,
    %get3A_755 = arith.constant 7168 : index
    %get3A_756 = arith.constant 0 : index
    %get3A_757 = vector.load %arg2[%get3A_755, %get3A_756] : memref<16384x18xf32, #tpu.memory_space<vmem>>, vector<1024x18xf32>
    %get3A_758 = arith.constant 0 : index
    %get3A_759 = arith.constant 0 : index
    %get3A_760 = vector.load %arg5[%get3A_758, %get3A_759] : memref<18x128xf32, #tpu.memory_space<vmem>>, vector<18x128xf32>
    %dot_general3A_761 = arith.constant dense<0.000000e+00> : vector<1024x128xf32>
    %dot_general3A_762 = tpu.matmul %get3A_757, %get3A_760, %dot_general3A_761 {dimension_numbers = #tpu.dot_dimension_numbers<[1], [0], [0], [1], [0, 0, 1, 1], [], []>, transpose_lhs_hint = false} : vector<1024x18xf32>, vector<18x128xf32>, vector<1024x128xf32> -> vector<1024x128xf32>
    %swap3A_763 = arith.constant 1 : i32
    %swap3A_764 = arith.constant 0 : i32
    %swap3A_765 = arith.constant 0 : i32
    %swap3A_766 = tpu.memref_slice %arg10[%swap3A_763, %swap3A_764, %swap3A_765] : memref<6x1024x384xf32, #tpu.memory_space<vmem>> -> memref<1x1024x384xf32, #tpu.memory_space<vmem>>
    %swap3A_767 = tpu.memref_squeeze %swap3A_766 : memref<1x1024x384xf32, #tpu.memory_space<vmem>> -> memref<1024x384xf32, #tpu.memory_space<vmem>>
    %swap3A_768 = arith.constant 0 : index
    %swap3A_769 = arith.constant 128 : index
    %swap3A_770 = vector.load %swap3A_767[%swap3A_768, %swap3A_769] : memref<1024x384xf32, #tpu.memory_space<vmem>>, vector<1024x128xf32>
    tpu.vector_store %swap3A_767[%swap3A_768, %swap3A_769], %dot_general3A_762 {strides = array<i32>} : memref<1024x384xf32, #tpu.memory_space<vmem>>, vector<1024x128xf32>,
    %get3A_771 = arith.constant 1 : index
    %get3A_772 = arith.constant 0 : index
    %get3A_773 = arith.constant 0 : index
    %get3A_774 = vector.load %arg9[%get3A_771, %get3A_772, %get3A_773] : memref<6x1024x768xf32, #tpu.memory_space<vmem>>, vector<1x1024x768xf32>
    %get3A_775 = vector.shape_cast %get3A_774 : vector<1x1024x768xf32> to vector<1024x768xf32>
    %get3A_776 = arith.constant 0 : index
    %get3A_777 = arith.constant 0 : index
    %get3A_778 = vector.load %arg6[%get3A_776, %get3A_777] : memref<768x128xf32, #tpu.memory_space<vmem>>, vector<768x128xf32>
    %dot_general3A_779 = arith.constant dense<0.000000e+00> : vector<1024x128xf32>
    %dot_general3A_780 = tpu.matmul %get3A_775, %get3A_778, %dot_general3A_779 {dimension_numbers = #tpu.dot_dimension_numbers<[1], [0], [0], [1], [0, 0, 1, 1], [], []>, transpose_lhs_hint = false} : vector<1024x768xf32>, vector<768x128xf32>, vector<1024x128xf32> -> vector<1024x128xf32>
    %get3A_781 = arith.constant 0 : index
    %get3A_782 = arith.constant 0 : index
    %get3A_783 = vector.load %arg7[%get3A_781, %get3A_782] : memref<1x128xf32, #tpu.memory_space<vmem>>, vector<1x128xf32>
    %add3A_784 = vector.broadcast %get3A_783 : vector<1x128xf32> to vector<1024x128xf32>
    %add3A_785 = arith.addf %dot_general3A_780, %add3A_784 : vector<1024x128xf32>
    %swap3A_786 = arith.constant 1 : i32
    %swap3A_787 = arith.constant 0 : i32
    %swap3A_788 = arith.constant 0 : i32
    %swap3A_789 = tpu.memref_slice %arg10[%swap3A_786, %swap3A_787, %swap3A_788] : memref<6x1024x384xf32, #tpu.memory_space<vmem>> -> memref<1x1024x384xf32, #tpu.memory_space<vmem>>
    %swap3A_790 = tpu.memref_squeeze %swap3A_789 : memref<1x1024x384xf32, #tpu.memory_space<vmem>> -> memref<1024x384xf32, #tpu.memory_space<vmem>>
    %swap3A_791 = arith.constant 0 : index
    %swap3A_792 = arith.constant 256 : index
    %swap3A_793 = vector.load %swap3A_790[%swap3A_791, %swap3A_792] : memref<1024x384xf32, #tpu.memory_space<vmem>>, vector<1024x128xf32>
    tpu.vector_store %swap3A_790[%swap3A_791, %swap3A_792], %add3A_785 {strides = array<i32>} : memref<1024x384xf32, #tpu.memory_space<vmem>>, vector<1024x128xf32>,
    %dma_start3A_794 = arith.constant 1 : i32
    %dma_start3A_795 = arith.constant 1 : i32
    %dma_start3A_796 = tpu.memref_slice %arg12[%dma_start3A_795] : memref<6x!tpu.dma_semaphore, #tpu.memory_space<semaphore_mem>> -> memref<1x!tpu.dma_semaphore, #tpu.memory_space<semaphore_mem>>
    %dma_start3A_797 = tpu.memref_squeeze %dma_start3A_796 : memref<1x!tpu.dma_semaphore, #tpu.memory_space<semaphore_mem>> -> memref<!tpu.dma_semaphore, #tpu.memory_space<semaphore_mem>>
    %dma_start3A_798 = arith.constant 7168 : i32
    %dma_start3A_799 = arith.constant 128 : i32
    %dma_start3A_800 = tpu.memref_slice %arg8[%dma_start3A_798, %dma_start3A_799] : memref<16384x512xf32, #tpu.memory_space<any>> -> memref<1024x384xf32, #tpu.memory_space<any>>
    %dma_start3A_801 = arith.constant 0 : i32
    %dma_start3A_802 = arith.constant 0 : i32
    %dma_start3A_803 = tpu.memref_slice %arg10[%dma_start3A_794, %dma_start3A_801, %dma_start3A_802] : memref<6x1024x384xf32, #tpu.memory_space<vmem>> -> memref<1x1024x384xf32, #tpu.memory_space<vmem>>
    %dma_start3A_804 = tpu.memref_squeeze %dma_start3A_803 : memref<1x1024x384xf32, #tpu.memory_space<vmem>> -> memref<1024x384xf32, #tpu.memory_space<vmem>>
    tpu.enqueue_dma source(%dma_start3A_804 : memref<1024x384xf32, #tpu.memory_space<vmem>>) target(%dma_start3A_800 : memref<1024x384xf32, #tpu.memory_space<any>>) target_semaphore(%dma_start3A_797 : memref<!tpu.dma_semaphore, #tpu.memory_space<semaphore_mem>>)
    %dma_start3A_805 = arith.constant 1 : i32
    %dma_start3A_806 = arith.constant 1 : i32
    %dma_start3A_807 = tpu.memref_slice %arg11[%dma_start3A_806] : memref<6x!tpu.dma_semaphore, #tpu.memory_space<semaphore_mem>> -> memref<1x!tpu.dma_semaphore, #tpu.memory_space<semaphore_mem>>
    %dma_start3A_808 = tpu.memref_squeeze %dma_start3A_807 : memref<1x!tpu.dma_semaphore, #tpu.memory_space<semaphore_mem>> -> memref<!tpu.dma_semaphore, #tpu.memory_space<semaphore_mem>>
    %dma_start3A_809 = arith.constant 0 : i32
    %dma_start3A_810 = arith.constant 0 : i32
    %dma_start3A_811 = tpu.memref_slice %arg9[%dma_start3A_805, %dma_start3A_809, %dma_start3A_810] : memref<6x1024x768xf32, #tpu.memory_space<vmem>> -> memref<1x1024x768xf32, #tpu.memory_space<vmem>>
    %dma_start3A_812 = tpu.memref_squeeze %dma_start3A_811 : memref<1x1024x768xf32, #tpu.memory_space<vmem>> -> memref<1024x768xf32, #tpu.memory_space<vmem>>
    %dma_start3A_813 = arith.constant 13312 : i32
    %dma_start3A_814 = arith.constant 0 : i32
    %dma_start3A_815 = tpu.memref_slice %arg3[%dma_start3A_813, %dma_start3A_814] : memref<16384x768xf32, #tpu.memory_space<any>> -> memref<1024x768xf32, #tpu.memory_space<any>>
    tpu.enqueue_dma source(%dma_start3A_815 : memref<1024x768xf32, #tpu.memory_space<any>>) target(%dma_start3A_812 : memref<1024x768xf32, #tpu.memory_space<vmem>>) target_semaphore(%dma_start3A_808 : memref<!tpu.dma_semaphore, #tpu.memory_space<semaphore_mem>>)
    %dma_wait3A_816 = arith.constant 2 : i32
    %dma_wait3A_817 = arith.constant 2 : i32
    %dma_wait3A_818 = tpu.memref_slice %arg11[%dma_wait3A_817] : memref<6x!tpu.dma_semaphore, #tpu.memory_space<semaphore_mem>> -> memref<1x!tpu.dma_semaphore, #tpu.memory_space<semaphore_mem>>
    %dma_wait3A_819 = tpu.memref_squeeze %dma_wait3A_818 : memref<1x!tpu.dma_semaphore, #tpu.memory_space<semaphore_mem>> -> memref<!tpu.dma_semaphore, #tpu.memory_space<semaphore_mem>>
    %dma_wait3A_820 = arith.constant 0 : i32
    %dma_wait3A_821 = arith.constant 0 : i32
    %dma_wait3A_822 = tpu.memref_slice %arg9[%dma_wait3A_816, %dma_wait3A_820, %dma_wait3A_821] : memref<6x1024x768xf32, #tpu.memory_space<vmem>> -> memref<1x1024x768xf32, #tpu.memory_space<vmem>>
    %dma_wait3A_823 = tpu.memref_squeeze %dma_wait3A_822 : memref<1x1024x768xf32, #tpu.memory_space<vmem>> -> memref<1024x768xf32, #tpu.memory_space<vmem>>
    %dma_wait3A_824 = arith.constant 8192 : i32
    %dma_wait3A_825 = arith.constant 0 : i32
    %dma_wait3A_826 = tpu.memref_slice %arg3[%dma_wait3A_824, %dma_wait3A_825] : memref<16384x768xf32, #tpu.memory_space<any>> -> memref<1024x768xf32, #tpu.memory_space<any>>
    tpu.wait_dma2 semaphore(%dma_wait3A_819 : memref<!tpu.dma_semaphore, #tpu.memory_space<semaphore_mem>>) src(%dma_wait3A_826 : memref<1024x768xf32, #tpu.memory_space<any>>) dst(%dma_wait3A_823 : memref<1024x768xf32, #tpu.memory_space<vmem>>)
    %dma_wait3A_827 = arith.constant 2 : i32
    %dma_wait3A_828 = arith.constant 2 : i32
    %dma_wait3A_829 = tpu.memref_slice %arg12[%dma_wait3A_828] : memref<6x!tpu.dma_semaphore, #tpu.memory_space<semaphore_mem>> -> memref<1x!tpu.dma_semaphore, #tpu.memory_space<semaphore_mem>>
    %dma_wait3A_830 = tpu.memref_squeeze %dma_wait3A_829 : memref<1x!tpu.dma_semaphore, #tpu.memory_space<semaphore_mem>> -> memref<!tpu.dma_semaphore, #tpu.memory_space<semaphore_mem>>
    %dma_wait3A_831 = arith.constant 2048 : i32
    %dma_wait3A_832 = arith.constant 128 : i32
    %dma_wait3A_833 = tpu.memref_slice %arg8[%dma_wait3A_831, %dma_wait3A_832] : memref<16384x512xf32, #tpu.memory_space<any>> -> memref<1024x384xf32, #tpu.memory_space<any>>
    %dma_wait3A_834 = arith.constant 0 : i32
    %dma_wait3A_835 = arith.constant 0 : i32
    %dma_wait3A_836 = tpu.memref_slice %arg10[%dma_wait3A_827, %dma_wait3A_834, %dma_wait3A_835] : memref<6x1024x384xf32, #tpu.memory_space<vmem>> -> memref<1x1024x384xf32, #tpu.memory_space<vmem>>
    %dma_wait3A_837 = tpu.memref_squeeze %dma_wait3A_836 : memref<1x1024x384xf32, #tpu.memory_space<vmem>> -> memref<1024x384xf32, #tpu.memory_space<vmem>>
    tpu.wait_dma2 semaphore(%dma_wait3A_830 : memref<!tpu.dma_semaphore, #tpu.memory_space<semaphore_mem>>) src(%dma_wait3A_837 : memref<1024x384xf32, #tpu.memory_space<vmem>>) dst(%dma_wait3A_833 : memref<1024x384xf32, #tpu.memory_space<any>>)
    %get3A_838 = arith.constant 8192 : index
    %get3A_839 = arith.constant 0 : index
    %get3A_840 = vector.load %arg1[%get3A_838, %get3A_839] : memref<16384x1xi32, #tpu.memory_space<vmem>>, vector<1024x1xi32>
    %eq3A_841 = vector.broadcast %get3A_840 : vector<1024x1xi32> to vector<1024x128xi32>
    %eq3A_842 = arith.cmpi eq, %eq3A_841, %iota3A : vector<1024x128xi32>
    %convert_element_type3A_843 = arith.extui %eq3A_842 : vector<1024x128xi1> to vector<1024x128xi32>
    %convert_element_type3A_844 = arith.sitofp %convert_element_type3A_843 : vector<1024x128xi32> to vector<1024x128xf32>
    %get3A_845 = arith.constant 0 : index
    %get3A_846 = arith.constant 0 : index
    %get3A_847 = vector.load %arg4[%get3A_845, %get3A_846] : memref<128x128xf32, #tpu.memory_space<vmem>>, vector<128x128xf32>
    %dot_general3A_848 = arith.constant dense<0.000000e+00> : vector<1024x128xf32>
    %dot_general3A_849 = tpu.matmul %convert_element_type3A_844, %get3A_847, %dot_general3A_848 {dimension_numbers = #tpu.dot_dimension_numbers<[1], [0], [0], [1], [0, 0, 1, 1], [], []>, precision = #tpu.contract_precision<fp32>, transpose_lhs_hint = false} : vector<1024x128xf32>, vector<128x128xf32>, vector<1024x128xf32> -> vector<1024x128xf32>
    %swap3A_850 = arith.constant 2 : i32
    %swap3A_851 = arith.constant 0 : i32
    %swap3A_852 = arith.constant 0 : i32
    %swap3A_853 = tpu.memref_slice %arg10[%swap3A_850, %swap3A_851, %swap3A_852] : memref<6x1024x384xf32, #tpu.memory_space<vmem>> -> memref<1x1024x384xf32, #tpu.memory_space<vmem>>
    %swap3A_854 = tpu.memref_squeeze %swap3A_853 : memref<1x1024x384xf32, #tpu.memory_space<vmem>> -> memref<1024x384xf32, #tpu.memory_space<vmem>>
    %swap3A_855 = arith.constant 0 : index
    %swap3A_856 = arith.constant 0 : index
    %swap3A_857 = vector.load %swap3A_854[%swap3A_855, %swap3A_856] : memref<1024x384xf32, #tpu.memory_space<vmem>>, vector<1024x128xf32>
    tpu.vector_store %swap3A_854[%swap3A_855, %swap3A_856], %dot_general3A_849 {strides = array<i32>} : memref<1024x384xf32, #tpu.memory_space<vmem>>, vector<1024x128xf32>,
    %get3A_858 = arith.constant 8192 : index
    %get3A_859 = arith.constant 0 : index
    %get3A_860 = vector.load %arg2[%get3A_858, %get3A_859] : memref<16384x18xf32, #tpu.memory_space<vmem>>, vector<1024x18xf32>
    %get3A_861 = arith.constant 0 : index
    %get3A_862 = arith.constant 0 : index
    %get3A_863 = vector.load %arg5[%get3A_861, %get3A_862] : memref<18x128xf32, #tpu.memory_space<vmem>>, vector<18x128xf32>
    %dot_general3A_864 = arith.constant dense<0.000000e+00> : vector<1024x128xf32>
    %dot_general3A_865 = tpu.matmul %get3A_860, %get3A_863, %dot_general3A_864 {dimension_numbers = #tpu.dot_dimension_numbers<[1], [0], [0], [1], [0, 0, 1, 1], [], []>, transpose_lhs_hint = false} : vector<1024x18xf32>, vector<18x128xf32>, vector<1024x128xf32> -> vector<1024x128xf32>
    %swap3A_866 = arith.constant 2 : i32
    %swap3A_867 = arith.constant 0 : i32
    %swap3A_868 = arith.constant 0 : i32
    %swap3A_869 = tpu.memref_slice %arg10[%swap3A_866, %swap3A_867, %swap3A_868] : memref<6x1024x384xf32, #tpu.memory_space<vmem>> -> memref<1x1024x384xf32, #tpu.memory_space<vmem>>
    %swap3A_870 = tpu.memref_squeeze %swap3A_869 : memref<1x1024x384xf32, #tpu.memory_space<vmem>> -> memref<1024x384xf32, #tpu.memory_space<vmem>>
    %swap3A_871 = arith.constant 0 : index
    %swap3A_872 = arith.constant 128 : index
    %swap3A_873 = vector.load %swap3A_870[%swap3A_871, %swap3A_872] : memref<1024x384xf32, #tpu.memory_space<vmem>>, vector<1024x128xf32>
    tpu.vector_store %swap3A_870[%swap3A_871, %swap3A_872], %dot_general3A_865 {strides = array<i32>} : memref<1024x384xf32, #tpu.memory_space<vmem>>, vector<1024x128xf32>,
    %get3A_874 = arith.constant 2 : index
    %get3A_875 = arith.constant 0 : index
    %get3A_876 = arith.constant 0 : index
    %get3A_877 = vector.load %arg9[%get3A_874, %get3A_875, %get3A_876] : memref<6x1024x768xf32, #tpu.memory_space<vmem>>, vector<1x1024x768xf32>
    %get3A_878 = vector.shape_cast %get3A_877 : vector<1x1024x768xf32> to vector<1024x768xf32>
    %get3A_879 = arith.constant 0 : index
    %get3A_880 = arith.constant 0 : index
    %get3A_881 = vector.load %arg6[%get3A_879, %get3A_880] : memref<768x128xf32, #tpu.memory_space<vmem>>, vector<768x128xf32>
    %dot_general3A_882 = arith.constant dense<0.000000e+00> : vector<1024x128xf32>
    %dot_general3A_883 = tpu.matmul %get3A_878, %get3A_881, %dot_general3A_882 {dimension_numbers = #tpu.dot_dimension_numbers<[1], [0], [0], [1], [0, 0, 1, 1], [], []>, transpose_lhs_hint = false} : vector<1024x768xf32>, vector<768x128xf32>, vector<1024x128xf32> -> vector<1024x128xf32>
    %get3A_884 = arith.constant 0 : index
    %get3A_885 = arith.constant 0 : index
    %get3A_886 = vector.load %arg7[%get3A_884, %get3A_885] : memref<1x128xf32, #tpu.memory_space<vmem>>, vector<1x128xf32>
    %add3A_887 = vector.broadcast %get3A_886 : vector<1x128xf32> to vector<1024x128xf32>
    %add3A_888 = arith.addf %dot_general3A_883, %add3A_887 : vector<1024x128xf32>
    %swap3A_889 = arith.constant 2 : i32
    %swap3A_890 = arith.constant 0 : i32
    %swap3A_891 = arith.constant 0 : i32
    %swap3A_892 = tpu.memref_slice %arg10[%swap3A_889, %swap3A_890, %swap3A_891] : memref<6x1024x384xf32, #tpu.memory_space<vmem>> -> memref<1x1024x384xf32, #tpu.memory_space<vmem>>
    %swap3A_893 = tpu.memref_squeeze %swap3A_892 : memref<1x1024x384xf32, #tpu.memory_space<vmem>> -> memref<1024x384xf32, #tpu.memory_space<vmem>>
    %swap3A_894 = arith.constant 0 : index
    %swap3A_895 = arith.constant 256 : index
    %swap3A_896 = vector.load %swap3A_893[%swap3A_894, %swap3A_895] : memref<1024x384xf32, #tpu.memory_space<vmem>>, vector<1024x128xf32>
    tpu.vector_store %swap3A_893[%swap3A_894, %swap3A_895], %add3A_888 {strides = array<i32>} : memref<1024x384xf32, #tpu.memory_space<vmem>>, vector<1024x128xf32>,
    %dma_start3A_897 = arith.constant 2 : i32
    %dma_start3A_898 = arith.constant 2 : i32
    %dma_start3A_899 = tpu.memref_slice %arg12[%dma_start3A_898] : memref<6x!tpu.dma_semaphore, #tpu.memory_space<semaphore_mem>> -> memref<1x!tpu.dma_semaphore, #tpu.memory_space<semaphore_mem>>
    %dma_start3A_900 = tpu.memref_squeeze %dma_start3A_899 : memref<1x!tpu.dma_semaphore, #tpu.memory_space<semaphore_mem>> -> memref<!tpu.dma_semaphore, #tpu.memory_space<semaphore_mem>>
    %dma_start3A_901 = arith.constant 8192 : i32
    %dma_start3A_902 = arith.constant 128 : i32
    %dma_start3A_903 = tpu.memref_slice %arg8[%dma_start3A_901, %dma_start3A_902] : memref<16384x512xf32, #tpu.memory_space<any>> -> memref<1024x384xf32, #tpu.memory_space<any>>
    %dma_start3A_904 = arith.constant 0 : i32
    %dma_start3A_905 = arith.constant 0 : i32
    %dma_start3A_906 = tpu.memref_slice %arg10[%dma_start3A_897, %dma_start3A_904, %dma_start3A_905] : memref<6x1024x384xf32, #tpu.memory_space<vmem>> -> memref<1x1024x384xf32, #tpu.memory_space<vmem>>
    %dma_start3A_907 = tpu.memref_squeeze %dma_start3A_906 : memref<1x1024x384xf32, #tpu.memory_space<vmem>> -> memref<1024x384xf32, #tpu.memory_space<vmem>>
    tpu.enqueue_dma source(%dma_start3A_907 : memref<1024x384xf32, #tpu.memory_space<vmem>>) target(%dma_start3A_903 : memref<1024x384xf32, #tpu.memory_space<any>>) target_semaphore(%dma_start3A_900 : memref<!tpu.dma_semaphore, #tpu.memory_space<semaphore_mem>>)
    %dma_start3A_908 = arith.constant 2 : i32
    %dma_start3A_909 = arith.constant 2 : i32
    %dma_start3A_910 = tpu.memref_slice %arg11[%dma_start3A_909] : memref<6x!tpu.dma_semaphore, #tpu.memory_space<semaphore_mem>> -> memref<1x!tpu.dma_semaphore, #tpu.memory_space<semaphore_mem>>
    %dma_start3A_911 = tpu.memref_squeeze %dma_start3A_910 : memref<1x!tpu.dma_semaphore, #tpu.memory_space<semaphore_mem>> -> memref<!tpu.dma_semaphore, #tpu.memory_space<semaphore_mem>>
    %dma_start3A_912 = arith.constant 0 : i32
    %dma_start3A_913 = arith.constant 0 : i32
    %dma_start3A_914 = tpu.memref_slice %arg9[%dma_start3A_908, %dma_start3A_912, %dma_start3A_913] : memref<6x1024x768xf32, #tpu.memory_space<vmem>> -> memref<1x1024x768xf32, #tpu.memory_space<vmem>>
    %dma_start3A_915 = tpu.memref_squeeze %dma_start3A_914 : memref<1x1024x768xf32, #tpu.memory_space<vmem>> -> memref<1024x768xf32, #tpu.memory_space<vmem>>
    %dma_start3A_916 = arith.constant 14336 : i32
    %dma_start3A_917 = arith.constant 0 : i32
    %dma_start3A_918 = tpu.memref_slice %arg3[%dma_start3A_916, %dma_start3A_917] : memref<16384x768xf32, #tpu.memory_space<any>> -> memref<1024x768xf32, #tpu.memory_space<any>>
    tpu.enqueue_dma source(%dma_start3A_918 : memref<1024x768xf32, #tpu.memory_space<any>>) target(%dma_start3A_915 : memref<1024x768xf32, #tpu.memory_space<vmem>>) target_semaphore(%dma_start3A_911 : memref<!tpu.dma_semaphore, #tpu.memory_space<semaphore_mem>>)
    %dma_wait3A_919 = arith.constant 3 : i32
    %dma_wait3A_920 = arith.constant 3 : i32
    %dma_wait3A_921 = tpu.memref_slice %arg11[%dma_wait3A_920] : memref<6x!tpu.dma_semaphore, #tpu.memory_space<semaphore_mem>> -> memref<1x!tpu.dma_semaphore, #tpu.memory_space<semaphore_mem>>
    %dma_wait3A_922 = tpu.memref_squeeze %dma_wait3A_921 : memref<1x!tpu.dma_semaphore, #tpu.memory_space<semaphore_mem>> -> memref<!tpu.dma_semaphore, #tpu.memory_space<semaphore_mem>>
    %dma_wait3A_923 = arith.constant 0 : i32
    %dma_wait3A_924 = arith.constant 0 : i32
    %dma_wait3A_925 = tpu.memref_slice %arg9[%dma_wait3A_919, %dma_wait3A_923, %dma_wait3A_924] : memref<6x1024x768xf32, #tpu.memory_space<vmem>> -> memref<1x1024x768xf32, #tpu.memory_space<vmem>>
    %dma_wait3A_926 = tpu.memref_squeeze %dma_wait3A_925 : memref<1x1024x768xf32, #tpu.memory_space<vmem>> -> memref<1024x768xf32, #tpu.memory_space<vmem>>
    %dma_wait3A_927 = arith.constant 9216 : i32
    %dma_wait3A_928 = arith.constant 0 : i32
    %dma_wait3A_929 = tpu.memref_slice %arg3[%dma_wait3A_927, %dma_wait3A_928] : memref<16384x768xf32, #tpu.memory_space<any>> -> memref<1024x768xf32, #tpu.memory_space<any>>
    tpu.wait_dma2 semaphore(%dma_wait3A_922 : memref<!tpu.dma_semaphore, #tpu.memory_space<semaphore_mem>>) src(%dma_wait3A_929 : memref<1024x768xf32, #tpu.memory_space<any>>) dst(%dma_wait3A_926 : memref<1024x768xf32, #tpu.memory_space<vmem>>)
    %dma_wait3A_930 = arith.constant 3 : i32
    %dma_wait3A_931 = arith.constant 3 : i32
    %dma_wait3A_932 = tpu.memref_slice %arg12[%dma_wait3A_931] : memref<6x!tpu.dma_semaphore, #tpu.memory_space<semaphore_mem>> -> memref<1x!tpu.dma_semaphore, #tpu.memory_space<semaphore_mem>>
    %dma_wait3A_933 = tpu.memref_squeeze %dma_wait3A_932 : memref<1x!tpu.dma_semaphore, #tpu.memory_space<semaphore_mem>> -> memref<!tpu.dma_semaphore, #tpu.memory_space<semaphore_mem>>
    %dma_wait3A_934 = arith.constant 3072 : i32
    %dma_wait3A_935 = arith.constant 128 : i32
    %dma_wait3A_936 = tpu.memref_slice %arg8[%dma_wait3A_934, %dma_wait3A_935] : memref<16384x512xf32, #tpu.memory_space<any>> -> memref<1024x384xf32, #tpu.memory_space<any>>
    %dma_wait3A_937 = arith.constant 0 : i32
    %dma_wait3A_938 = arith.constant 0 : i32
    %dma_wait3A_939 = tpu.memref_slice %arg10[%dma_wait3A_930, %dma_wait3A_937, %dma_wait3A_938] : memref<6x1024x384xf32, #tpu.memory_space<vmem>> -> memref<1x1024x384xf32, #tpu.memory_space<vmem>>
    %dma_wait3A_940 = tpu.memref_squeeze %dma_wait3A_939 : memref<1x1024x384xf32, #tpu.memory_space<vmem>> -> memref<1024x384xf32, #tpu.memory_space<vmem>>
    tpu.wait_dma2 semaphore(%dma_wait3A_933 : memref<!tpu.dma_semaphore, #tpu.memory_space<semaphore_mem>>) src(%dma_wait3A_940 : memref<1024x384xf32, #tpu.memory_space<vmem>>) dst(%dma_wait3A_936 : memref<1024x384xf32, #tpu.memory_space<any>>)
    %get3A_941 = arith.constant 9216 : index
    %get3A_942 = arith.constant 0 : index
    %get3A_943 = vector.load %arg1[%get3A_941, %get3A_942] : memref<16384x1xi32, #tpu.memory_space<vmem>>, vector<1024x1xi32>
    %eq3A_944 = vector.broadcast %get3A_943 : vector<1024x1xi32> to vector<1024x128xi32>
    %eq3A_945 = arith.cmpi eq, %eq3A_944, %iota3A : vector<1024x128xi32>
    %convert_element_type3A_946 = arith.extui %eq3A_945 : vector<1024x128xi1> to vector<1024x128xi32>
    %convert_element_type3A_947 = arith.sitofp %convert_element_type3A_946 : vector<1024x128xi32> to vector<1024x128xf32>
    %get3A_948 = arith.constant 0 : index
    %get3A_949 = arith.constant 0 : index
    %get3A_950 = vector.load %arg4[%get3A_948, %get3A_949] : memref<128x128xf32, #tpu.memory_space<vmem>>, vector<128x128xf32>
    %dot_general3A_951 = arith.constant dense<0.000000e+00> : vector<1024x128xf32>
    %dot_general3A_952 = tpu.matmul %convert_element_type3A_947, %get3A_950, %dot_general3A_951 {dimension_numbers = #tpu.dot_dimension_numbers<[1], [0], [0], [1], [0, 0, 1, 1], [], []>, precision = #tpu.contract_precision<fp32>, transpose_lhs_hint = false} : vector<1024x128xf32>, vector<128x128xf32>, vector<1024x128xf32> -> vector<1024x128xf32>
    %swap3A_953 = arith.constant 3 : i32
    %swap3A_954 = arith.constant 0 : i32
    %swap3A_955 = arith.constant 0 : i32
    %swap3A_956 = tpu.memref_slice %arg10[%swap3A_953, %swap3A_954, %swap3A_955] : memref<6x1024x384xf32, #tpu.memory_space<vmem>> -> memref<1x1024x384xf32, #tpu.memory_space<vmem>>
    %swap3A_957 = tpu.memref_squeeze %swap3A_956 : memref<1x1024x384xf32, #tpu.memory_space<vmem>> -> memref<1024x384xf32, #tpu.memory_space<vmem>>
    %swap3A_958 = arith.constant 0 : index
    %swap3A_959 = arith.constant 0 : index
    %swap3A_960 = vector.load %swap3A_957[%swap3A_958, %swap3A_959] : memref<1024x384xf32, #tpu.memory_space<vmem>>, vector<1024x128xf32>
    tpu.vector_store %swap3A_957[%swap3A_958, %swap3A_959], %dot_general3A_952 {strides = array<i32>} : memref<1024x384xf32, #tpu.memory_space<vmem>>, vector<1024x128xf32>,
    %get3A_961 = arith.constant 9216 : index
    %get3A_962 = arith.constant 0 : index
    %get3A_963 = vector.load %arg2[%get3A_961, %get3A_962] : memref<16384x18xf32, #tpu.memory_space<vmem>>, vector<1024x18xf32>
    %get3A_964 = arith.constant 0 : index
    %get3A_965 = arith.constant 0 : index
    %get3A_966 = vector.load %arg5[%get3A_964, %get3A_965] : memref<18x128xf32, #tpu.memory_space<vmem>>, vector<18x128xf32>
    %dot_general3A_967 = arith.constant dense<0.000000e+00> : vector<1024x128xf32>
    %dot_general3A_968 = tpu.matmul %get3A_963, %get3A_966, %dot_general3A_967 {dimension_numbers = #tpu.dot_dimension_numbers<[1], [0], [0], [1], [0, 0, 1, 1], [], []>, transpose_lhs_hint = false} : vector<1024x18xf32>, vector<18x128xf32>, vector<1024x128xf32> -> vector<1024x128xf32>
    %swap3A_969 = arith.constant 3 : i32
    %swap3A_970 = arith.constant 0 : i32
    %swap3A_971 = arith.constant 0 : i32
    %swap3A_972 = tpu.memref_slice %arg10[%swap3A_969, %swap3A_970, %swap3A_971] : memref<6x1024x384xf32, #tpu.memory_space<vmem>> -> memref<1x1024x384xf32, #tpu.memory_space<vmem>>
    %swap3A_973 = tpu.memref_squeeze %swap3A_972 : memref<1x1024x384xf32, #tpu.memory_space<vmem>> -> memref<1024x384xf32, #tpu.memory_space<vmem>>
    %swap3A_974 = arith.constant 0 : index
    %swap3A_975 = arith.constant 128 : index
    %swap3A_976 = vector.load %swap3A_973[%swap3A_974, %swap3A_975] : memref<1024x384xf32, #tpu.memory_space<vmem>>, vector<1024x128xf32>
    tpu.vector_store %swap3A_973[%swap3A_974, %swap3A_975], %dot_general3A_968 {strides = array<i32>} : memref<1024x384xf32, #tpu.memory_space<vmem>>, vector<1024x128xf32>,
    %get3A_977 = arith.constant 3 : index
    %get3A_978 = arith.constant 0 : index
    %get3A_979 = arith.constant 0 : index
    %get3A_980 = vector.load %arg9[%get3A_977, %get3A_978, %get3A_979] : memref<6x1024x768xf32, #tpu.memory_space<vmem>>, vector<1x1024x768xf32>
    %get3A_981 = vector.shape_cast %get3A_980 : vector<1x1024x768xf32> to vector<1024x768xf32>
    %get3A_982 = arith.constant 0 : index
    %get3A_983 = arith.constant 0 : index
    %get3A_984 = vector.load %arg6[%get3A_982, %get3A_983] : memref<768x128xf32, #tpu.memory_space<vmem>>, vector<768x128xf32>
    %dot_general3A_985 = arith.constant dense<0.000000e+00> : vector<1024x128xf32>
    %dot_general3A_986 = tpu.matmul %get3A_981, %get3A_984, %dot_general3A_985 {dimension_numbers = #tpu.dot_dimension_numbers<[1], [0], [0], [1], [0, 0, 1, 1], [], []>, transpose_lhs_hint = false} : vector<1024x768xf32>, vector<768x128xf32>, vector<1024x128xf32> -> vector<1024x128xf32>
    %get3A_987 = arith.constant 0 : index
    %get3A_988 = arith.constant 0 : index
    %get3A_989 = vector.load %arg7[%get3A_987, %get3A_988] : memref<1x128xf32, #tpu.memory_space<vmem>>, vector<1x128xf32>
    %add3A_990 = vector.broadcast %get3A_989 : vector<1x128xf32> to vector<1024x128xf32>
    %add3A_991 = arith.addf %dot_general3A_986, %add3A_990 : vector<1024x128xf32>
    %swap3A_992 = arith.constant 3 : i32
    %swap3A_993 = arith.constant 0 : i32
    %swap3A_994 = arith.constant 0 : i32
    %swap3A_995 = tpu.memref_slice %arg10[%swap3A_992, %swap3A_993, %swap3A_994] : memref<6x1024x384xf32, #tpu.memory_space<vmem>> -> memref<1x1024x384xf32, #tpu.memory_space<vmem>>
    %swap3A_996 = tpu.memref_squeeze %swap3A_995 : memref<1x1024x384xf32, #tpu.memory_space<vmem>> -> memref<1024x384xf32, #tpu.memory_space<vmem>>
    %swap3A_997 = arith.constant 0 : index
    %swap3A_998 = arith.constant 256 : index
    %swap3A_999 = vector.load %swap3A_996[%swap3A_997, %swap3A_998] : memref<1024x384xf32, #tpu.memory_space<vmem>>, vector<1024x128xf32>
    tpu.vector_store %swap3A_996[%swap3A_997, %swap3A_998], %add3A_991 {strides = array<i32>} : memref<1024x384xf32, #tpu.memory_space<vmem>>, vector<1024x128xf32>,
    %dma_start3A_1000 = arith.constant 3 : i32
    %dma_start3A_1001 = arith.constant 3 : i32
    %dma_start3A_1002 = tpu.memref_slice %arg12[%dma_start3A_1001] : memref<6x!tpu.dma_semaphore, #tpu.memory_space<semaphore_mem>> -> memref<1x!tpu.dma_semaphore, #tpu.memory_space<semaphore_mem>>
    %dma_start3A_1003 = tpu.memref_squeeze %dma_start3A_1002 : memref<1x!tpu.dma_semaphore, #tpu.memory_space<semaphore_mem>> -> memref<!tpu.dma_semaphore, #tpu.memory_space<semaphore_mem>>
    %dma_start3A_1004 = arith.constant 9216 : i32
    %dma_start3A_1005 = arith.constant 128 : i32
    %dma_start3A_1006 = tpu.memref_slice %arg8[%dma_start3A_1004, %dma_start3A_1005] : memref<16384x512xf32, #tpu.memory_space<any>> -> memref<1024x384xf32, #tpu.memory_space<any>>
    %dma_start3A_1007 = arith.constant 0 : i32
    %dma_start3A_1008 = arith.constant 0 : i32
    %dma_start3A_1009 = tpu.memref_slice %arg10[%dma_start3A_1000, %dma_start3A_1007, %dma_start3A_1008] : memref<6x1024x384xf32, #tpu.memory_space<vmem>> -> memref<1x1024x384xf32, #tpu.memory_space<vmem>>
    %dma_start3A_1010 = tpu.memref_squeeze %dma_start3A_1009 : memref<1x1024x384xf32, #tpu.memory_space<vmem>> -> memref<1024x384xf32, #tpu.memory_space<vmem>>
    tpu.enqueue_dma source(%dma_start3A_1010 : memref<1024x384xf32, #tpu.memory_space<vmem>>) target(%dma_start3A_1006 : memref<1024x384xf32, #tpu.memory_space<any>>) target_semaphore(%dma_start3A_1003 : memref<!tpu.dma_semaphore, #tpu.memory_space<semaphore_mem>>)
    %dma_start3A_1011 = arith.constant 3 : i32
    %dma_start3A_1012 = arith.constant 3 : i32
    %dma_start3A_1013 = tpu.memref_slice %arg11[%dma_start3A_1012] : memref<6x!tpu.dma_semaphore, #tpu.memory_space<semaphore_mem>> -> memref<1x!tpu.dma_semaphore, #tpu.memory_space<semaphore_mem>>
    %dma_start3A_1014 = tpu.memref_squeeze %dma_start3A_1013 : memref<1x!tpu.dma_semaphore, #tpu.memory_space<semaphore_mem>> -> memref<!tpu.dma_semaphore, #tpu.memory_space<semaphore_mem>>
    %dma_start3A_1015 = arith.constant 0 : i32
    %dma_start3A_1016 = arith.constant 0 : i32
    %dma_start3A_1017 = tpu.memref_slice %arg9[%dma_start3A_1011, %dma_start3A_1015, %dma_start3A_1016] : memref<6x1024x768xf32, #tpu.memory_space<vmem>> -> memref<1x1024x768xf32, #tpu.memory_space<vmem>>
    %dma_start3A_1018 = tpu.memref_squeeze %dma_start3A_1017 : memref<1x1024x768xf32, #tpu.memory_space<vmem>> -> memref<1024x768xf32, #tpu.memory_space<vmem>>
    %dma_start3A_1019 = arith.constant 15360 : i32
    %dma_start3A_1020 = arith.constant 0 : i32
    %dma_start3A_1021 = tpu.memref_slice %arg3[%dma_start3A_1019, %dma_start3A_1020] : memref<16384x768xf32, #tpu.memory_space<any>> -> memref<1024x768xf32, #tpu.memory_space<any>>
    tpu.enqueue_dma source(%dma_start3A_1021 : memref<1024x768xf32, #tpu.memory_space<any>>) target(%dma_start3A_1018 : memref<1024x768xf32, #tpu.memory_space<vmem>>) target_semaphore(%dma_start3A_1014 : memref<!tpu.dma_semaphore, #tpu.memory_space<semaphore_mem>>)
    %dma_wait3A_1022 = arith.constant 4 : i32
    %dma_wait3A_1023 = arith.constant 4 : i32
    %dma_wait3A_1024 = tpu.memref_slice %arg11[%dma_wait3A_1023] : memref<6x!tpu.dma_semaphore, #tpu.memory_space<semaphore_mem>> -> memref<1x!tpu.dma_semaphore, #tpu.memory_space<semaphore_mem>>
    %dma_wait3A_1025 = tpu.memref_squeeze %dma_wait3A_1024 : memref<1x!tpu.dma_semaphore, #tpu.memory_space<semaphore_mem>> -> memref<!tpu.dma_semaphore, #tpu.memory_space<semaphore_mem>>
    %dma_wait3A_1026 = arith.constant 0 : i32
    %dma_wait3A_1027 = arith.constant 0 : i32
    %dma_wait3A_1028 = tpu.memref_slice %arg9[%dma_wait3A_1022, %dma_wait3A_1026, %dma_wait3A_1027] : memref<6x1024x768xf32, #tpu.memory_space<vmem>> -> memref<1x1024x768xf32, #tpu.memory_space<vmem>>
    %dma_wait3A_1029 = tpu.memref_squeeze %dma_wait3A_1028 : memref<1x1024x768xf32, #tpu.memory_space<vmem>> -> memref<1024x768xf32, #tpu.memory_space<vmem>>
    %dma_wait3A_1030 = arith.constant 10240 : i32
    %dma_wait3A_1031 = arith.constant 0 : i32
    %dma_wait3A_1032 = tpu.memref_slice %arg3[%dma_wait3A_1030, %dma_wait3A_1031] : memref<16384x768xf32, #tpu.memory_space<any>> -> memref<1024x768xf32, #tpu.memory_space<any>>
    tpu.wait_dma2 semaphore(%dma_wait3A_1025 : memref<!tpu.dma_semaphore, #tpu.memory_space<semaphore_mem>>) src(%dma_wait3A_1032 : memref<1024x768xf32, #tpu.memory_space<any>>) dst(%dma_wait3A_1029 : memref<1024x768xf32, #tpu.memory_space<vmem>>)
    %dma_wait3A_1033 = arith.constant 4 : i32
    %dma_wait3A_1034 = arith.constant 4 : i32
    %dma_wait3A_1035 = tpu.memref_slice %arg12[%dma_wait3A_1034] : memref<6x!tpu.dma_semaphore, #tpu.memory_space<semaphore_mem>> -> memref<1x!tpu.dma_semaphore, #tpu.memory_space<semaphore_mem>>
    %dma_wait3A_1036 = tpu.memref_squeeze %dma_wait3A_1035 : memref<1x!tpu.dma_semaphore, #tpu.memory_space<semaphore_mem>> -> memref<!tpu.dma_semaphore, #tpu.memory_space<semaphore_mem>>
    %dma_wait3A_1037 = arith.constant 4096 : i32
    %dma_wait3A_1038 = arith.constant 128 : i32
    %dma_wait3A_1039 = tpu.memref_slice %arg8[%dma_wait3A_1037, %dma_wait3A_1038] : memref<16384x512xf32, #tpu.memory_space<any>> -> memref<1024x384xf32, #tpu.memory_space<any>>
    %dma_wait3A_1040 = arith.constant 0 : i32
    %dma_wait3A_1041 = arith.constant 0 : i32
    %dma_wait3A_1042 = tpu.memref_slice %arg10[%dma_wait3A_1033, %dma_wait3A_1040, %dma_wait3A_1041] : memref<6x1024x384xf32, #tpu.memory_space<vmem>> -> memref<1x1024x384xf32, #tpu.memory_space<vmem>>
    %dma_wait3A_1043 = tpu.memref_squeeze %dma_wait3A_1042 : memref<1x1024x384xf32, #tpu.memory_space<vmem>> -> memref<1024x384xf32, #tpu.memory_space<vmem>>
    tpu.wait_dma2 semaphore(%dma_wait3A_1036 : memref<!tpu.dma_semaphore, #tpu.memory_space<semaphore_mem>>) src(%dma_wait3A_1043 : memref<1024x384xf32, #tpu.memory_space<vmem>>) dst(%dma_wait3A_1039 : memref<1024x384xf32, #tpu.memory_space<any>>)
    %get3A_1044 = arith.constant 10240 : index
    %get3A_1045 = arith.constant 0 : index
    %get3A_1046 = vector.load %arg1[%get3A_1044, %get3A_1045] : memref<16384x1xi32, #tpu.memory_space<vmem>>, vector<1024x1xi32>
    %eq3A_1047 = vector.broadcast %get3A_1046 : vector<1024x1xi32> to vector<1024x128xi32>
    %eq3A_1048 = arith.cmpi eq, %eq3A_1047, %iota3A : vector<1024x128xi32>
    %convert_element_type3A_1049 = arith.extui %eq3A_1048 : vector<1024x128xi1> to vector<1024x128xi32>
    %convert_element_type3A_1050 = arith.sitofp %convert_element_type3A_1049 : vector<1024x128xi32> to vector<1024x128xf32>
    %get3A_1051 = arith.constant 0 : index
    %get3A_1052 = arith.constant 0 : index
    %get3A_1053 = vector.load %arg4[%get3A_1051, %get3A_1052] : memref<128x128xf32, #tpu.memory_space<vmem>>, vector<128x128xf32>
    %dot_general3A_1054 = arith.constant dense<0.000000e+00> : vector<1024x128xf32>
    %dot_general3A_1055 = tpu.matmul %convert_element_type3A_1050, %get3A_1053, %dot_general3A_1054 {dimension_numbers = #tpu.dot_dimension_numbers<[1], [0], [0], [1], [0, 0, 1, 1], [], []>, precision = #tpu.contract_precision<fp32>, transpose_lhs_hint = false} : vector<1024x128xf32>, vector<128x128xf32>, vector<1024x128xf32> -> vector<1024x128xf32>
    %swap3A_1056 = arith.constant 4 : i32
    %swap3A_1057 = arith.constant 0 : i32
    %swap3A_1058 = arith.constant 0 : i32
    %swap3A_1059 = tpu.memref_slice %arg10[%swap3A_1056, %swap3A_1057, %swap3A_1058] : memref<6x1024x384xf32, #tpu.memory_space<vmem>> -> memref<1x1024x384xf32, #tpu.memory_space<vmem>>
    %swap3A_1060 = tpu.memref_squeeze %swap3A_1059 : memref<1x1024x384xf32, #tpu.memory_space<vmem>> -> memref<1024x384xf32, #tpu.memory_space<vmem>>
    %swap3A_1061 = arith.constant 0 : index
    %swap3A_1062 = arith.constant 0 : index
    %swap3A_1063 = vector.load %swap3A_1060[%swap3A_1061, %swap3A_1062] : memref<1024x384xf32, #tpu.memory_space<vmem>>, vector<1024x128xf32>
    tpu.vector_store %swap3A_1060[%swap3A_1061, %swap3A_1062], %dot_general3A_1055 {strides = array<i32>} : memref<1024x384xf32, #tpu.memory_space<vmem>>, vector<1024x128xf32>,
    %get3A_1064 = arith.constant 10240 : index
    %get3A_1065 = arith.constant 0 : index
    %get3A_1066 = vector.load %arg2[%get3A_1064, %get3A_1065] : memref<16384x18xf32, #tpu.memory_space<vmem>>, vector<1024x18xf32>
    %get3A_1067 = arith.constant 0 : index
    %get3A_1068 = arith.constant 0 : index
    %get3A_1069 = vector.load %arg5[%get3A_1067, %get3A_1068] : memref<18x128xf32, #tpu.memory_space<vmem>>, vector<18x128xf32>
    %dot_general3A_1070 = arith.constant dense<0.000000e+00> : vector<1024x128xf32>
    %dot_general3A_1071 = tpu.matmul %get3A_1066, %get3A_1069, %dot_general3A_1070 {dimension_numbers = #tpu.dot_dimension_numbers<[1], [0], [0], [1], [0, 0, 1, 1], [], []>, transpose_lhs_hint = false} : vector<1024x18xf32>, vector<18x128xf32>, vector<1024x128xf32> -> vector<1024x128xf32>
    %swap3A_1072 = arith.constant 4 : i32
    %swap3A_1073 = arith.constant 0 : i32
    %swap3A_1074 = arith.constant 0 : i32
    %swap3A_1075 = tpu.memref_slice %arg10[%swap3A_1072, %swap3A_1073, %swap3A_1074] : memref<6x1024x384xf32, #tpu.memory_space<vmem>> -> memref<1x1024x384xf32, #tpu.memory_space<vmem>>
    %swap3A_1076 = tpu.memref_squeeze %swap3A_1075 : memref<1x1024x384xf32, #tpu.memory_space<vmem>> -> memref<1024x384xf32, #tpu.memory_space<vmem>>
    %swap3A_1077 = arith.constant 0 : index
    %swap3A_1078 = arith.constant 128 : index
    %swap3A_1079 = vector.load %swap3A_1076[%swap3A_1077, %swap3A_1078] : memref<1024x384xf32, #tpu.memory_space<vmem>>, vector<1024x128xf32>
    tpu.vector_store %swap3A_1076[%swap3A_1077, %swap3A_1078], %dot_general3A_1071 {strides = array<i32>} : memref<1024x384xf32, #tpu.memory_space<vmem>>, vector<1024x128xf32>,
    %get3A_1080 = arith.constant 4 : index
    %get3A_1081 = arith.constant 0 : index
    %get3A_1082 = arith.constant 0 : index
    %get3A_1083 = vector.load %arg9[%get3A_1080, %get3A_1081, %get3A_1082] : memref<6x1024x768xf32, #tpu.memory_space<vmem>>, vector<1x1024x768xf32>
    %get3A_1084 = vector.shape_cast %get3A_1083 : vector<1x1024x768xf32> to vector<1024x768xf32>
    %get3A_1085 = arith.constant 0 : index
    %get3A_1086 = arith.constant 0 : index
    %get3A_1087 = vector.load %arg6[%get3A_1085, %get3A_1086] : memref<768x128xf32, #tpu.memory_space<vmem>>, vector<768x128xf32>
    %dot_general3A_1088 = arith.constant dense<0.000000e+00> : vector<1024x128xf32>
    %dot_general3A_1089 = tpu.matmul %get3A_1084, %get3A_1087, %dot_general3A_1088 {dimension_numbers = #tpu.dot_dimension_numbers<[1], [0], [0], [1], [0, 0, 1, 1], [], []>, transpose_lhs_hint = false} : vector<1024x768xf32>, vector<768x128xf32>, vector<1024x128xf32> -> vector<1024x128xf32>
    %get3A_1090 = arith.constant 0 : index
    %get3A_1091 = arith.constant 0 : index
    %get3A_1092 = vector.load %arg7[%get3A_1090, %get3A_1091] : memref<1x128xf32, #tpu.memory_space<vmem>>, vector<1x128xf32>
    %add3A_1093 = vector.broadcast %get3A_1092 : vector<1x128xf32> to vector<1024x128xf32>
    %add3A_1094 = arith.addf %dot_general3A_1089, %add3A_1093 : vector<1024x128xf32>
    %swap3A_1095 = arith.constant 4 : i32
    %swap3A_1096 = arith.constant 0 : i32
    %swap3A_1097 = arith.constant 0 : i32
    %swap3A_1098 = tpu.memref_slice %arg10[%swap3A_1095, %swap3A_1096, %swap3A_1097] : memref<6x1024x384xf32, #tpu.memory_space<vmem>> -> memref<1x1024x384xf32, #tpu.memory_space<vmem>>
    %swap3A_1099 = tpu.memref_squeeze %swap3A_1098 : memref<1x1024x384xf32, #tpu.memory_space<vmem>> -> memref<1024x384xf32, #tpu.memory_space<vmem>>
    %swap3A_1100 = arith.constant 0 : index
    %swap3A_1101 = arith.constant 256 : index
    %swap3A_1102 = vector.load %swap3A_1099[%swap3A_1100, %swap3A_1101] : memref<1024x384xf32, #tpu.memory_space<vmem>>, vector<1024x128xf32>
    tpu.vector_store %swap3A_1099[%swap3A_1100, %swap3A_1101], %add3A_1094 {strides = array<i32>} : memref<1024x384xf32, #tpu.memory_space<vmem>>, vector<1024x128xf32>,
    %dma_start3A_1103 = arith.constant 4 : i32
    %dma_start3A_1104 = arith.constant 4 : i32
    %dma_start3A_1105 = tpu.memref_slice %arg12[%dma_start3A_1104] : memref<6x!tpu.dma_semaphore, #tpu.memory_space<semaphore_mem>> -> memref<1x!tpu.dma_semaphore, #tpu.memory_space<semaphore_mem>>
    %dma_start3A_1106 = tpu.memref_squeeze %dma_start3A_1105 : memref<1x!tpu.dma_semaphore, #tpu.memory_space<semaphore_mem>> -> memref<!tpu.dma_semaphore, #tpu.memory_space<semaphore_mem>>
    %dma_start3A_1107 = arith.constant 10240 : i32
    %dma_start3A_1108 = arith.constant 128 : i32
    %dma_start3A_1109 = tpu.memref_slice %arg8[%dma_start3A_1107, %dma_start3A_1108] : memref<16384x512xf32, #tpu.memory_space<any>> -> memref<1024x384xf32, #tpu.memory_space<any>>
    %dma_start3A_1110 = arith.constant 0 : i32
    %dma_start3A_1111 = arith.constant 0 : i32
    %dma_start3A_1112 = tpu.memref_slice %arg10[%dma_start3A_1103, %dma_start3A_1110, %dma_start3A_1111] : memref<6x1024x384xf32, #tpu.memory_space<vmem>> -> memref<1x1024x384xf32, #tpu.memory_space<vmem>>
    %dma_start3A_1113 = tpu.memref_squeeze %dma_start3A_1112 : memref<1x1024x384xf32, #tpu.memory_space<vmem>> -> memref<1024x384xf32, #tpu.memory_space<vmem>>
    tpu.enqueue_dma source(%dma_start3A_1113 : memref<1024x384xf32, #tpu.memory_space<vmem>>) target(%dma_start3A_1109 : memref<1024x384xf32, #tpu.memory_space<any>>) target_semaphore(%dma_start3A_1106 : memref<!tpu.dma_semaphore, #tpu.memory_space<semaphore_mem>>)
    %dma_wait3A_1114 = arith.constant 5 : i32
    %dma_wait3A_1115 = arith.constant 5 : i32
    %dma_wait3A_1116 = tpu.memref_slice %arg11[%dma_wait3A_1115] : memref<6x!tpu.dma_semaphore, #tpu.memory_space<semaphore_mem>> -> memref<1x!tpu.dma_semaphore, #tpu.memory_space<semaphore_mem>>
    %dma_wait3A_1117 = tpu.memref_squeeze %dma_wait3A_1116 : memref<1x!tpu.dma_semaphore, #tpu.memory_space<semaphore_mem>> -> memref<!tpu.dma_semaphore, #tpu.memory_space<semaphore_mem>>
    %dma_wait3A_1118 = arith.constant 0 : i32
    %dma_wait3A_1119 = arith.constant 0 : i32
    %dma_wait3A_1120 = tpu.memref_slice %arg9[%dma_wait3A_1114, %dma_wait3A_1118, %dma_wait3A_1119] : memref<6x1024x768xf32, #tpu.memory_space<vmem>> -> memref<1x1024x768xf32, #tpu.memory_space<vmem>>
    %dma_wait3A_1121 = tpu.memref_squeeze %dma_wait3A_1120 : memref<1x1024x768xf32, #tpu.memory_space<vmem>> -> memref<1024x768xf32, #tpu.memory_space<vmem>>
    %dma_wait3A_1122 = arith.constant 11264 : i32
    %dma_wait3A_1123 = arith.constant 0 : i32
    %dma_wait3A_1124 = tpu.memref_slice %arg3[%dma_wait3A_1122, %dma_wait3A_1123] : memref<16384x768xf32, #tpu.memory_space<any>> -> memref<1024x768xf32, #tpu.memory_space<any>>
    tpu.wait_dma2 semaphore(%dma_wait3A_1117 : memref<!tpu.dma_semaphore, #tpu.memory_space<semaphore_mem>>) src(%dma_wait3A_1124 : memref<1024x768xf32, #tpu.memory_space<any>>) dst(%dma_wait3A_1121 : memref<1024x768xf32, #tpu.memory_space<vmem>>)
    %dma_wait3A_1125 = arith.constant 5 : i32
    %dma_wait3A_1126 = arith.constant 5 : i32
    %dma_wait3A_1127 = tpu.memref_slice %arg12[%dma_wait3A_1126] : memref<6x!tpu.dma_semaphore, #tpu.memory_space<semaphore_mem>> -> memref<1x!tpu.dma_semaphore, #tpu.memory_space<semaphore_mem>>
    %dma_wait3A_1128 = tpu.memref_squeeze %dma_wait3A_1127 : memref<1x!tpu.dma_semaphore, #tpu.memory_space<semaphore_mem>> -> memref<!tpu.dma_semaphore, #tpu.memory_space<semaphore_mem>>
    %dma_wait3A_1129 = arith.constant 5120 : i32
    %dma_wait3A_1130 = arith.constant 128 : i32
    %dma_wait3A_1131 = tpu.memref_slice %arg8[%dma_wait3A_1129, %dma_wait3A_1130] : memref<16384x512xf32, #tpu.memory_space<any>> -> memref<1024x384xf32, #tpu.memory_space<any>>
    %dma_wait3A_1132 = arith.constant 0 : i32
    %dma_wait3A_1133 = arith.constant 0 : i32
    %dma_wait3A_1134 = tpu.memref_slice %arg10[%dma_wait3A_1125, %dma_wait3A_1132, %dma_wait3A_1133] : memref<6x1024x384xf32, #tpu.memory_space<vmem>> -> memref<1x1024x384xf32, #tpu.memory_space<vmem>>
    %dma_wait3A_1135 = tpu.memref_squeeze %dma_wait3A_1134 : memref<1x1024x384xf32, #tpu.memory_space<vmem>> -> memref<1024x384xf32, #tpu.memory_space<vmem>>
    tpu.wait_dma2 semaphore(%dma_wait3A_1128 : memref<!tpu.dma_semaphore, #tpu.memory_space<semaphore_mem>>) src(%dma_wait3A_1135 : memref<1024x384xf32, #tpu.memory_space<vmem>>) dst(%dma_wait3A_1131 : memref<1024x384xf32, #tpu.memory_space<any>>)
    %get3A_1136 = arith.constant 11264 : index
    %get3A_1137 = arith.constant 0 : index
    %get3A_1138 = vector.load %arg1[%get3A_1136, %get3A_1137] : memref<16384x1xi32, #tpu.memory_space<vmem>>, vector<1024x1xi32>
    %eq3A_1139 = vector.broadcast %get3A_1138 : vector<1024x1xi32> to vector<1024x128xi32>
    %eq3A_1140 = arith.cmpi eq, %eq3A_1139, %iota3A : vector<1024x128xi32>
    %convert_element_type3A_1141 = arith.extui %eq3A_1140 : vector<1024x128xi1> to vector<1024x128xi32>
    %convert_element_type3A_1142 = arith.sitofp %convert_element_type3A_1141 : vector<1024x128xi32> to vector<1024x128xf32>
    %get3A_1143 = arith.constant 0 : index
    %get3A_1144 = arith.constant 0 : index
    %get3A_1145 = vector.load %arg4[%get3A_1143, %get3A_1144] : memref<128x128xf32, #tpu.memory_space<vmem>>, vector<128x128xf32>
    %dot_general3A_1146 = arith.constant dense<0.000000e+00> : vector<1024x128xf32>
    %dot_general3A_1147 = tpu.matmul %convert_element_type3A_1142, %get3A_1145, %dot_general3A_1146 {dimension_numbers = #tpu.dot_dimension_numbers<[1], [0], [0], [1], [0, 0, 1, 1], [], []>, precision = #tpu.contract_precision<fp32>, transpose_lhs_hint = false} : vector<1024x128xf32>, vector<128x128xf32>, vector<1024x128xf32> -> vector<1024x128xf32>
    %swap3A_1148 = arith.constant 5 : i32
    %swap3A_1149 = arith.constant 0 : i32
    %swap3A_1150 = arith.constant 0 : i32
    %swap3A_1151 = tpu.memref_slice %arg10[%swap3A_1148, %swap3A_1149, %swap3A_1150] : memref<6x1024x384xf32, #tpu.memory_space<vmem>> -> memref<1x1024x384xf32, #tpu.memory_space<vmem>>
    %swap3A_1152 = tpu.memref_squeeze %swap3A_1151 : memref<1x1024x384xf32, #tpu.memory_space<vmem>> -> memref<1024x384xf32, #tpu.memory_space<vmem>>
    %swap3A_1153 = arith.constant 0 : index
    %swap3A_1154 = arith.constant 0 : index
    %swap3A_1155 = vector.load %swap3A_1152[%swap3A_1153, %swap3A_1154] : memref<1024x384xf32, #tpu.memory_space<vmem>>, vector<1024x128xf32>
    tpu.vector_store %swap3A_1152[%swap3A_1153, %swap3A_1154], %dot_general3A_1147 {strides = array<i32>} : memref<1024x384xf32, #tpu.memory_space<vmem>>, vector<1024x128xf32>,
    %get3A_1156 = arith.constant 11264 : index
    %get3A_1157 = arith.constant 0 : index
    %get3A_1158 = vector.load %arg2[%get3A_1156, %get3A_1157] : memref<16384x18xf32, #tpu.memory_space<vmem>>, vector<1024x18xf32>
    %get3A_1159 = arith.constant 0 : index
    %get3A_1160 = arith.constant 0 : index
    %get3A_1161 = vector.load %arg5[%get3A_1159, %get3A_1160] : memref<18x128xf32, #tpu.memory_space<vmem>>, vector<18x128xf32>
    %dot_general3A_1162 = arith.constant dense<0.000000e+00> : vector<1024x128xf32>
    %dot_general3A_1163 = tpu.matmul %get3A_1158, %get3A_1161, %dot_general3A_1162 {dimension_numbers = #tpu.dot_dimension_numbers<[1], [0], [0], [1], [0, 0, 1, 1], [], []>, transpose_lhs_hint = false} : vector<1024x18xf32>, vector<18x128xf32>, vector<1024x128xf32> -> vector<1024x128xf32>
    %swap3A_1164 = arith.constant 5 : i32
    %swap3A_1165 = arith.constant 0 : i32
    %swap3A_1166 = arith.constant 0 : i32
    %swap3A_1167 = tpu.memref_slice %arg10[%swap3A_1164, %swap3A_1165, %swap3A_1166] : memref<6x1024x384xf32, #tpu.memory_space<vmem>> -> memref<1x1024x384xf32, #tpu.memory_space<vmem>>
    %swap3A_1168 = tpu.memref_squeeze %swap3A_1167 : memref<1x1024x384xf32, #tpu.memory_space<vmem>> -> memref<1024x384xf32, #tpu.memory_space<vmem>>
    %swap3A_1169 = arith.constant 0 : index
    %swap3A_1170 = arith.constant 128 : index
    %swap3A_1171 = vector.load %swap3A_1168[%swap3A_1169, %swap3A_1170] : memref<1024x384xf32, #tpu.memory_space<vmem>>, vector<1024x128xf32>
    tpu.vector_store %swap3A_1168[%swap3A_1169, %swap3A_1170], %dot_general3A_1163 {strides = array<i32>} : memref<1024x384xf32, #tpu.memory_space<vmem>>, vector<1024x128xf32>,
    %get3A_1172 = arith.constant 5 : index
    %get3A_1173 = arith.constant 0 : index
    %get3A_1174 = arith.constant 0 : index
    %get3A_1175 = vector.load %arg9[%get3A_1172, %get3A_1173, %get3A_1174] : memref<6x1024x768xf32, #tpu.memory_space<vmem>>, vector<1x1024x768xf32>
    %get3A_1176 = vector.shape_cast %get3A_1175 : vector<1x1024x768xf32> to vector<1024x768xf32>
    %get3A_1177 = arith.constant 0 : index
    %get3A_1178 = arith.constant 0 : index
    %get3A_1179 = vector.load %arg6[%get3A_1177, %get3A_1178] : memref<768x128xf32, #tpu.memory_space<vmem>>, vector<768x128xf32>
    %dot_general3A_1180 = arith.constant dense<0.000000e+00> : vector<1024x128xf32>
    %dot_general3A_1181 = tpu.matmul %get3A_1176, %get3A_1179, %dot_general3A_1180 {dimension_numbers = #tpu.dot_dimension_numbers<[1], [0], [0], [1], [0, 0, 1, 1], [], []>, transpose_lhs_hint = false} : vector<1024x768xf32>, vector<768x128xf32>, vector<1024x128xf32> -> vector<1024x128xf32>
    %get3A_1182 = arith.constant 0 : index
    %get3A_1183 = arith.constant 0 : index
    %get3A_1184 = vector.load %arg7[%get3A_1182, %get3A_1183] : memref<1x128xf32, #tpu.memory_space<vmem>>, vector<1x128xf32>
    %add3A_1185 = vector.broadcast %get3A_1184 : vector<1x128xf32> to vector<1024x128xf32>
    %add3A_1186 = arith.addf %dot_general3A_1181, %add3A_1185 : vector<1024x128xf32>
    %swap3A_1187 = arith.constant 5 : i32
    %swap3A_1188 = arith.constant 0 : i32
    %swap3A_1189 = arith.constant 0 : i32
    %swap3A_1190 = tpu.memref_slice %arg10[%swap3A_1187, %swap3A_1188, %swap3A_1189] : memref<6x1024x384xf32, #tpu.memory_space<vmem>> -> memref<1x1024x384xf32, #tpu.memory_space<vmem>>
    %swap3A_1191 = tpu.memref_squeeze %swap3A_1190 : memref<1x1024x384xf32, #tpu.memory_space<vmem>> -> memref<1024x384xf32, #tpu.memory_space<vmem>>
    %swap3A_1192 = arith.constant 0 : index
    %swap3A_1193 = arith.constant 256 : index
    %swap3A_1194 = vector.load %swap3A_1191[%swap3A_1192, %swap3A_1193] : memref<1024x384xf32, #tpu.memory_space<vmem>>, vector<1024x128xf32>
    tpu.vector_store %swap3A_1191[%swap3A_1192, %swap3A_1193], %add3A_1186 {strides = array<i32>} : memref<1024x384xf32, #tpu.memory_space<vmem>>, vector<1024x128xf32>,
    %dma_start3A_1195 = arith.constant 5 : i32
    %dma_start3A_1196 = arith.constant 5 : i32
    %dma_start3A_1197 = tpu.memref_slice %arg12[%dma_start3A_1196] : memref<6x!tpu.dma_semaphore, #tpu.memory_space<semaphore_mem>> -> memref<1x!tpu.dma_semaphore, #tpu.memory_space<semaphore_mem>>
    %dma_start3A_1198 = tpu.memref_squeeze %dma_start3A_1197 : memref<1x!tpu.dma_semaphore, #tpu.memory_space<semaphore_mem>> -> memref<!tpu.dma_semaphore, #tpu.memory_space<semaphore_mem>>
    %dma_start3A_1199 = arith.constant 11264 : i32
    %dma_start3A_1200 = arith.constant 128 : i32
    %dma_start3A_1201 = tpu.memref_slice %arg8[%dma_start3A_1199, %dma_start3A_1200] : memref<16384x512xf32, #tpu.memory_space<any>> -> memref<1024x384xf32, #tpu.memory_space<any>>
    %dma_start3A_1202 = arith.constant 0 : i32
    %dma_start3A_1203 = arith.constant 0 : i32
    %dma_start3A_1204 = tpu.memref_slice %arg10[%dma_start3A_1195, %dma_start3A_1202, %dma_start3A_1203] : memref<6x1024x384xf32, #tpu.memory_space<vmem>> -> memref<1x1024x384xf32, #tpu.memory_space<vmem>>
    %dma_start3A_1205 = tpu.memref_squeeze %dma_start3A_1204 : memref<1x1024x384xf32, #tpu.memory_space<vmem>> -> memref<1024x384xf32, #tpu.memory_space<vmem>>
    tpu.enqueue_dma source(%dma_start3A_1205 : memref<1024x384xf32, #tpu.memory_space<vmem>>) target(%dma_start3A_1201 : memref<1024x384xf32, #tpu.memory_space<any>>) target_semaphore(%dma_start3A_1198 : memref<!tpu.dma_semaphore, #tpu.memory_space<semaphore_mem>>)
    %dma_wait3A_1206 = arith.constant 0 : i32
    %dma_wait3A_1207 = arith.constant 0 : i32
    %dma_wait3A_1208 = tpu.memref_slice %arg11[%dma_wait3A_1207] : memref<6x!tpu.dma_semaphore, #tpu.memory_space<semaphore_mem>> -> memref<1x!tpu.dma_semaphore, #tpu.memory_space<semaphore_mem>>
    %dma_wait3A_1209 = tpu.memref_squeeze %dma_wait3A_1208 : memref<1x!tpu.dma_semaphore, #tpu.memory_space<semaphore_mem>> -> memref<!tpu.dma_semaphore, #tpu.memory_space<semaphore_mem>>
    %dma_wait3A_1210 = arith.constant 0 : i32
    %dma_wait3A_1211 = arith.constant 0 : i32
    %dma_wait3A_1212 = tpu.memref_slice %arg9[%dma_wait3A_1206, %dma_wait3A_1210, %dma_wait3A_1211] : memref<6x1024x768xf32, #tpu.memory_space<vmem>> -> memref<1x1024x768xf32, #tpu.memory_space<vmem>>
    %dma_wait3A_1213 = tpu.memref_squeeze %dma_wait3A_1212 : memref<1x1024x768xf32, #tpu.memory_space<vmem>> -> memref<1024x768xf32, #tpu.memory_space<vmem>>
    %dma_wait3A_1214 = arith.constant 12288 : i32
    %dma_wait3A_1215 = arith.constant 0 : i32
    %dma_wait3A_1216 = tpu.memref_slice %arg3[%dma_wait3A_1214, %dma_wait3A_1215] : memref<16384x768xf32, #tpu.memory_space<any>> -> memref<1024x768xf32, #tpu.memory_space<any>>
    tpu.wait_dma2 semaphore(%dma_wait3A_1209 : memref<!tpu.dma_semaphore, #tpu.memory_space<semaphore_mem>>) src(%dma_wait3A_1216 : memref<1024x768xf32, #tpu.memory_space<any>>) dst(%dma_wait3A_1213 : memref<1024x768xf32, #tpu.memory_space<vmem>>)
    %dma_wait3A_1217 = arith.constant 0 : i32
    %dma_wait3A_1218 = arith.constant 0 : i32
    %dma_wait3A_1219 = tpu.memref_slice %arg12[%dma_wait3A_1218] : memref<6x!tpu.dma_semaphore, #tpu.memory_space<semaphore_mem>> -> memref<1x!tpu.dma_semaphore, #tpu.memory_space<semaphore_mem>>
    %dma_wait3A_1220 = tpu.memref_squeeze %dma_wait3A_1219 : memref<1x!tpu.dma_semaphore, #tpu.memory_space<semaphore_mem>> -> memref<!tpu.dma_semaphore, #tpu.memory_space<semaphore_mem>>
    %dma_wait3A_1221 = arith.constant 6144 : i32
    %dma_wait3A_1222 = arith.constant 128 : i32
    %dma_wait3A_1223 = tpu.memref_slice %arg8[%dma_wait3A_1221, %dma_wait3A_1222] : memref<16384x512xf32, #tpu.memory_space<any>> -> memref<1024x384xf32, #tpu.memory_space<any>>
    %dma_wait3A_1224 = arith.constant 0 : i32
    %dma_wait3A_1225 = arith.constant 0 : i32
    %dma_wait3A_1226 = tpu.memref_slice %arg10[%dma_wait3A_1217, %dma_wait3A_1224, %dma_wait3A_1225] : memref<6x1024x384xf32, #tpu.memory_space<vmem>> -> memref<1x1024x384xf32, #tpu.memory_space<vmem>>
    %dma_wait3A_1227 = tpu.memref_squeeze %dma_wait3A_1226 : memref<1x1024x384xf32, #tpu.memory_space<vmem>> -> memref<1024x384xf32, #tpu.memory_space<vmem>>
    tpu.wait_dma2 semaphore(%dma_wait3A_1220 : memref<!tpu.dma_semaphore, #tpu.memory_space<semaphore_mem>>) src(%dma_wait3A_1227 : memref<1024x384xf32, #tpu.memory_space<vmem>>) dst(%dma_wait3A_1223 : memref<1024x384xf32, #tpu.memory_space<any>>)
    %get3A_1228 = arith.constant 12288 : index
    %get3A_1229 = arith.constant 0 : index
    %get3A_1230 = vector.load %arg1[%get3A_1228, %get3A_1229] : memref<16384x1xi32, #tpu.memory_space<vmem>>, vector<1024x1xi32>
    %eq3A_1231 = vector.broadcast %get3A_1230 : vector<1024x1xi32> to vector<1024x128xi32>
    %eq3A_1232 = arith.cmpi eq, %eq3A_1231, %iota3A : vector<1024x128xi32>
    %convert_element_type3A_1233 = arith.extui %eq3A_1232 : vector<1024x128xi1> to vector<1024x128xi32>
    %convert_element_type3A_1234 = arith.sitofp %convert_element_type3A_1233 : vector<1024x128xi32> to vector<1024x128xf32>
    %get3A_1235 = arith.constant 0 : index
    %get3A_1236 = arith.constant 0 : index
    %get3A_1237 = vector.load %arg4[%get3A_1235, %get3A_1236] : memref<128x128xf32, #tpu.memory_space<vmem>>, vector<128x128xf32>
    %dot_general3A_1238 = arith.constant dense<0.000000e+00> : vector<1024x128xf32>
    %dot_general3A_1239 = tpu.matmul %convert_element_type3A_1234, %get3A_1237, %dot_general3A_1238 {dimension_numbers = #tpu.dot_dimension_numbers<[1], [0], [0], [1], [0, 0, 1, 1], [], []>, precision = #tpu.contract_precision<fp32>, transpose_lhs_hint = false} : vector<1024x128xf32>, vector<128x128xf32>, vector<1024x128xf32> -> vector<1024x128xf32>
    %swap3A_1240 = arith.constant 0 : i32
    %swap3A_1241 = arith.constant 0 : i32
    %swap3A_1242 = arith.constant 0 : i32
    %swap3A_1243 = tpu.memref_slice %arg10[%swap3A_1240, %swap3A_1241, %swap3A_1242] : memref<6x1024x384xf32, #tpu.memory_space<vmem>> -> memref<1x1024x384xf32, #tpu.memory_space<vmem>>
    %swap3A_1244 = tpu.memref_squeeze %swap3A_1243 : memref<1x1024x384xf32, #tpu.memory_space<vmem>> -> memref<1024x384xf32, #tpu.memory_space<vmem>>
    %swap3A_1245 = arith.constant 0 : index
    %swap3A_1246 = arith.constant 0 : index
    %swap3A_1247 = vector.load %swap3A_1244[%swap3A_1245, %swap3A_1246] : memref<1024x384xf32, #tpu.memory_space<vmem>>, vector<1024x128xf32>
    tpu.vector_store %swap3A_1244[%swap3A_1245, %swap3A_1246], %dot_general3A_1239 {strides = array<i32>} : memref<1024x384xf32, #tpu.memory_space<vmem>>, vector<1024x128xf32>,
    %get3A_1248 = arith.constant 12288 : index
    %get3A_1249 = arith.constant 0 : index
    %get3A_1250 = vector.load %arg2[%get3A_1248, %get3A_1249] : memref<16384x18xf32, #tpu.memory_space<vmem>>, vector<1024x18xf32>
    %get3A_1251 = arith.constant 0 : index
    %get3A_1252 = arith.constant 0 : index
    %get3A_1253 = vector.load %arg5[%get3A_1251, %get3A_1252] : memref<18x128xf32, #tpu.memory_space<vmem>>, vector<18x128xf32>
    %dot_general3A_1254 = arith.constant dense<0.000000e+00> : vector<1024x128xf32>
    %dot_general3A_1255 = tpu.matmul %get3A_1250, %get3A_1253, %dot_general3A_1254 {dimension_numbers = #tpu.dot_dimension_numbers<[1], [0], [0], [1], [0, 0, 1, 1], [], []>, transpose_lhs_hint = false} : vector<1024x18xf32>, vector<18x128xf32>, vector<1024x128xf32> -> vector<1024x128xf32>
    %swap3A_1256 = arith.constant 0 : i32
    %swap3A_1257 = arith.constant 0 : i32
    %swap3A_1258 = arith.constant 0 : i32
    %swap3A_1259 = tpu.memref_slice %arg10[%swap3A_1256, %swap3A_1257, %swap3A_1258] : memref<6x1024x384xf32, #tpu.memory_space<vmem>> -> memref<1x1024x384xf32, #tpu.memory_space<vmem>>
    %swap3A_1260 = tpu.memref_squeeze %swap3A_1259 : memref<1x1024x384xf32, #tpu.memory_space<vmem>> -> memref<1024x384xf32, #tpu.memory_space<vmem>>
    %swap3A_1261 = arith.constant 0 : index
    %swap3A_1262 = arith.constant 128 : index
    %swap3A_1263 = vector.load %swap3A_1260[%swap3A_1261, %swap3A_1262] : memref<1024x384xf32, #tpu.memory_space<vmem>>, vector<1024x128xf32>
    tpu.vector_store %swap3A_1260[%swap3A_1261, %swap3A_1262], %dot_general3A_1255 {strides = array<i32>} : memref<1024x384xf32, #tpu.memory_space<vmem>>, vector<1024x128xf32>,
    %get3A_1264 = arith.constant 0 : index
    %get3A_1265 = arith.constant 0 : index
    %get3A_1266 = arith.constant 0 : index
    %get3A_1267 = vector.load %arg9[%get3A_1264, %get3A_1265, %get3A_1266] : memref<6x1024x768xf32, #tpu.memory_space<vmem>>, vector<1x1024x768xf32>
    %get3A_1268 = vector.shape_cast %get3A_1267 : vector<1x1024x768xf32> to vector<1024x768xf32>
    %get3A_1269 = arith.constant 0 : index
    %get3A_1270 = arith.constant 0 : index
    %get3A_1271 = vector.load %arg6[%get3A_1269, %get3A_1270] : memref<768x128xf32, #tpu.memory_space<vmem>>, vector<768x128xf32>
    %dot_general3A_1272 = arith.constant dense<0.000000e+00> : vector<1024x128xf32>
    %dot_general3A_1273 = tpu.matmul %get3A_1268, %get3A_1271, %dot_general3A_1272 {dimension_numbers = #tpu.dot_dimension_numbers<[1], [0], [0], [1], [0, 0, 1, 1], [], []>, transpose_lhs_hint = false} : vector<1024x768xf32>, vector<768x128xf32>, vector<1024x128xf32> -> vector<1024x128xf32>
    %get3A_1274 = arith.constant 0 : index
    %get3A_1275 = arith.constant 0 : index
    %get3A_1276 = vector.load %arg7[%get3A_1274, %get3A_1275] : memref<1x128xf32, #tpu.memory_space<vmem>>, vector<1x128xf32>
    %add3A_1277 = vector.broadcast %get3A_1276 : vector<1x128xf32> to vector<1024x128xf32>
    %add3A_1278 = arith.addf %dot_general3A_1273, %add3A_1277 : vector<1024x128xf32>
    %swap3A_1279 = arith.constant 0 : i32
    %swap3A_1280 = arith.constant 0 : i32
    %swap3A_1281 = arith.constant 0 : i32
    %swap3A_1282 = tpu.memref_slice %arg10[%swap3A_1279, %swap3A_1280, %swap3A_1281] : memref<6x1024x384xf32, #tpu.memory_space<vmem>> -> memref<1x1024x384xf32, #tpu.memory_space<vmem>>
    %swap3A_1283 = tpu.memref_squeeze %swap3A_1282 : memref<1x1024x384xf32, #tpu.memory_space<vmem>> -> memref<1024x384xf32, #tpu.memory_space<vmem>>
    %swap3A_1284 = arith.constant 0 : index
    %swap3A_1285 = arith.constant 256 : index
    %swap3A_1286 = vector.load %swap3A_1283[%swap3A_1284, %swap3A_1285] : memref<1024x384xf32, #tpu.memory_space<vmem>>, vector<1024x128xf32>
    tpu.vector_store %swap3A_1283[%swap3A_1284, %swap3A_1285], %add3A_1278 {strides = array<i32>} : memref<1024x384xf32, #tpu.memory_space<vmem>>, vector<1024x128xf32>,
    %dma_start3A_1287 = arith.constant 0 : i32
    %dma_start3A_1288 = arith.constant 0 : i32
    %dma_start3A_1289 = tpu.memref_slice %arg12[%dma_start3A_1288] : memref<6x!tpu.dma_semaphore, #tpu.memory_space<semaphore_mem>> -> memref<1x!tpu.dma_semaphore, #tpu.memory_space<semaphore_mem>>
    %dma_start3A_1290 = tpu.memref_squeeze %dma_start3A_1289 : memref<1x!tpu.dma_semaphore, #tpu.memory_space<semaphore_mem>> -> memref<!tpu.dma_semaphore, #tpu.memory_space<semaphore_mem>>
    %dma_start3A_1291 = arith.constant 12288 : i32
    %dma_start3A_1292 = arith.constant 128 : i32
    %dma_start3A_1293 = tpu.memref_slice %arg8[%dma_start3A_1291, %dma_start3A_1292] : memref<16384x512xf32, #tpu.memory_space<any>> -> memref<1024x384xf32, #tpu.memory_space<any>>
    %dma_start3A_1294 = arith.constant 0 : i32
    %dma_start3A_1295 = arith.constant 0 : i32
    %dma_start3A_1296 = tpu.memref_slice %arg10[%dma_start3A_1287, %dma_start3A_1294, %dma_start3A_1295] : memref<6x1024x384xf32, #tpu.memory_space<vmem>> -> memref<1x1024x384xf32, #tpu.memory_space<vmem>>
    %dma_start3A_1297 = tpu.memref_squeeze %dma_start3A_1296 : memref<1x1024x384xf32, #tpu.memory_space<vmem>> -> memref<1024x384xf32, #tpu.memory_space<vmem>>
    tpu.enqueue_dma source(%dma_start3A_1297 : memref<1024x384xf32, #tpu.memory_space<vmem>>) target(%dma_start3A_1293 : memref<1024x384xf32, #tpu.memory_space<any>>) target_semaphore(%dma_start3A_1290 : memref<!tpu.dma_semaphore, #tpu.memory_space<semaphore_mem>>)
    %dma_wait3A_1298 = arith.constant 1 : i32
    %dma_wait3A_1299 = arith.constant 1 : i32
    %dma_wait3A_1300 = tpu.memref_slice %arg11[%dma_wait3A_1299] : memref<6x!tpu.dma_semaphore, #tpu.memory_space<semaphore_mem>> -> memref<1x!tpu.dma_semaphore, #tpu.memory_space<semaphore_mem>>
    %dma_wait3A_1301 = tpu.memref_squeeze %dma_wait3A_1300 : memref<1x!tpu.dma_semaphore, #tpu.memory_space<semaphore_mem>> -> memref<!tpu.dma_semaphore, #tpu.memory_space<semaphore_mem>>
    %dma_wait3A_1302 = arith.constant 0 : i32
    %dma_wait3A_1303 = arith.constant 0 : i32
    %dma_wait3A_1304 = tpu.memref_slice %arg9[%dma_wait3A_1298, %dma_wait3A_1302, %dma_wait3A_1303] : memref<6x1024x768xf32, #tpu.memory_space<vmem>> -> memref<1x1024x768xf32, #tpu.memory_space<vmem>>
    %dma_wait3A_1305 = tpu.memref_squeeze %dma_wait3A_1304 : memref<1x1024x768xf32, #tpu.memory_space<vmem>> -> memref<1024x768xf32, #tpu.memory_space<vmem>>
    %dma_wait3A_1306 = arith.constant 13312 : i32
    %dma_wait3A_1307 = arith.constant 0 : i32
    %dma_wait3A_1308 = tpu.memref_slice %arg3[%dma_wait3A_1306, %dma_wait3A_1307] : memref<16384x768xf32, #tpu.memory_space<any>> -> memref<1024x768xf32, #tpu.memory_space<any>>
    tpu.wait_dma2 semaphore(%dma_wait3A_1301 : memref<!tpu.dma_semaphore, #tpu.memory_space<semaphore_mem>>) src(%dma_wait3A_1308 : memref<1024x768xf32, #tpu.memory_space<any>>) dst(%dma_wait3A_1305 : memref<1024x768xf32, #tpu.memory_space<vmem>>)
    %dma_wait3A_1309 = arith.constant 1 : i32
    %dma_wait3A_1310 = arith.constant 1 : i32
    %dma_wait3A_1311 = tpu.memref_slice %arg12[%dma_wait3A_1310] : memref<6x!tpu.dma_semaphore, #tpu.memory_space<semaphore_mem>> -> memref<1x!tpu.dma_semaphore, #tpu.memory_space<semaphore_mem>>
    %dma_wait3A_1312 = tpu.memref_squeeze %dma_wait3A_1311 : memref<1x!tpu.dma_semaphore, #tpu.memory_space<semaphore_mem>> -> memref<!tpu.dma_semaphore, #tpu.memory_space<semaphore_mem>>
    %dma_wait3A_1313 = arith.constant 7168 : i32
    %dma_wait3A_1314 = arith.constant 128 : i32
    %dma_wait3A_1315 = tpu.memref_slice %arg8[%dma_wait3A_1313, %dma_wait3A_1314] : memref<16384x512xf32, #tpu.memory_space<any>> -> memref<1024x384xf32, #tpu.memory_space<any>>
    %dma_wait3A_1316 = arith.constant 0 : i32
    %dma_wait3A_1317 = arith.constant 0 : i32
    %dma_wait3A_1318 = tpu.memref_slice %arg10[%dma_wait3A_1309, %dma_wait3A_1316, %dma_wait3A_1317] : memref<6x1024x384xf32, #tpu.memory_space<vmem>> -> memref<1x1024x384xf32, #tpu.memory_space<vmem>>
    %dma_wait3A_1319 = tpu.memref_squeeze %dma_wait3A_1318 : memref<1x1024x384xf32, #tpu.memory_space<vmem>> -> memref<1024x384xf32, #tpu.memory_space<vmem>>
    tpu.wait_dma2 semaphore(%dma_wait3A_1312 : memref<!tpu.dma_semaphore, #tpu.memory_space<semaphore_mem>>) src(%dma_wait3A_1319 : memref<1024x384xf32, #tpu.memory_space<vmem>>) dst(%dma_wait3A_1315 : memref<1024x384xf32, #tpu.memory_space<any>>)
    %get3A_1320 = arith.constant 13312 : index
    %get3A_1321 = arith.constant 0 : index
    %get3A_1322 = vector.load %arg1[%get3A_1320, %get3A_1321] : memref<16384x1xi32, #tpu.memory_space<vmem>>, vector<1024x1xi32>
    %eq3A_1323 = vector.broadcast %get3A_1322 : vector<1024x1xi32> to vector<1024x128xi32>
    %eq3A_1324 = arith.cmpi eq, %eq3A_1323, %iota3A : vector<1024x128xi32>
    %convert_element_type3A_1325 = arith.extui %eq3A_1324 : vector<1024x128xi1> to vector<1024x128xi32>
    %convert_element_type3A_1326 = arith.sitofp %convert_element_type3A_1325 : vector<1024x128xi32> to vector<1024x128xf32>
    %get3A_1327 = arith.constant 0 : index
    %get3A_1328 = arith.constant 0 : index
    %get3A_1329 = vector.load %arg4[%get3A_1327, %get3A_1328] : memref<128x128xf32, #tpu.memory_space<vmem>>, vector<128x128xf32>
    %dot_general3A_1330 = arith.constant dense<0.000000e+00> : vector<1024x128xf32>
    %dot_general3A_1331 = tpu.matmul %convert_element_type3A_1326, %get3A_1329, %dot_general3A_1330 {dimension_numbers = #tpu.dot_dimension_numbers<[1], [0], [0], [1], [0, 0, 1, 1], [], []>, precision = #tpu.contract_precision<fp32>, transpose_lhs_hint = false} : vector<1024x128xf32>, vector<128x128xf32>, vector<1024x128xf32> -> vector<1024x128xf32>
    %swap3A_1332 = arith.constant 1 : i32
    %swap3A_1333 = arith.constant 0 : i32
    %swap3A_1334 = arith.constant 0 : i32
    %swap3A_1335 = tpu.memref_slice %arg10[%swap3A_1332, %swap3A_1333, %swap3A_1334] : memref<6x1024x384xf32, #tpu.memory_space<vmem>> -> memref<1x1024x384xf32, #tpu.memory_space<vmem>>
    %swap3A_1336 = tpu.memref_squeeze %swap3A_1335 : memref<1x1024x384xf32, #tpu.memory_space<vmem>> -> memref<1024x384xf32, #tpu.memory_space<vmem>>
    %swap3A_1337 = arith.constant 0 : index
    %swap3A_1338 = arith.constant 0 : index
    %swap3A_1339 = vector.load %swap3A_1336[%swap3A_1337, %swap3A_1338] : memref<1024x384xf32, #tpu.memory_space<vmem>>, vector<1024x128xf32>
    tpu.vector_store %swap3A_1336[%swap3A_1337, %swap3A_1338], %dot_general3A_1331 {strides = array<i32>} : memref<1024x384xf32, #tpu.memory_space<vmem>>, vector<1024x128xf32>,
    %get3A_1340 = arith.constant 13312 : index
    %get3A_1341 = arith.constant 0 : index
    %get3A_1342 = vector.load %arg2[%get3A_1340, %get3A_1341] : memref<16384x18xf32, #tpu.memory_space<vmem>>, vector<1024x18xf32>
    %get3A_1343 = arith.constant 0 : index
    %get3A_1344 = arith.constant 0 : index
    %get3A_1345 = vector.load %arg5[%get3A_1343, %get3A_1344] : memref<18x128xf32, #tpu.memory_space<vmem>>, vector<18x128xf32>
    %dot_general3A_1346 = arith.constant dense<0.000000e+00> : vector<1024x128xf32>
    %dot_general3A_1347 = tpu.matmul %get3A_1342, %get3A_1345, %dot_general3A_1346 {dimension_numbers = #tpu.dot_dimension_numbers<[1], [0], [0], [1], [0, 0, 1, 1], [], []>, transpose_lhs_hint = false} : vector<1024x18xf32>, vector<18x128xf32>, vector<1024x128xf32> -> vector<1024x128xf32>
    %swap3A_1348 = arith.constant 1 : i32
    %swap3A_1349 = arith.constant 0 : i32
    %swap3A_1350 = arith.constant 0 : i32
    %swap3A_1351 = tpu.memref_slice %arg10[%swap3A_1348, %swap3A_1349, %swap3A_1350] : memref<6x1024x384xf32, #tpu.memory_space<vmem>> -> memref<1x1024x384xf32, #tpu.memory_space<vmem>>
    %swap3A_1352 = tpu.memref_squeeze %swap3A_1351 : memref<1x1024x384xf32, #tpu.memory_space<vmem>> -> memref<1024x384xf32, #tpu.memory_space<vmem>>
    %swap3A_1353 = arith.constant 0 : index
    %swap3A_1354 = arith.constant 128 : index
    %swap3A_1355 = vector.load %swap3A_1352[%swap3A_1353, %swap3A_1354] : memref<1024x384xf32, #tpu.memory_space<vmem>>, vector<1024x128xf32>
    tpu.vector_store %swap3A_1352[%swap3A_1353, %swap3A_1354], %dot_general3A_1347 {strides = array<i32>} : memref<1024x384xf32, #tpu.memory_space<vmem>>, vector<1024x128xf32>,
    %get3A_1356 = arith.constant 1 : index
    %get3A_1357 = arith.constant 0 : index
    %get3A_1358 = arith.constant 0 : index
    %get3A_1359 = vector.load %arg9[%get3A_1356, %get3A_1357, %get3A_1358] : memref<6x1024x768xf32, #tpu.memory_space<vmem>>, vector<1x1024x768xf32>
    %get3A_1360 = vector.shape_cast %get3A_1359 : vector<1x1024x768xf32> to vector<1024x768xf32>
    %get3A_1361 = arith.constant 0 : index
    %get3A_1362 = arith.constant 0 : index
    %get3A_1363 = vector.load %arg6[%get3A_1361, %get3A_1362] : memref<768x128xf32, #tpu.memory_space<vmem>>, vector<768x128xf32>
    %dot_general3A_1364 = arith.constant dense<0.000000e+00> : vector<1024x128xf32>
    %dot_general3A_1365 = tpu.matmul %get3A_1360, %get3A_1363, %dot_general3A_1364 {dimension_numbers = #tpu.dot_dimension_numbers<[1], [0], [0], [1], [0, 0, 1, 1], [], []>, transpose_lhs_hint = false} : vector<1024x768xf32>, vector<768x128xf32>, vector<1024x128xf32> -> vector<1024x128xf32>
    %get3A_1366 = arith.constant 0 : index
    %get3A_1367 = arith.constant 0 : index
    %get3A_1368 = vector.load %arg7[%get3A_1366, %get3A_1367] : memref<1x128xf32, #tpu.memory_space<vmem>>, vector<1x128xf32>
    %add3A_1369 = vector.broadcast %get3A_1368 : vector<1x128xf32> to vector<1024x128xf32>
    %add3A_1370 = arith.addf %dot_general3A_1365, %add3A_1369 : vector<1024x128xf32>
    %swap3A_1371 = arith.constant 1 : i32
    %swap3A_1372 = arith.constant 0 : i32
    %swap3A_1373 = arith.constant 0 : i32
    %swap3A_1374 = tpu.memref_slice %arg10[%swap3A_1371, %swap3A_1372, %swap3A_1373] : memref<6x1024x384xf32, #tpu.memory_space<vmem>> -> memref<1x1024x384xf32, #tpu.memory_space<vmem>>
    %swap3A_1375 = tpu.memref_squeeze %swap3A_1374 : memref<1x1024x384xf32, #tpu.memory_space<vmem>> -> memref<1024x384xf32, #tpu.memory_space<vmem>>
    %swap3A_1376 = arith.constant 0 : index
    %swap3A_1377 = arith.constant 256 : index
    %swap3A_1378 = vector.load %swap3A_1375[%swap3A_1376, %swap3A_1377] : memref<1024x384xf32, #tpu.memory_space<vmem>>, vector<1024x128xf32>
    tpu.vector_store %swap3A_1375[%swap3A_1376, %swap3A_1377], %add3A_1370 {strides = array<i32>} : memref<1024x384xf32, #tpu.memory_space<vmem>>, vector<1024x128xf32>,
    %dma_start3A_1379 = arith.constant 1 : i32
    %dma_start3A_1380 = arith.constant 1 : i32
    %dma_start3A_1381 = tpu.memref_slice %arg12[%dma_start3A_1380] : memref<6x!tpu.dma_semaphore, #tpu.memory_space<semaphore_mem>> -> memref<1x!tpu.dma_semaphore, #tpu.memory_space<semaphore_mem>>
    %dma_start3A_1382 = tpu.memref_squeeze %dma_start3A_1381 : memref<1x!tpu.dma_semaphore, #tpu.memory_space<semaphore_mem>> -> memref<!tpu.dma_semaphore, #tpu.memory_space<semaphore_mem>>
    %dma_start3A_1383 = arith.constant 13312 : i32
    %dma_start3A_1384 = arith.constant 128 : i32
    %dma_start3A_1385 = tpu.memref_slice %arg8[%dma_start3A_1383, %dma_start3A_1384] : memref<16384x512xf32, #tpu.memory_space<any>> -> memref<1024x384xf32, #tpu.memory_space<any>>
    %dma_start3A_1386 = arith.constant 0 : i32
    %dma_start3A_1387 = arith.constant 0 : i32
    %dma_start3A_1388 = tpu.memref_slice %arg10[%dma_start3A_1379, %dma_start3A_1386, %dma_start3A_1387] : memref<6x1024x384xf32, #tpu.memory_space<vmem>> -> memref<1x1024x384xf32, #tpu.memory_space<vmem>>
    %dma_start3A_1389 = tpu.memref_squeeze %dma_start3A_1388 : memref<1x1024x384xf32, #tpu.memory_space<vmem>> -> memref<1024x384xf32, #tpu.memory_space<vmem>>
    tpu.enqueue_dma source(%dma_start3A_1389 : memref<1024x384xf32, #tpu.memory_space<vmem>>) target(%dma_start3A_1385 : memref<1024x384xf32, #tpu.memory_space<any>>) target_semaphore(%dma_start3A_1382 : memref<!tpu.dma_semaphore, #tpu.memory_space<semaphore_mem>>)
    %dma_wait3A_1390 = arith.constant 2 : i32
    %dma_wait3A_1391 = arith.constant 2 : i32
    %dma_wait3A_1392 = tpu.memref_slice %arg11[%dma_wait3A_1391] : memref<6x!tpu.dma_semaphore, #tpu.memory_space<semaphore_mem>> -> memref<1x!tpu.dma_semaphore, #tpu.memory_space<semaphore_mem>>
    %dma_wait3A_1393 = tpu.memref_squeeze %dma_wait3A_1392 : memref<1x!tpu.dma_semaphore, #tpu.memory_space<semaphore_mem>> -> memref<!tpu.dma_semaphore, #tpu.memory_space<semaphore_mem>>
    %dma_wait3A_1394 = arith.constant 0 : i32
    %dma_wait3A_1395 = arith.constant 0 : i32
    %dma_wait3A_1396 = tpu.memref_slice %arg9[%dma_wait3A_1390, %dma_wait3A_1394, %dma_wait3A_1395] : memref<6x1024x768xf32, #tpu.memory_space<vmem>> -> memref<1x1024x768xf32, #tpu.memory_space<vmem>>
    %dma_wait3A_1397 = tpu.memref_squeeze %dma_wait3A_1396 : memref<1x1024x768xf32, #tpu.memory_space<vmem>> -> memref<1024x768xf32, #tpu.memory_space<vmem>>
    %dma_wait3A_1398 = arith.constant 14336 : i32
    %dma_wait3A_1399 = arith.constant 0 : i32
    %dma_wait3A_1400 = tpu.memref_slice %arg3[%dma_wait3A_1398, %dma_wait3A_1399] : memref<16384x768xf32, #tpu.memory_space<any>> -> memref<1024x768xf32, #tpu.memory_space<any>>
    tpu.wait_dma2 semaphore(%dma_wait3A_1393 : memref<!tpu.dma_semaphore, #tpu.memory_space<semaphore_mem>>) src(%dma_wait3A_1400 : memref<1024x768xf32, #tpu.memory_space<any>>) dst(%dma_wait3A_1397 : memref<1024x768xf32, #tpu.memory_space<vmem>>)
    %dma_wait3A_1401 = arith.constant 2 : i32
    %dma_wait3A_1402 = arith.constant 2 : i32
    %dma_wait3A_1403 = tpu.memref_slice %arg12[%dma_wait3A_1402] : memref<6x!tpu.dma_semaphore, #tpu.memory_space<semaphore_mem>> -> memref<1x!tpu.dma_semaphore, #tpu.memory_space<semaphore_mem>>
    %dma_wait3A_1404 = tpu.memref_squeeze %dma_wait3A_1403 : memref<1x!tpu.dma_semaphore, #tpu.memory_space<semaphore_mem>> -> memref<!tpu.dma_semaphore, #tpu.memory_space<semaphore_mem>>
    %dma_wait3A_1405 = arith.constant 8192 : i32
    %dma_wait3A_1406 = arith.constant 128 : i32
    %dma_wait3A_1407 = tpu.memref_slice %arg8[%dma_wait3A_1405, %dma_wait3A_1406] : memref<16384x512xf32, #tpu.memory_space<any>> -> memref<1024x384xf32, #tpu.memory_space<any>>
    %dma_wait3A_1408 = arith.constant 0 : i32
    %dma_wait3A_1409 = arith.constant 0 : i32
    %dma_wait3A_1410 = tpu.memref_slice %arg10[%dma_wait3A_1401, %dma_wait3A_1408, %dma_wait3A_1409] : memref<6x1024x384xf32, #tpu.memory_space<vmem>> -> memref<1x1024x384xf32, #tpu.memory_space<vmem>>
    %dma_wait3A_1411 = tpu.memref_squeeze %dma_wait3A_1410 : memref<1x1024x384xf32, #tpu.memory_space<vmem>> -> memref<1024x384xf32, #tpu.memory_space<vmem>>
    tpu.wait_dma2 semaphore(%dma_wait3A_1404 : memref<!tpu.dma_semaphore, #tpu.memory_space<semaphore_mem>>) src(%dma_wait3A_1411 : memref<1024x384xf32, #tpu.memory_space<vmem>>) dst(%dma_wait3A_1407 : memref<1024x384xf32, #tpu.memory_space<any>>)
    %get3A_1412 = arith.constant 14336 : index
    %get3A_1413 = arith.constant 0 : index
    %get3A_1414 = vector.load %arg1[%get3A_1412, %get3A_1413] : memref<16384x1xi32, #tpu.memory_space<vmem>>, vector<1024x1xi32>
    %eq3A_1415 = vector.broadcast %get3A_1414 : vector<1024x1xi32> to vector<1024x128xi32>
    %eq3A_1416 = arith.cmpi eq, %eq3A_1415, %iota3A : vector<1024x128xi32>
    %convert_element_type3A_1417 = arith.extui %eq3A_1416 : vector<1024x128xi1> to vector<1024x128xi32>
    %convert_element_type3A_1418 = arith.sitofp %convert_element_type3A_1417 : vector<1024x128xi32> to vector<1024x128xf32>
    %get3A_1419 = arith.constant 0 : index
    %get3A_1420 = arith.constant 0 : index
    %get3A_1421 = vector.load %arg4[%get3A_1419, %get3A_1420] : memref<128x128xf32, #tpu.memory_space<vmem>>, vector<128x128xf32>
    %dot_general3A_1422 = arith.constant dense<0.000000e+00> : vector<1024x128xf32>
    %dot_general3A_1423 = tpu.matmul %convert_element_type3A_1418, %get3A_1421, %dot_general3A_1422 {dimension_numbers = #tpu.dot_dimension_numbers<[1], [0], [0], [1], [0, 0, 1, 1], [], []>, precision = #tpu.contract_precision<fp32>, transpose_lhs_hint = false} : vector<1024x128xf32>, vector<128x128xf32>, vector<1024x128xf32> -> vector<1024x128xf32>
    %swap3A_1424 = arith.constant 2 : i32
    %swap3A_1425 = arith.constant 0 : i32
    %swap3A_1426 = arith.constant 0 : i32
    %swap3A_1427 = tpu.memref_slice %arg10[%swap3A_1424, %swap3A_1425, %swap3A_1426] : memref<6x1024x384xf32, #tpu.memory_space<vmem>> -> memref<1x1024x384xf32, #tpu.memory_space<vmem>>
    %swap3A_1428 = tpu.memref_squeeze %swap3A_1427 : memref<1x1024x384xf32, #tpu.memory_space<vmem>> -> memref<1024x384xf32, #tpu.memory_space<vmem>>
    %swap3A_1429 = arith.constant 0 : index
    %swap3A_1430 = arith.constant 0 : index
    %swap3A_1431 = vector.load %swap3A_1428[%swap3A_1429, %swap3A_1430] : memref<1024x384xf32, #tpu.memory_space<vmem>>, vector<1024x128xf32>
    tpu.vector_store %swap3A_1428[%swap3A_1429, %swap3A_1430], %dot_general3A_1423 {strides = array<i32>} : memref<1024x384xf32, #tpu.memory_space<vmem>>, vector<1024x128xf32>,
    %get3A_1432 = arith.constant 14336 : index
    %get3A_1433 = arith.constant 0 : index
    %get3A_1434 = vector.load %arg2[%get3A_1432, %get3A_1433] : memref<16384x18xf32, #tpu.memory_space<vmem>>, vector<1024x18xf32>
    %get3A_1435 = arith.constant 0 : index
    %get3A_1436 = arith.constant 0 : index
    %get3A_1437 = vector.load %arg5[%get3A_1435, %get3A_1436] : memref<18x128xf32, #tpu.memory_space<vmem>>, vector<18x128xf32>
    %dot_general3A_1438 = arith.constant dense<0.000000e+00> : vector<1024x128xf32>
    %dot_general3A_1439 = tpu.matmul %get3A_1434, %get3A_1437, %dot_general3A_1438 {dimension_numbers = #tpu.dot_dimension_numbers<[1], [0], [0], [1], [0, 0, 1, 1], [], []>, transpose_lhs_hint = false} : vector<1024x18xf32>, vector<18x128xf32>, vector<1024x128xf32> -> vector<1024x128xf32>
    %swap3A_1440 = arith.constant 2 : i32
    %swap3A_1441 = arith.constant 0 : i32
    %swap3A_1442 = arith.constant 0 : i32
    %swap3A_1443 = tpu.memref_slice %arg10[%swap3A_1440, %swap3A_1441, %swap3A_1442] : memref<6x1024x384xf32, #tpu.memory_space<vmem>> -> memref<1x1024x384xf32, #tpu.memory_space<vmem>>
    %swap3A_1444 = tpu.memref_squeeze %swap3A_1443 : memref<1x1024x384xf32, #tpu.memory_space<vmem>> -> memref<1024x384xf32, #tpu.memory_space<vmem>>
    %swap3A_1445 = arith.constant 0 : index
    %swap3A_1446 = arith.constant 128 : index
    %swap3A_1447 = vector.load %swap3A_1444[%swap3A_1445, %swap3A_1446] : memref<1024x384xf32, #tpu.memory_space<vmem>>, vector<1024x128xf32>
    tpu.vector_store %swap3A_1444[%swap3A_1445, %swap3A_1446], %dot_general3A_1439 {strides = array<i32>} : memref<1024x384xf32, #tpu.memory_space<vmem>>, vector<1024x128xf32>,
    %get3A_1448 = arith.constant 2 : index
    %get3A_1449 = arith.constant 0 : index
    %get3A_1450 = arith.constant 0 : index
    %get3A_1451 = vector.load %arg9[%get3A_1448, %get3A_1449, %get3A_1450] : memref<6x1024x768xf32, #tpu.memory_space<vmem>>, vector<1x1024x768xf32>
    %get3A_1452 = vector.shape_cast %get3A_1451 : vector<1x1024x768xf32> to vector<1024x768xf32>
    %get3A_1453 = arith.constant 0 : index
    %get3A_1454 = arith.constant 0 : index
    %get3A_1455 = vector.load %arg6[%get3A_1453, %get3A_1454] : memref<768x128xf32, #tpu.memory_space<vmem>>, vector<768x128xf32>
    %dot_general3A_1456 = arith.constant dense<0.000000e+00> : vector<1024x128xf32>
    %dot_general3A_1457 = tpu.matmul %get3A_1452, %get3A_1455, %dot_general3A_1456 {dimension_numbers = #tpu.dot_dimension_numbers<[1], [0], [0], [1], [0, 0, 1, 1], [], []>, transpose_lhs_hint = false} : vector<1024x768xf32>, vector<768x128xf32>, vector<1024x128xf32> -> vector<1024x128xf32>
    %get3A_1458 = arith.constant 0 : index
    %get3A_1459 = arith.constant 0 : index
    %get3A_1460 = vector.load %arg7[%get3A_1458, %get3A_1459] : memref<1x128xf32, #tpu.memory_space<vmem>>, vector<1x128xf32>
    %add3A_1461 = vector.broadcast %get3A_1460 : vector<1x128xf32> to vector<1024x128xf32>
    %add3A_1462 = arith.addf %dot_general3A_1457, %add3A_1461 : vector<1024x128xf32>
    %swap3A_1463 = arith.constant 2 : i32
    %swap3A_1464 = arith.constant 0 : i32
    %swap3A_1465 = arith.constant 0 : i32
    %swap3A_1466 = tpu.memref_slice %arg10[%swap3A_1463, %swap3A_1464, %swap3A_1465] : memref<6x1024x384xf32, #tpu.memory_space<vmem>> -> memref<1x1024x384xf32, #tpu.memory_space<vmem>>
    %swap3A_1467 = tpu.memref_squeeze %swap3A_1466 : memref<1x1024x384xf32, #tpu.memory_space<vmem>> -> memref<1024x384xf32, #tpu.memory_space<vmem>>
    %swap3A_1468 = arith.constant 0 : index
    %swap3A_1469 = arith.constant 256 : index
    %swap3A_1470 = vector.load %swap3A_1467[%swap3A_1468, %swap3A_1469] : memref<1024x384xf32, #tpu.memory_space<vmem>>, vector<1024x128xf32>
    tpu.vector_store %swap3A_1467[%swap3A_1468, %swap3A_1469], %add3A_1462 {strides = array<i32>} : memref<1024x384xf32, #tpu.memory_space<vmem>>, vector<1024x128xf32>,
    %dma_start3A_1471 = arith.constant 2 : i32
    %dma_start3A_1472 = arith.constant 2 : i32
    %dma_start3A_1473 = tpu.memref_slice %arg12[%dma_start3A_1472] : memref<6x!tpu.dma_semaphore, #tpu.memory_space<semaphore_mem>> -> memref<1x!tpu.dma_semaphore, #tpu.memory_space<semaphore_mem>>
    %dma_start3A_1474 = tpu.memref_squeeze %dma_start3A_1473 : memref<1x!tpu.dma_semaphore, #tpu.memory_space<semaphore_mem>> -> memref<!tpu.dma_semaphore, #tpu.memory_space<semaphore_mem>>
    %dma_start3A_1475 = arith.constant 14336 : i32
    %dma_start3A_1476 = arith.constant 128 : i32
    %dma_start3A_1477 = tpu.memref_slice %arg8[%dma_start3A_1475, %dma_start3A_1476] : memref<16384x512xf32, #tpu.memory_space<any>> -> memref<1024x384xf32, #tpu.memory_space<any>>
    %dma_start3A_1478 = arith.constant 0 : i32
    %dma_start3A_1479 = arith.constant 0 : i32
    %dma_start3A_1480 = tpu.memref_slice %arg10[%dma_start3A_1471, %dma_start3A_1478, %dma_start3A_1479] : memref<6x1024x384xf32, #tpu.memory_space<vmem>> -> memref<1x1024x384xf32, #tpu.memory_space<vmem>>
    %dma_start3A_1481 = tpu.memref_squeeze %dma_start3A_1480 : memref<1x1024x384xf32, #tpu.memory_space<vmem>> -> memref<1024x384xf32, #tpu.memory_space<vmem>>
    tpu.enqueue_dma source(%dma_start3A_1481 : memref<1024x384xf32, #tpu.memory_space<vmem>>) target(%dma_start3A_1477 : memref<1024x384xf32, #tpu.memory_space<any>>) target_semaphore(%dma_start3A_1474 : memref<!tpu.dma_semaphore, #tpu.memory_space<semaphore_mem>>)
    %dma_wait3A_1482 = arith.constant 3 : i32
    %dma_wait3A_1483 = arith.constant 3 : i32
    %dma_wait3A_1484 = tpu.memref_slice %arg11[%dma_wait3A_1483] : memref<6x!tpu.dma_semaphore, #tpu.memory_space<semaphore_mem>> -> memref<1x!tpu.dma_semaphore, #tpu.memory_space<semaphore_mem>>
    %dma_wait3A_1485 = tpu.memref_squeeze %dma_wait3A_1484 : memref<1x!tpu.dma_semaphore, #tpu.memory_space<semaphore_mem>> -> memref<!tpu.dma_semaphore, #tpu.memory_space<semaphore_mem>>
    %dma_wait3A_1486 = arith.constant 0 : i32
    %dma_wait3A_1487 = arith.constant 0 : i32
    %dma_wait3A_1488 = tpu.memref_slice %arg9[%dma_wait3A_1482, %dma_wait3A_1486, %dma_wait3A_1487] : memref<6x1024x768xf32, #tpu.memory_space<vmem>> -> memref<1x1024x768xf32, #tpu.memory_space<vmem>>
    %dma_wait3A_1489 = tpu.memref_squeeze %dma_wait3A_1488 : memref<1x1024x768xf32, #tpu.memory_space<vmem>> -> memref<1024x768xf32, #tpu.memory_space<vmem>>
    %dma_wait3A_1490 = arith.constant 15360 : i32
    %dma_wait3A_1491 = arith.constant 0 : i32
    %dma_wait3A_1492 = tpu.memref_slice %arg3[%dma_wait3A_1490, %dma_wait3A_1491] : memref<16384x768xf32, #tpu.memory_space<any>> -> memref<1024x768xf32, #tpu.memory_space<any>>
    tpu.wait_dma2 semaphore(%dma_wait3A_1485 : memref<!tpu.dma_semaphore, #tpu.memory_space<semaphore_mem>>) src(%dma_wait3A_1492 : memref<1024x768xf32, #tpu.memory_space<any>>) dst(%dma_wait3A_1489 : memref<1024x768xf32, #tpu.memory_space<vmem>>)
    %dma_wait3A_1493 = arith.constant 3 : i32
    %dma_wait3A_1494 = arith.constant 3 : i32
    %dma_wait3A_1495 = tpu.memref_slice %arg12[%dma_wait3A_1494] : memref<6x!tpu.dma_semaphore, #tpu.memory_space<semaphore_mem>> -> memref<1x!tpu.dma_semaphore, #tpu.memory_space<semaphore_mem>>
    %dma_wait3A_1496 = tpu.memref_squeeze %dma_wait3A_1495 : memref<1x!tpu.dma_semaphore, #tpu.memory_space<semaphore_mem>> -> memref<!tpu.dma_semaphore, #tpu.memory_space<semaphore_mem>>
    %dma_wait3A_1497 = arith.constant 9216 : i32
    %dma_wait3A_1498 = arith.constant 128 : i32
    %dma_wait3A_1499 = tpu.memref_slice %arg8[%dma_wait3A_1497, %dma_wait3A_1498] : memref<16384x512xf32, #tpu.memory_space<any>> -> memref<1024x384xf32, #tpu.memory_space<any>>
    %dma_wait3A_1500 = arith.constant 0 : i32
    %dma_wait3A_1501 = arith.constant 0 : i32
    %dma_wait3A_1502 = tpu.memref_slice %arg10[%dma_wait3A_1493, %dma_wait3A_1500, %dma_wait3A_1501] : memref<6x1024x384xf32, #tpu.memory_space<vmem>> -> memref<1x1024x384xf32, #tpu.memory_space<vmem>>
    %dma_wait3A_1503 = tpu.memref_squeeze %dma_wait3A_1502 : memref<1x1024x384xf32, #tpu.memory_space<vmem>> -> memref<1024x384xf32, #tpu.memory_space<vmem>>
    tpu.wait_dma2 semaphore(%dma_wait3A_1496 : memref<!tpu.dma_semaphore, #tpu.memory_space<semaphore_mem>>) src(%dma_wait3A_1503 : memref<1024x384xf32, #tpu.memory_space<vmem>>) dst(%dma_wait3A_1499 : memref<1024x384xf32, #tpu.memory_space<any>>)
    %get3A_1504 = arith.constant 15360 : index
    %get3A_1505 = arith.constant 0 : index
    %get3A_1506 = vector.load %arg1[%get3A_1504, %get3A_1505] : memref<16384x1xi32, #tpu.memory_space<vmem>>, vector<1024x1xi32>
    %eq3A_1507 = vector.broadcast %get3A_1506 : vector<1024x1xi32> to vector<1024x128xi32>
    %eq3A_1508 = arith.cmpi eq, %eq3A_1507, %iota3A : vector<1024x128xi32>
    %convert_element_type3A_1509 = arith.extui %eq3A_1508 : vector<1024x128xi1> to vector<1024x128xi32>
    %convert_element_type3A_1510 = arith.sitofp %convert_element_type3A_1509 : vector<1024x128xi32> to vector<1024x128xf32>
    %get3A_1511 = arith.constant 0 : index
    %get3A_1512 = arith.constant 0 : index
    %get3A_1513 = vector.load %arg4[%get3A_1511, %get3A_1512] : memref<128x128xf32, #tpu.memory_space<vmem>>, vector<128x128xf32>
    %dot_general3A_1514 = arith.constant dense<0.000000e+00> : vector<1024x128xf32>
    %dot_general3A_1515 = tpu.matmul %convert_element_type3A_1510, %get3A_1513, %dot_general3A_1514 {dimension_numbers = #tpu.dot_dimension_numbers<[1], [0], [0], [1], [0, 0, 1, 1], [], []>, precision = #tpu.contract_precision<fp32>, transpose_lhs_hint = false} : vector<1024x128xf32>, vector<128x128xf32>, vector<1024x128xf32> -> vector<1024x128xf32>
    %swap3A_1516 = arith.constant 3 : i32
    %swap3A_1517 = arith.constant 0 : i32
    %swap3A_1518 = arith.constant 0 : i32
    %swap3A_1519 = tpu.memref_slice %arg10[%swap3A_1516, %swap3A_1517, %swap3A_1518] : memref<6x1024x384xf32, #tpu.memory_space<vmem>> -> memref<1x1024x384xf32, #tpu.memory_space<vmem>>
    %swap3A_1520 = tpu.memref_squeeze %swap3A_1519 : memref<1x1024x384xf32, #tpu.memory_space<vmem>> -> memref<1024x384xf32, #tpu.memory_space<vmem>>
    %swap3A_1521 = arith.constant 0 : index
    %swap3A_1522 = arith.constant 0 : index
    %swap3A_1523 = vector.load %swap3A_1520[%swap3A_1521, %swap3A_1522] : memref<1024x384xf32, #tpu.memory_space<vmem>>, vector<1024x128xf32>
    tpu.vector_store %swap3A_1520[%swap3A_1521, %swap3A_1522], %dot_general3A_1515 {strides = array<i32>} : memref<1024x384xf32, #tpu.memory_space<vmem>>, vector<1024x128xf32>,
    %get3A_1524 = arith.constant 15360 : index
    %get3A_1525 = arith.constant 0 : index
    %get3A_1526 = vector.load %arg2[%get3A_1524, %get3A_1525] : memref<16384x18xf32, #tpu.memory_space<vmem>>, vector<1024x18xf32>
    %get3A_1527 = arith.constant 0 : index
    %get3A_1528 = arith.constant 0 : index
    %get3A_1529 = vector.load %arg5[%get3A_1527, %get3A_1528] : memref<18x128xf32, #tpu.memory_space<vmem>>, vector<18x128xf32>
    %dot_general3A_1530 = arith.constant dense<0.000000e+00> : vector<1024x128xf32>
    %dot_general3A_1531 = tpu.matmul %get3A_1526, %get3A_1529, %dot_general3A_1530 {dimension_numbers = #tpu.dot_dimension_numbers<[1], [0], [0], [1], [0, 0, 1, 1], [], []>, transpose_lhs_hint = false} : vector<1024x18xf32>, vector<18x128xf32>, vector<1024x128xf32> -> vector<1024x128xf32>
    %swap3A_1532 = arith.constant 3 : i32
    %swap3A_1533 = arith.constant 0 : i32
    %swap3A_1534 = arith.constant 0 : i32
    %swap3A_1535 = tpu.memref_slice %arg10[%swap3A_1532, %swap3A_1533, %swap3A_1534] : memref<6x1024x384xf32, #tpu.memory_space<vmem>> -> memref<1x1024x384xf32, #tpu.memory_space<vmem>>
    %swap3A_1536 = tpu.memref_squeeze %swap3A_1535 : memref<1x1024x384xf32, #tpu.memory_space<vmem>> -> memref<1024x384xf32, #tpu.memory_space<vmem>>
    %swap3A_1537 = arith.constant 0 : index
    %swap3A_1538 = arith.constant 128 : index
    %swap3A_1539 = vector.load %swap3A_1536[%swap3A_1537, %swap3A_1538] : memref<1024x384xf32, #tpu.memory_space<vmem>>, vector<1024x128xf32>
    tpu.vector_store %swap3A_1536[%swap3A_1537, %swap3A_1538], %dot_general3A_1531 {strides = array<i32>} : memref<1024x384xf32, #tpu.memory_space<vmem>>, vector<1024x128xf32>,
    %get3A_1540 = arith.constant 3 : index
    %get3A_1541 = arith.constant 0 : index
    %get3A_1542 = arith.constant 0 : index
    %get3A_1543 = vector.load %arg9[%get3A_1540, %get3A_1541, %get3A_1542] : memref<6x1024x768xf32, #tpu.memory_space<vmem>>, vector<1x1024x768xf32>
    %get3A_1544 = vector.shape_cast %get3A_1543 : vector<1x1024x768xf32> to vector<1024x768xf32>
    %get3A_1545 = arith.constant 0 : index
    %get3A_1546 = arith.constant 0 : index
    %get3A_1547 = vector.load %arg6[%get3A_1545, %get3A_1546] : memref<768x128xf32, #tpu.memory_space<vmem>>, vector<768x128xf32>
    %dot_general3A_1548 = arith.constant dense<0.000000e+00> : vector<1024x128xf32>
    %dot_general3A_1549 = tpu.matmul %get3A_1544, %get3A_1547, %dot_general3A_1548 {dimension_numbers = #tpu.dot_dimension_numbers<[1], [0], [0], [1], [0, 0, 1, 1], [], []>, transpose_lhs_hint = false} : vector<1024x768xf32>, vector<768x128xf32>, vector<1024x128xf32> -> vector<1024x128xf32>
    %get3A_1550 = arith.constant 0 : index
    %get3A_1551 = arith.constant 0 : index
    %get3A_1552 = vector.load %arg7[%get3A_1550, %get3A_1551] : memref<1x128xf32, #tpu.memory_space<vmem>>, vector<1x128xf32>
    %add3A_1553 = vector.broadcast %get3A_1552 : vector<1x128xf32> to vector<1024x128xf32>
    %add3A_1554 = arith.addf %dot_general3A_1549, %add3A_1553 : vector<1024x128xf32>
    %swap3A_1555 = arith.constant 3 : i32
    %swap3A_1556 = arith.constant 0 : i32
    %swap3A_1557 = arith.constant 0 : i32
    %swap3A_1558 = tpu.memref_slice %arg10[%swap3A_1555, %swap3A_1556, %swap3A_1557] : memref<6x1024x384xf32, #tpu.memory_space<vmem>> -> memref<1x1024x384xf32, #tpu.memory_space<vmem>>
    %swap3A_1559 = tpu.memref_squeeze %swap3A_1558 : memref<1x1024x384xf32, #tpu.memory_space<vmem>> -> memref<1024x384xf32, #tpu.memory_space<vmem>>
    %swap3A_1560 = arith.constant 0 : index
    %swap3A_1561 = arith.constant 256 : index
    %swap3A_1562 = vector.load %swap3A_1559[%swap3A_1560, %swap3A_1561] : memref<1024x384xf32, #tpu.memory_space<vmem>>, vector<1024x128xf32>
    tpu.vector_store %swap3A_1559[%swap3A_1560, %swap3A_1561], %add3A_1554 {strides = array<i32>} : memref<1024x384xf32, #tpu.memory_space<vmem>>, vector<1024x128xf32>,
    %dma_start3A_1563 = arith.constant 3 : i32
    %dma_start3A_1564 = arith.constant 3 : i32
    %dma_start3A_1565 = tpu.memref_slice %arg12[%dma_start3A_1564] : memref<6x!tpu.dma_semaphore, #tpu.memory_space<semaphore_mem>> -> memref<1x!tpu.dma_semaphore, #tpu.memory_space<semaphore_mem>>
    %dma_start3A_1566 = tpu.memref_squeeze %dma_start3A_1565 : memref<1x!tpu.dma_semaphore, #tpu.memory_space<semaphore_mem>> -> memref<!tpu.dma_semaphore, #tpu.memory_space<semaphore_mem>>
    %dma_start3A_1567 = arith.constant 15360 : i32
    %dma_start3A_1568 = arith.constant 128 : i32
    %dma_start3A_1569 = tpu.memref_slice %arg8[%dma_start3A_1567, %dma_start3A_1568] : memref<16384x512xf32, #tpu.memory_space<any>> -> memref<1024x384xf32, #tpu.memory_space<any>>
    %dma_start3A_1570 = arith.constant 0 : i32
    %dma_start3A_1571 = arith.constant 0 : i32
    %dma_start3A_1572 = tpu.memref_slice %arg10[%dma_start3A_1563, %dma_start3A_1570, %dma_start3A_1571] : memref<6x1024x384xf32, #tpu.memory_space<vmem>> -> memref<1x1024x384xf32, #tpu.memory_space<vmem>>
    %dma_start3A_1573 = tpu.memref_squeeze %dma_start3A_1572 : memref<1x1024x384xf32, #tpu.memory_space<vmem>> -> memref<1024x384xf32, #tpu.memory_space<vmem>>
    tpu.enqueue_dma source(%dma_start3A_1573 : memref<1024x384xf32, #tpu.memory_space<vmem>>) target(%dma_start3A_1569 : memref<1024x384xf32, #tpu.memory_space<any>>) target_semaphore(%dma_start3A_1566 : memref<!tpu.dma_semaphore, #tpu.memory_space<semaphore_mem>>)
    %dma_wait3A_1574 = arith.constant 4 : i32
    %dma_wait3A_1575 = arith.constant 4 : i32
    %dma_wait3A_1576 = tpu.memref_slice %arg12[%dma_wait3A_1575] : memref<6x!tpu.dma_semaphore, #tpu.memory_space<semaphore_mem>> -> memref<1x!tpu.dma_semaphore, #tpu.memory_space<semaphore_mem>>
    %dma_wait3A_1577 = tpu.memref_squeeze %dma_wait3A_1576 : memref<1x!tpu.dma_semaphore, #tpu.memory_space<semaphore_mem>> -> memref<!tpu.dma_semaphore, #tpu.memory_space<semaphore_mem>>
    %dma_wait3A_1578 = arith.constant 10240 : i32
    %dma_wait3A_1579 = arith.constant 128 : i32
    %dma_wait3A_1580 = tpu.memref_slice %arg8[%dma_wait3A_1578, %dma_wait3A_1579] : memref<16384x512xf32, #tpu.memory_space<any>> -> memref<1024x384xf32, #tpu.memory_space<any>>
    %dma_wait3A_1581 = arith.constant 0 : i32
    %dma_wait3A_1582 = arith.constant 0 : i32
    %dma_wait3A_1583 = tpu.memref_slice %arg10[%dma_wait3A_1574, %dma_wait3A_1581, %dma_wait3A_1582] : memref<6x1024x384xf32, #tpu.memory_space<vmem>> -> memref<1x1024x384xf32, #tpu.memory_space<vmem>>
    %dma_wait3A_1584 = tpu.memref_squeeze %dma_wait3A_1583 : memref<1x1024x384xf32, #tpu.memory_space<vmem>> -> memref<1024x384xf32, #tpu.memory_space<vmem>>
    tpu.wait_dma2 semaphore(%dma_wait3A_1577 : memref<!tpu.dma_semaphore, #tpu.memory_space<semaphore_mem>>) src(%dma_wait3A_1584 : memref<1024x384xf32, #tpu.memory_space<vmem>>) dst(%dma_wait3A_1580 : memref<1024x384xf32, #tpu.memory_space<any>>)
    %dma_wait3A_1585 = arith.constant 5 : i32
    %dma_wait3A_1586 = arith.constant 5 : i32
    %dma_wait3A_1587 = tpu.memref_slice %arg12[%dma_wait3A_1586] : memref<6x!tpu.dma_semaphore, #tpu.memory_space<semaphore_mem>> -> memref<1x!tpu.dma_semaphore, #tpu.memory_space<semaphore_mem>>
    %dma_wait3A_1588 = tpu.memref_squeeze %dma_wait3A_1587 : memref<1x!tpu.dma_semaphore, #tpu.memory_space<semaphore_mem>> -> memref<!tpu.dma_semaphore, #tpu.memory_space<semaphore_mem>>
    %dma_wait3A_1589 = arith.constant 11264 : i32
    %dma_wait3A_1590 = arith.constant 128 : i32
    %dma_wait3A_1591 = tpu.memref_slice %arg8[%dma_wait3A_1589, %dma_wait3A_1590] : memref<16384x512xf32, #tpu.memory_space<any>> -> memref<1024x384xf32, #tpu.memory_space<any>>
    %dma_wait3A_1592 = arith.constant 0 : i32
    %dma_wait3A_1593 = arith.constant 0 : i32
    %dma_wait3A_1594 = tpu.memref_slice %arg10[%dma_wait3A_1585, %dma_wait3A_1592, %dma_wait3A_1593] : memref<6x1024x384xf32, #tpu.memory_space<vmem>> -> memref<1x1024x384xf32, #tpu.memory_space<vmem>>
    %dma_wait3A_1595 = tpu.memref_squeeze %dma_wait3A_1594 : memref<1x1024x384xf32, #tpu.memory_space<vmem>> -> memref<1024x384xf32, #tpu.memory_space<vmem>>
    tpu.wait_dma2 semaphore(%dma_wait3A_1588 : memref<!tpu.dma_semaphore, #tpu.memory_space<semaphore_mem>>) src(%dma_wait3A_1595 : memref<1024x384xf32, #tpu.memory_space<vmem>>) dst(%dma_wait3A_1591 : memref<1024x384xf32, #tpu.memory_space<any>>)
    %dma_wait3A_1596 = arith.constant 0 : i32
    %dma_wait3A_1597 = arith.constant 0 : i32
    %dma_wait3A_1598 = tpu.memref_slice %arg12[%dma_wait3A_1597] : memref<6x!tpu.dma_semaphore, #tpu.memory_space<semaphore_mem>> -> memref<1x!tpu.dma_semaphore, #tpu.memory_space<semaphore_mem>>
    %dma_wait3A_1599 = tpu.memref_squeeze %dma_wait3A_1598 : memref<1x!tpu.dma_semaphore, #tpu.memory_space<semaphore_mem>> -> memref<!tpu.dma_semaphore, #tpu.memory_space<semaphore_mem>>
    %dma_wait3A_1600 = arith.constant 12288 : i32
    %dma_wait3A_1601 = arith.constant 128 : i32
    %dma_wait3A_1602 = tpu.memref_slice %arg8[%dma_wait3A_1600, %dma_wait3A_1601] : memref<16384x512xf32, #tpu.memory_space<any>> -> memref<1024x384xf32, #tpu.memory_space<any>>
    %dma_wait3A_1603 = arith.constant 0 : i32
    %dma_wait3A_1604 = arith.constant 0 : i32
    %dma_wait3A_1605 = tpu.memref_slice %arg10[%dma_wait3A_1596, %dma_wait3A_1603, %dma_wait3A_1604] : memref<6x1024x384xf32, #tpu.memory_space<vmem>> -> memref<1x1024x384xf32, #tpu.memory_space<vmem>>
    %dma_wait3A_1606 = tpu.memref_squeeze %dma_wait3A_1605 : memref<1x1024x384xf32, #tpu.memory_space<vmem>> -> memref<1024x384xf32, #tpu.memory_space<vmem>>
    tpu.wait_dma2 semaphore(%dma_wait3A_1599 : memref<!tpu.dma_semaphore, #tpu.memory_space<semaphore_mem>>) src(%dma_wait3A_1606 : memref<1024x384xf32, #tpu.memory_space<vmem>>) dst(%dma_wait3A_1602 : memref<1024x384xf32, #tpu.memory_space<any>>)
    %dma_wait3A_1607 = arith.constant 1 : i32
    %dma_wait3A_1608 = arith.constant 1 : i32
    %dma_wait3A_1609 = tpu.memref_slice %arg12[%dma_wait3A_1608] : memref<6x!tpu.dma_semaphore, #tpu.memory_space<semaphore_mem>> -> memref<1x!tpu.dma_semaphore, #tpu.memory_space<semaphore_mem>>
    %dma_wait3A_1610 = tpu.memref_squeeze %dma_wait3A_1609 : memref<1x!tpu.dma_semaphore, #tpu.memory_space<semaphore_mem>> -> memref<!tpu.dma_semaphore, #tpu.memory_space<semaphore_mem>>
    %dma_wait3A_1611 = arith.constant 13312 : i32
    %dma_wait3A_1612 = arith.constant 128 : i32
    %dma_wait3A_1613 = tpu.memref_slice %arg8[%dma_wait3A_1611, %dma_wait3A_1612] : memref<16384x512xf32, #tpu.memory_space<any>> -> memref<1024x384xf32, #tpu.memory_space<any>>
    %dma_wait3A_1614 = arith.constant 0 : i32
    %dma_wait3A_1615 = arith.constant 0 : i32
    %dma_wait3A_1616 = tpu.memref_slice %arg10[%dma_wait3A_1607, %dma_wait3A_1614, %dma_wait3A_1615] : memref<6x1024x384xf32, #tpu.memory_space<vmem>> -> memref<1x1024x384xf32, #tpu.memory_space<vmem>>
    %dma_wait3A_1617 = tpu.memref_squeeze %dma_wait3A_1616 : memref<1x1024x384xf32, #tpu.memory_space<vmem>> -> memref<1024x384xf32, #tpu.memory_space<vmem>>
    tpu.wait_dma2 semaphore(%dma_wait3A_1610 : memref<!tpu.dma_semaphore, #tpu.memory_space<semaphore_mem>>) src(%dma_wait3A_1617 : memref<1024x384xf32, #tpu.memory_space<vmem>>) dst(%dma_wait3A_1613 : memref<1024x384xf32, #tpu.memory_space<any>>)
    %dma_wait3A_1618 = arith.constant 2 : i32
    %dma_wait3A_1619 = arith.constant 2 : i32
    %dma_wait3A_1620 = tpu.memref_slice %arg12[%dma_wait3A_1619] : memref<6x!tpu.dma_semaphore, #tpu.memory_space<semaphore_mem>> -> memref<1x!tpu.dma_semaphore, #tpu.memory_space<semaphore_mem>>
    %dma_wait3A_1621 = tpu.memref_squeeze %dma_wait3A_1620 : memref<1x!tpu.dma_semaphore, #tpu.memory_space<semaphore_mem>> -> memref<!tpu.dma_semaphore, #tpu.memory_space<semaphore_mem>>
    %dma_wait3A_1622 = arith.constant 14336 : i32
    %dma_wait3A_1623 = arith.constant 128 : i32
    %dma_wait3A_1624 = tpu.memref_slice %arg8[%dma_wait3A_1622, %dma_wait3A_1623] : memref<16384x512xf32, #tpu.memory_space<any>> -> memref<1024x384xf32, #tpu.memory_space<any>>
    %dma_wait3A_1625 = arith.constant 0 : i32
    %dma_wait3A_1626 = arith.constant 0 : i32
    %dma_wait3A_1627 = tpu.memref_slice %arg10[%dma_wait3A_1618, %dma_wait3A_1625, %dma_wait3A_1626] : memref<6x1024x384xf32, #tpu.memory_space<vmem>> -> memref<1x1024x384xf32, #tpu.memory_space<vmem>>
    %dma_wait3A_1628 = tpu.memref_squeeze %dma_wait3A_1627 : memref<1x1024x384xf32, #tpu.memory_space<vmem>> -> memref<1024x384xf32, #tpu.memory_space<vmem>>
    tpu.wait_dma2 semaphore(%dma_wait3A_1621 : memref<!tpu.dma_semaphore, #tpu.memory_space<semaphore_mem>>) src(%dma_wait3A_1628 : memref<1024x384xf32, #tpu.memory_space<vmem>>) dst(%dma_wait3A_1624 : memref<1024x384xf32, #tpu.memory_space<any>>)
    %dma_wait3A_1629 = arith.constant 3 : i32
    %dma_wait3A_1630 = arith.constant 3 : i32
    %dma_wait3A_1631 = tpu.memref_slice %arg12[%dma_wait3A_1630] : memref<6x!tpu.dma_semaphore, #tpu.memory_space<semaphore_mem>> -> memref<1x!tpu.dma_semaphore, #tpu.memory_space<semaphore_mem>>
    %dma_wait3A_1632 = tpu.memref_squeeze %dma_wait3A_1631 : memref<1x!tpu.dma_semaphore, #tpu.memory_space<semaphore_mem>> -> memref<!tpu.dma_semaphore, #tpu.memory_space<semaphore_mem>>
    %dma_wait3A_1633 = arith.constant 15360 : i32
    %dma_wait3A_1634 = arith.constant 128 : i32
    %dma_wait3A_1635 = tpu.memref_slice %arg8[%dma_wait3A_1633, %dma_wait3A_1634] : memref<16384x512xf32, #tpu.memory_space<any>> -> memref<1024x384xf32, #tpu.memory_space<any>>
    %dma_wait3A_1636 = arith.constant 0 : i32
    %dma_wait3A_1637 = arith.constant 0 : i32
    %dma_wait3A_1638 = tpu.memref_slice %arg10[%dma_wait3A_1629, %dma_wait3A_1636, %dma_wait3A_1637] : memref<6x1024x384xf32, #tpu.memory_space<vmem>> -> memref<1x1024x384xf32, #tpu.memory_space<vmem>>
    %dma_wait3A_1639 = tpu.memref_squeeze %dma_wait3A_1638 : memref<1x1024x384xf32, #tpu.memory_space<vmem>> -> memref<1024x384xf32, #tpu.memory_space<vmem>>
    tpu.wait_dma2 semaphore(%dma_wait3A_1632 : memref<!tpu.dma_semaphore, #tpu.memory_space<semaphore_mem>>) src(%dma_wait3A_1639 : memref<1024x384xf32, #tpu.memory_space<vmem>>) dst(%dma_wait3A_1635 : memref<1024x384xf32, #tpu.memory_space<any>>)
    return
  }
}

</mosaic_0001>

<sc_bundles>
// kernel: kernel.4.cloned.1.call-start
scs
__scs_entry_jumppad:
0x0: {  	(pc) =	sbr.rel $0x88, $3  }
0x1: {  	(tag) =	ssettag $0x0;
	lr =	simm.s32 $0x1  }
0x2: {  	[smem:$0x3F98] =	sst lr;
	_ =	strace $0xD0000000  }
0x3: {  	_ = 	snop  }
0x4: {  	_ = 	snop  }
0x5: {  	_ = 	snop  }
0x6: {  	_ = 	snop  }
0x7: {  	_ = 	snop  }
__scs_overlays_trampoline_lowered:
0x8: {  	[smem:$0x3FA7] =	sst s0  }
0x9: {  	[smem:$0x3FA8] =	sst s1  }
0xa: {  	[smem:$0x3FA9] =	sst s2  }
0xb: {  	[smem:$0x3FAA] =	sst s3  }
0xc: {  	[smem:$0x3FAB] =	sst s4  }
0xd: {  	[smem:$0x3FAC] =	sst s5  }
0xe: {  	[smem:$0x3FAD] =	sst s6  }
0xf: {  	[smem:$0x3FAE] =	sst s7  }
0x10: {  	[smem:$0x3FAF] =	sst s8  }
0x11: {  	[smem:$0x3FB0] =	sst s9;
	s0 =	simm.s32 @!p0 $0x0  }
0x12: {  	s1 =	sld [smem:$0x3F96];
	s0 =	simm.s32 @p0 $0x1  }
0x13: {  	[smem:$0x3FB1] =	sst s0;
	s0 =	simm.s32 @!p1 $0x0  }
0x14: {  	s2 =	sld [smem:$0x3F95];
	s0 =	simm.s32 @p1 $0x1  }
0x15: {  	[smem:$0x3FB2] =	sst s0;
	s0 =	simm.s32 @!p2 $0x0  }
0x16: {  	s3 =	sld [smem:$0x3FDB];
	s0 =	simm.s32 @p2 $0x1  }
0x17: {  	s4 =	simm.s32 $0x1BF5;
	[smem:$0x3FB4] =	sst s0  }
0x18: {  	s0 =	sld [smem:$0x3F97];
	_ =	swait.ge [sflag:s4], $0x0  }
0x19: {  	s7 =	sld [smem:$0x3F98]  }
0x1a: {  	s8 =	sadd.s32 $0xFFFFE003, lr  }
0x1b: {  	s9 =	sadd.s32 $0xFFFFFEF7, lr;
	s5 =	simm.s32 $0xFFFFFFFF;
	p2 =	slt.u32 s8, $0xFFFFF086  }
0x1c: {  	p1 =	slt.u32 s9, $0xF7A;
	s5 =	simm.s32 @!p2 $0x0  }
0x1d: {  	s5 =	simm.s32 @p1 $0x1;
	p0 =	seq.s32 s7, s2  }
0x1e: {  	s7 =	smul.u32 @!p0 $0xF7A, s2;
	p2 =	seq.s32 @!p0 s5, $0x0  }
0x1f: {  	s9 =	smul.u32 $0xF7A, s1;
	s8 =	simm.s32 @!p0 $0x1BF5;
	p2 =	por !p2, p0  }
0x20: {  	[sflag:s8] =	ssyncset.s32 @!p0 $0xFFFFF086;
	s6 =	sadd.s32 @!p0 s3, s7;
	s7 =	simm.s32 @!p0 $0x108  }
0x21: {  	s3 =	sadd.s32 s3, s9;
	s6 =	sadd.s32 @!p0 $0x88, s6;
	s7 =	simm.s32 @p2 $0x1082  }
0x22: {  	[simem:s7], [sflag:s8] =	dma.local @!p0 [hbm:s6], $0xF7A  }
0x23: {  	s9 =	sor.u32 $0xD0000000, s2;
	s6 =	simm.s32 $0x108;
	_ =	swait.ge @!p0 [sflag:s8], $0x0  }
0x24: {  	s3 =	sadd.s32 $0x88, s3;
	s6 =	simm.s32 @!p1 $0x1082;
	[sflag:s4] =	ssyncset.s32 $0xFFFFF086  }
0x25: {  	[simem:s6], [sflag:s4] =	dma.local [hbm:s3], $0xF7A  }
0x26: {  	[smem:$0x3F98] =	sst s1;
	(tag) =	ssettag s2;
	_ =	strace s9  }
0x27: {  	s1 =	sld [smem:$0x3FA8]  }
0x28: {  	s2 =	sld [smem:$0x3FA9]  }
0x29: {  	s4 =	sld [smem:$0x3FAB]  }
0x2a: {  	p0 =	seq.s32 s5, $0x0;
	s5 =	sld [smem:$0x3FAC]  }
0x2b: {  	s6 =	sld [smem:$0x3FAD]  }
0x2c: {  	s7 =	sld [smem:$0x3FAE]  }
0x2d: {  	s3 =	simm.s32 $0x108;
	s8 =	sld [smem:$0x3FAF]  }
0x2e: {  	s3 =	simm.s32 @!p0 $0x1082;
	s9 =	sld [smem:$0x3FB0]  }
0x2f: {  	lr =	sadd.s32 s0, s3;
	s0 =	sld [smem:$0x3FA7]  }
0x30: {  	s3 =	sld [smem:$0x3FAA]  }
0x31: {  	[smem:$0x3FB3] =	sst s10  }
0x32: {  	s10 =	sld [smem:$0x3FB1];
	_ =	sdelay $0x3  }
0x33: {  	p0 =	seq.s32 s10, $0x1;
	s10 =	sld [smem:$0x3FB3];
	_ =	sdelay $0x3  }
0x34: {  	[smem:$0x3FB3] =	sst s10  }
0x35: {  	s10 =	sld [smem:$0x3FB2];
	_ =	sdelay $0x3  }
0x36: {  	p1 =	seq.s32 s10, $0x1;
	s10 =	sld [smem:$0x3FB3];
	_ =	sdelay $0x3  }
0x37: {  	[smem:$0x3FB3] =	sst s10  }
0x38: {  	s10 =	sld [smem:$0x3FB4]  }
0x39: {  	_ = 	snop;
	(pc) =	sbr.ind lr, $3  }
0x3a: {  	_ = 	snop  }
0x3b: {  	_ = 	snop  }
0x3c: {  	p2 =	seq.s32 s10, $0x1;
	s10 =	sld [smem:$0x3FB3]  }
0x3d: {  	_ =	shalt  }
0x3e: {  	_ =	shalt  }
0x3f: {  	_ =	shalt  }
0x40: {  	_ =	shalt  }
0x41: {  	_ =	shalt  }
0x42: {  	_ =	shalt  }
0x43: {  	_ =	shalt  }
0x44: {  	_ =	shalt  }
0x45: {  	_ =	shalt  }
0x46: {  	_ =	shalt  }
0x47: {  	_ =	shalt  }
0x48: {  	_ =	shalt  }
0x49: {  	_ =	shalt  }
0x4a: {  	_ =	shalt  }
0x4b: {  	_ =	shalt  }
0x4c: {  	_ =	shalt  }
0x4d: {  	_ =	shalt  }
0x4e: {  	_ =	shalt  }
0x4f: {  	_ =	shalt  }
0x50: {  	_ =	shalt  }
0x51: {  	_ =	shalt  }
0x52: {  	_ =	shalt  }
0x53: {  	_ =	shalt  }
0x54: {  	_ =	shalt  }
0x55: {  	_ =	shalt  }
0x56: {  	_ =	shalt  }
0x57: {  	_ =	shalt  }
0x58: {  	_ =	shalt  }
0x59: {  	_ =	shalt  }
0x5a: {  	_ =	shalt  }
0x5b: {  	_ =	shalt  }
0x5c: {  	_ =	shalt  }
0x5d: {  	_ =	shalt  }
0x5e: {  	_ =	shalt  }
0x5f: {  	_ =	shalt  }
0x60: {  	_ =	shalt  }
0x61: {  	_ =	shalt  }
0x62: {  	_ =	shalt  }
0x63: {  	_ =	shalt  }
0x64: {  	_ =	shalt  }
0x65: {  	_ =	shalt  }
0x66: {  	_ =	shalt  }
0x67: {  	_ =	shalt  }
0x68: {  	_ =	shalt  }
0x69: {  	_ =	shalt  }
0x6a: {  	_ =	shalt  }
0x6b: {  	_ =	shalt  }
0x6c: {  	_ =	shalt  }
0x6d: {  	_ =	shalt  }
0x6e: {  	_ =	shalt  }
0x6f: {  	_ =	shalt  }
0x70: {  	_ =	shalt  }
0x71: {  	_ =	shalt  }
0x72: {  	_ =	shalt  }
0x73: {  	_ =	shalt  }
0x74: {  	_ =	shalt  }
0x75: {  	_ =	shalt  }
0x76: {  	_ =	shalt  }
0x77: {  	_ =	shalt  }
0x78: {  	_ =	shalt  }
0x79: {  	_ =	shalt  }
0x7a: {  	_ =	shalt  }
0x7b: {  	_ =	shalt  }
0x7c: {  	_ =	shalt  }
0x7d: {  	_ =	shalt  }
0x7e: {  	_ =	shalt  }
0x7f: {  	_ =	shalt  }
0x80: {  	_ =	shalt  }
0x81: {  	_ =	shalt  }
0x82: {  	_ =	shalt  }
0x83: {  	_ =	shalt  }
0x84: {  	_ =	shalt  }
0x85: {  	_ =	shalt  }
0x86: {  	_ =	shalt  }
0x87: {  	_ =	shalt  }
.Lfunc_end0:
.L_simem_size_0:
called_computation_lowered:
.L_overlay_start_0:
0x88: {  	s2 =	sld [smem:$0x3FD9]  }
0x89: {  	s3 =	sld [smem:$0x3FFE];
	_ =	sdelay $0x1  }
0x8a: {  	s1 =	srdreg.scid  }
0x8b: {  	s0 =	sand.u32 $0x1, s1  }
0x8c: {  	s18 =	sshll.u32 s0, $0xA;
	s2 =	sadd.s32 s3, s2  }
0x8d: {  	s2 =	sadd.s32 s2, s18  }
0x8e: {  	[smem:$0x3FBF] =	sst s2  }
0x8f: {  	_ = 	snop  }
0x90: {  	s2 =	sld [smem:$0x3FC9]  }
0x91: {  	s19 =	sld [smem:$0x3FC5]  }
0x92: {  	s4 =	sld [smem:$0x3FD0];
	(tm) =	ssettm $0x1  }
0x93: {  	s5 =	sld [smem:$0x3FFB];
	_ =	sdelay $0x3  }
0x94: {  	_ =	strace s5  }
0x95: {  	s5 =	sld [smem:$0x3FFC];
	_ =	sdelay $0x3  }
0x96: {  	_ =	strace s5  }
0x97: {  	s5 =	sld [smem:$0x3FFD];
	_ =	sdelay $0x3  }
0x98: {  	_ =	strace s5  }
0x99: {  	_ =	strace $0x8FFFFFFF  }
0x9a: {  	s20 =	sld [smem:$0x3FDB];
	_ =	sdelay $0x1  }
0x9b: {  	s6 =	simm.s32 $_scs_section_size  }
0x9c: {  	s7 =	simm.s32 $_size__tile_overlayer_lowered;
	s8 =	simm.s32 $_tile_overlayer_lowered  }
0x9d: {  	s23 =	simm.s32 $0x1BFF;
	s22 =	sshll.u32 s8, $0x1;
	s5 =	sadd.s32 s6, s20  }
0x9e: {  	s9 =	simm.s32 $0x0;
	s21 =	sshll.u32 s7, $0x1;
	s7 =	sadd.s32 s22, s5  }
0x9f: {  	[timem:s9], [sflag:s23] =	dma.local [hbm:s7], s21  }
0xa0: {  	_ =	swait.ge [sflag:s23], s21  }
0xa1: {  	s6 =	ssub.s32 $0x0, s21;
	[sflag:s23] =	ssyncset.done $0x0  }
0xa2: {  	[sflag:s23] =	ssyncadd.s32 s6;
	_ =	sdelay $0x1  }
0xa3: {  	s24 =	simm.s32 $0x1B8B  }
0xa4: {  	_ =	swait.ge [sflag:s24], $0x1  }
0xa5: {  	[sflag:s24] =	ssyncset.done $0x0  }
0xa6: {  	s25 =	simm.s32 $0x1B8E;
	[sflag:s24] =	ssyncadd.s32 $0xFFFFFFFF  }
0xa7: {  	s26 =	simm.s32 $execute0_lowered;
	[smem:$0x3FD2] =	sst s25  }
0xa8: {  	s6 =	sshll.u32 s26, $0x1;
	_ =	strace $0x80000046;
	[dreg:$0x1] =	wrdreg $0xFFFFFFFF  }
0xa9: {  	s28 =	simm.s32 $_size_execute0_lowered;
	s5 =	sadd.s32 s5, s6;
	[dreg:$0x0] =	wrdreg $0x0  }
0xaa: {  	s6 =	sshll.u32 s28, $0x1;
	[dreg:$0x2] =	wrdreg s5  }
0xab: {  	[dreg:$0x3] =	wrdreg s6  }
0xac: {  	[dreg:$0x4] =	wrdreg $0xC0  }
0xad: {  	_ =	task [dreg:s9], $0x5FFFF  }
0xae: {  	[dreg:$0x1] =	wrdreg $0xFFFFFFFF  }
0xaf: {  	[dreg:$0x0] =	wrdreg $0x60  }
0xb0: {  	[dreg:$0x2] =	wrdreg s2  }
0xb1: {  	[dreg:$0x3] =	wrdreg s19  }
0xb2: {  	[dreg:$0x4] =	wrdreg s4  }
0xb3: {  	[dreg:$0x5] =	wrdreg $0x9  }
0xb4: {  	_ =	task.clear_ibuf [dreg:s9], $0x6FFFF;
	_ =	strace $0x90000046  }
0xb5: {  	s29 =	simm.s32 $0x9;
	_ =	strace $0x80000048  }
0xb6: {  	_ =	swait.ge [sflag:s29], $0x1  }
0xb7: {  	[sflag:s29] =	ssyncadd.s32 $0xFFFFFFFF  }
0xb8: {  	_ =	strace $0x90000048  }
0xb9: {  	_ =	sfence  }
0xba: {  	s30 =	sld [smem:$0x0];
	_ =	sdelay $0x2  }
0xbb: {  	s31 =	sshll.u32 s1, $0xD;
	s1 =	sshrl.u32 s1, $0x2  }
0xbc: {  	s3 =	sand.u32 $0x4000, s31;
	s1 =	sadd.s32 s1, s30  }
0xbd: {  	s0 =	sor.u32 s3, s0;
	s1 =	sshll.u32 s1, $0x11  }
0xbe: {  	s0 =	sor.u32 s1, s0  }
0xbf: {  	s0 =	sadd.s32 $0x8F2B, s0  }
0xc0: {  	[sflag:s0] =	ssyncadd.remote.s32 $0x1  }
0xc1: {  	_ =	sfence.sel $0xFFFF  }
0xc2: {  	[dreg:$0x0] =	wrdreg $0xFFFFFFFF;
	(pc) =	sbr.abs _section_cstart, $3  }
0xc3: {  	[dreg:$0x1] =	wrdreg $0xFFFFFFFF  }
0xc4: {  	_ =	task.clear_ibuf [dreg:s9], $0x2FFFF;
	_ =	strace $0x9FFFFFFF  }
0xc5: {  	(tm) =	ssettm $0x7FFFFFFF  }
tec
execute0_lowered:
.L_overlay_start_1:
0x0: {  	(tag) =	ssettag $0x1  }
0x1: {  	s4 =	rddreg [dreg:$0x0]  }
0x2: {  	s1 =	rddreg [dreg:$0x1]  }
0x3: {  	s14 =	rddreg [dreg:$0x2];
	s2 =	srdreg.scid  }
0x4: {  	s0 =	rddreg [dreg:$0x3];
	s21 =	sand.u32 $0x1, s2  }
0x5: {  	s3 =	simm.s32 $0x0;
	s2 =	stileid.u32;
	s5 =	sshll.u32 s21, $0x6  }
0x6: {  	[smem:$0x7FF] =	sst s3;
	s6 =	sshll.u32 s2, $0x7;
	s4 =	sadd.s32 s4, s5  }
0x7: {  	_ =	strace $0x80000047;
	s5 =	simm.s32 $0x3;
	s4 =	sadd.s32 s6, s4  }
0x8: {  	[tilespmem:s3], [sflag:$0x3] =	stream.linear.gather [hbm4b:s4+s3], $0x200, $0x38;
	[tilespmem:$0x10200] =	vst v63  }
0x9: {  	_ =	swait.ge [sflag:s5], $0x200  }
0xa: {  	[sflag:s5] =	ssyncset.done $0x0  }
0xb: {  	s7 =	simm.s32 $0x200;
	s6 =	simm.s32 $0x80;
	[sflag:s5] =	ssyncadd.s32 $0xFFFFFE00  }
0xc: {  	[tilespmem:s7], [sflag:$0x1] =	stream.indirect.gather [hbm4b:s1+s6], $0x80, s3, s6, $0xb8;
	[tilespmem:$0x10200] =	vst v63  }
0xd: {  	s8 =	simm.s32 $0x4200  }
0xe: {  	[tilespmem:s8], [sflag:$0x1] =	stream.indirect.gather [hbm4b:s1+s6], $0x80, s6, s6, $0xb8;
	[tilespmem:$0x10200] =	vst v63  }
0xf: {  	s9 =	simm.s32 $0x100;
	s10 =	simm.s32 $0x8200  }
0x10: {  	[tilespmem:s10], [sflag:$0x1] =	stream.indirect.gather [hbm4b:s1+s6], $0x80, s9, s6, $0xb8;
	[tilespmem:$0x10200] =	vst v63  }
0x11: {  	s11 =	simm.s32 $0x180;
	s12 =	simm.s32 $0xC200;
	s13 =	simm.s32 $0x1  }
0x12: {  	[tilespmem:s12], [sflag:$0x1] =	stream.indirect.gather [hbm4b:s1+s6], $0x80, s11, s6, $0xb8;
	[tilespmem:$0x10200] =	vst v63  }
0x13: {  	s15 =	sshll.u32 s2, $0x10;
	s16 =	sshll.u32 s21, $0xF;
	_ =	swait.ge [sflag:s13], $0x4000  }
0x14: {  	s15 =	sor.u32 s16, s15;
	s16 =	simm.s32 $0x1000;
	[sflag:s13] =	ssyncset.done $0x0  }
0x15: {  	s14 =	sadd.s32 s14, s15;
	s15 =	simm.s32 $0x400;
	[sflag:s13] =	ssyncadd.s32 $0xFFFFC000  }
0x16: {  	[hbm4b:s14+s15] =	stream.strided.scatter [tilespmem:s7], [sflag:$0x2], $0x4000, s16, s15, $0x38;
	[tilespmem:$0x10200] =	vst v63  }
0x17: {  	_ =	swait.ge [sflag:s13], $0x4000  }
0x18: {  	[sflag:s13] =	ssyncset.done $0x0  }
0x19: {  	s17 =	sadd.s32 $0x2000, s14;
	[sflag:s13] =	ssyncadd.s32 $0xFFFFC000  }
0x1a: {  	[hbm4b:s17+s15] =	stream.strided.scatter [tilespmem:s8], [sflag:$0x2], $0x4000, s16, s15, $0x38;
	[tilespmem:$0x10200] =	vst v63  }
0x1b: {  	_ =	swait.ge [sflag:s13], $0x4000  }
0x1c: {  	[sflag:s13] =	ssyncset.done $0x0  }
0x1d: {  	s18 =	sadd.s32 $0x4000, s14;
	[sflag:s13] =	ssyncadd.s32 $0xFFFFC000  }
0x1e: {  	[hbm4b:s18+s15] =	stream.strided.scatter [tilespmem:s10], [sflag:$0x2], $0x4000, s16, s15, $0x38;
	[tilespmem:$0x10200] =	vst v63  }
0x1f: {  	_ =	swait.ge [sflag:s13], $0x4000  }
0x20: {  	[sflag:s13] =	ssyncset.done $0x0  }
0x21: {  	s19 =	simm.s32 $0x2;
	s20 =	sadd.s32 $0x6000, s14;
	[sflag:s13] =	ssyncadd.s32 $0xFFFFC000  }
0x22: {  	[hbm4b:s20+s15] =	stream.strided.scatter [tilespmem:s12], [sflag:$0x2], $0x4000, s16, s15, $0x38;
	[tilespmem:$0x10200] =	vst v63  }
0x23: {  	_ =	swait.ge [sflag:s19], $0x4000  }
0x24: {  	s21 =	ssub.s32 $0x2, s21;
	[sflag:s19] =	ssyncset.done $0x0  }
0x25: {  	s22 =	sshrl.u32 s21, $0x1;
	[sflag:s19] =	ssyncadd.s32 $0xFFFFC000  }
0x26: {  	s21 =	ssub.s32 s21, s22;
	_ =	swait.ge [sflag:s19], $0x4000  }
0x27: {  	s21 =	smax.u32 s21, $0x1;
	[sflag:s19] =	ssyncset.done $0x0  }
0x28: {  	p0 =	sne.s32 s21, $0x1;
	[sflag:s19] =	ssyncadd.s32 $0xFFFFC000  }
.Ltmp0:
0x29: {  	_ =	swait.ge [sflag:s19], $0x4000;
	(pc) =	sbr.rel @!p0 .LBB2_2-.Ltmp0, $4  }
0x2a: {  	[sflag:s19] =	ssyncset.done $0x0  }
0x2b: {  	[sflag:s19] =	ssyncadd.s32 $0xFFFFC000  }
0x2c: {  	_ =	swait.ge [sflag:s19], $0x4000  }
0x2d: {  	s21 =	sadd.s32 $0xFFFFFFFF, s21;
	[sflag:s19] =	ssyncset.done $0x0  }
.LBB2_1:
0x2e: {  	p0 =	sne.s32 s21, $0x1;
	s21 =	sadd.s32 $0xFFFFFFFF, s21;
	[sflag:s19] =	ssyncadd.s32 $0xFFFFC000  }
0x2f: {  	[tilespmem:s3], [sflag:$0x3] =	stream.linear.gather [hbm4b:s4+s3], $0x200, $0x38;
	[tilespmem:$0x10200] =	vst v63  }
0x30: {  	_ =	swait.ge [sflag:s5], $0x200  }
0x31: {  	[sflag:s5] =	ssyncset.done $0x0  }
0x32: {  	[sflag:s5] =	ssyncadd.s32 $0xFFFFFE00  }
0x33: {  	[tilespmem:s7], [sflag:$0x1] =	stream.indirect.gather [hbm4b:s1+s6], $0x80, s3, s6, $0xb8;
	[tilespmem:$0x10200] =	vst v63  }
0x34: {  	_ = 	snop  }
0x35: {  	[tilespmem:s8], [sflag:$0x1] =	stream.indirect.gather [hbm4b:s1+s6], $0x80, s6, s6, $0xb8;
	[tilespmem:$0x10200] =	vst v63  }
0x36: {  	_ = 	snop  }
0x37: {  	[tilespmem:s10], [sflag:$0x1] =	stream.indirect.gather [hbm4b:s1+s6], $0x80, s9, s6, $0xb8;
	[tilespmem:$0x10200] =	vst v63  }
0x38: {  	_ = 	snop  }
0x39: {  	[tilespmem:s12], [sflag:$0x1] =	stream.indirect.gather [hbm4b:s1+s6], $0x80, s11, s6, $0xb8;
	[tilespmem:$0x10200] =	vst v63  }
0x3a: {  	_ =	swait.ge [sflag:s13], $0x4000  }
0x3b: {  	[sflag:s13] =	ssyncset.done $0x0  }
0x3c: {  	[sflag:s13] =	ssyncadd.s32 $0xFFFFC000  }
0x3d: {  	[hbm4b:s14+s15] =	stream.strided.scatter [tilespmem:s7], [sflag:$0x2], $0x4000, s16, s15, $0x38;
	[tilespmem:$0x10200] =	vst v63  }
0x3e: {  	_ =	swait.ge [sflag:s13], $0x4000  }
0x3f: {  	[sflag:s13] =	ssyncset.done $0x0  }
0x40: {  	[sflag:s13] =	ssyncadd.s32 $0xFFFFC000  }
0x41: {  	[hbm4b:s17+s15] =	stream.strided.scatter [tilespmem:s8], [sflag:$0x2], $0x4000, s16, s15, $0x38;
	[tilespmem:$0x10200] =	vst v63  }
0x42: {  	_ =	swait.ge [sflag:s13], $0x4000  }
0x43: {  	[sflag:s13] =	ssyncset.done $0x0  }
0x44: {  	[sflag:s13] =	ssyncadd.s32 $0xFFFFC000  }
0x45: {  	[hbm4b:s18+s15] =	stream.strided.scatter [tilespmem:s10], [sflag:$0x2], $0x4000, s16, s15, $0x38;
	[tilespmem:$0x10200] =	vst v63  }
0x46: {  	_ =	swait.ge [sflag:s13], $0x4000  }
0x47: {  	[sflag:s13] =	ssyncset.done $0x0  }
0x48: {  	[sflag:s13] =	ssyncadd.s32 $0xFFFFC000  }
0x49: {  	[hbm4b:s20+s15] =	stream.strided.scatter [tilespmem:s12], [sflag:$0x2], $0x4000, s16, s15, $0x38;
	[tilespmem:$0x10200] =	vst v63  }
0x4a: {  	_ =	swait.ge [sflag:s19], $0x4000  }
0x4b: {  	[sflag:s19] =	ssyncset.done $0x0  }
0x4c: {  	[sflag:s19] =	ssyncadd.s32 $0xFFFFC000  }
0x4d: {  	_ =	swait.ge [sflag:s19], $0x4000  }
0x4e: {  	[sflag:s19] =	ssyncset.done $0x0  }
0x4f: {  	[sflag:s19] =	ssyncadd.s32 $0xFFFFC000  }
.Ltmp1:
0x50: {  	_ =	swait.ge [sflag:s19], $0x4000;
	(pc) =	sbr.rel @p0 .LBB2_1-.Ltmp1, $4  }
0x51: {  	[sflag:s19] =	ssyncset.done $0x0  }
0x52: {  	[sflag:s19] =	ssyncadd.s32 $0xFFFFC000  }
0x53: {  	_ =	swait.ge [sflag:s19], $0x4000  }
0x54: {  	[sflag:s19] =	ssyncset.done $0x0  }
.LBB2_2:
0x55: {  	[sflag:s19] =	ssyncadd.s32 $0xFFFFC000  }
0x56: {  	_ =	sfence.sel $0x180000  }
0x57: {  	[bflag:$0x0] =	sbarrier.arrive $0xFFFF  }
0x58: {  	p0 =	sne.s32 s2, $0x0;
	_ =	strace $0x90000047  }
0x59: {  	s0 =	sadd.s32 @!p0 $0x100000, s0;
	[bflag:$0x2] =	sbarrier.arrive $0xFFFF  }
0x5a: {  	[sflag:s0] =	ssyncadd.tile.s32 @!p0 $0x1;
	_ =	shalt  }
.Lfunc_end2:
_tile_overlayer_lowered:
.L_overlay_start_2:
0x5b: {  	(tag) =	ssettag $0x2  }
0x5c: {  	s0 =	rddreg [dreg:$0x0];
	s2 =	stileid.u32  }
0x5d: {  	s1 =	rddreg [dreg:$0x1];
	p0 =	sne.s32 s2, $0x0  }
0x5e: {  	s3 =	rddreg [dreg:$0x2];
	[bflag:$0x3] =	sbarrier.arrive $0xFFFF;
	s2 =	simm.s32 @!p0 $0x1C03  }
0x5f: {  	[timem:s3], [sflag:s2] =	dma.local @!p0 [hbm:s0], s1  }
0x60: {  	s0 =	simm.s32 @!p0 $0x3  }
0x61: {  	_ =	swait.ge @!p0 [sflag:s0], s1  }
0x62: {  	s1 =	ssub.s32 @!p0 $0x0, s1;
	[sflag:s0] =	ssyncset.done @!p0 $0x0  }
0x63: {  	[sflag:s0] =	ssyncadd.s32 @!p0 s1  }
0x64: {  	[bflag:$0x3] =	sbarrier.arrive $0xFFFF  }
0x65: {  	_ =	shalt  }

</sc_bundles>
